<compile_context>
chip_gen: v7x
topology: tpu7x:2x2x1
jax: 0.10.2.dev20260603
libtpu: 0.0.44.dev20260713+nightly
codegen_flags: <defaults>
</compile_context>

<pallas_src>
import functools

import jax
import jax.numpy as jnp
import numpy as np
from jax import lax
from jax.experimental import pallas as pl
from jax.experimental.pallas import tpu as pltpu
from jax.experimental.pallas import tpu_sc as plsc

NC = 2
NS = 16
NW = NC * NS
LANES = 16

ROWS = 128
COLS = 32768
SC_ROWS = 64
ROWS_PER_W = SC_ROWS // NW

ACC = 4
UNROLL = 4
CHUNK = 16384
VREGS_PER_STEP = ACC * UNROLL
STEPS_PER_CHUNK = CHUNK // (VREGS_PER_STEP * LANES)

_INT_MAX = np.int32(2147483647)


@functools.partial(
    pl.kernel,
    mesh=plsc.VectorSubcoreMesh(core_axis_name="c", subcore_axis_name="s"),
    out_type=jax.ShapeDtypeStruct((NW, LANES), jnp.int32),
    compiler_params=pltpu.CompilerParams(needs_layout_passes=False),
    scratch_types=[
        pltpu.VMEM((CHUNK,), jnp.float32),
        pltpu.VMEM((CHUNK,), jnp.float32),
        pltpu.VMEM((LANES,), jnp.int32),
        pltpu.SemaphoreType.DMA,
        pltpu.SemaphoreType.DMA,
    ],
)
def _argmax_sc(x_hbm, out_hbm, buf0, buf1, res_ref, sem0, sem1):
    bufs = (buf0, buf1)
    sems = (sem0, sem1)
    wid = lax.axis_index("s") * NC + lax.axis_index("c")
    base_row = wid * ROWS_PER_W
    lane = lax.iota(jnp.int32, LANES)

    def chunk_src(c):
        return x_hbm.at[base_row + c // 2, pl.ds((c % 2) * CHUNK, CHUNK)]

    pltpu.async_copy(chunk_src(0), buf0, sem0)
    pltpu.async_copy(chunk_src(1), buf1, sem1)

    neg_inf = jnp.full((LANES,), -jnp.inf, jnp.float32)
    zero_i = jnp.zeros((LANES,), jnp.int32)

    def row_body(j, res):
        best = [neg_inf] * ACC
        bidx = [zero_i] * ACC
        idx = [lane + a * LANES for a in range(ACC)]

        for half in range(2):
            c = 2 * j + half
            buf = bufs[half]
            pltpu.make_async_copy(chunk_src(c), buf, sems[half]).wait()

            def step(i, carry, buf=buf):
                best, bidx, idx = list(carry[0]), list(carry[1]), list(carry[2])
                for u in range(UNROLL):
                    for a in range(ACC):
                        k = i * VREGS_PER_STEP + u * ACC + a
                        v = buf[pl.ds(k * LANES, LANES)]
                        m = v > best[a]
                        best[a] = jnp.where(m, v, best[a])
                        bidx[a] = jnp.where(m, idx[a], bidx[a])
                        idx[a] = idx[a] + ACC * LANES
                return tuple(best), tuple(bidx), tuple(idx)

            carry = lax.fori_loop(
                0, STEPS_PER_CHUNK, step, (tuple(best), tuple(bidx), tuple(idx))
            )
            best, bidx, idx = list(carry[0]), list(carry[1]), list(carry[2])

            @pl.when(j < ROWS_PER_W - 1)
            def _issue(c=c, half=half):
                pltpu.async_copy(chunk_src(c + 2), bufs[half], sems[half])

        def merge(b1, i1, b2, i2):
            m = (b2 > b1) | ((b2 == b1) & (i2 < i1))
            return jnp.where(m, b2, b1), jnp.where(m, i2, i1)

        b01, i01 = merge(best[0], bidx[0], best[1], bidx[1])
        b23, i23 = merge(best[2], bidx[2], best[3], bidx[3])
        ball, iall = merge(b01, i01, b23, i23)

        row_max = jnp.max(ball)
        cand = jnp.where(ball == row_max, iall, _INT_MAX)
        row_arg = jnp.min(cand)
        return jnp.where(lane == j, row_arg, res)

    res = lax.fori_loop(0, ROWS_PER_W, row_body, jnp.zeros((LANES,), jnp.int32))

    res_ref[...] = res
    pltpu.sync_copy(res_ref, out_hbm.at[wid])


RB = 8
W = 128
NT = COLS // W
TC_ROWS = ROWS - SC_ROWS
TC_BLOCK_OFF = SC_ROWS // RB


def _tc_body(x_ref, o_ref):
    col0 = jax.lax.broadcasted_iota(jnp.int32, (RB, W), 1)
    vals = [x_ref[:, pl.ds(t * W, W)] for t in range(NT)]
    idxs = [col0 + t * W for t in range(NT)]
    while len(vals) > 1:
        nv, ni = [], []
        for av, ai, bv, bi in zip(vals[::2], idxs[::2], vals[1::2], idxs[1::2]):
            m = bv > av
            nv.append(jnp.where(m, bv, av))
            ni.append(jnp.where(m, bi, ai))
        vals, idxs = nv, ni
    v, i = vals[0], idxs[0]
    rowmax = jnp.max(v, axis=1, keepdims=True)
    cand = jnp.where(v == rowmax, i, _INT_MAX)
    o_ref[...] = jnp.min(cand, axis=1).reshape(1, 1, RB)


def _argmax_tc(x):
    return pl.pallas_call(
        _tc_body,
        grid=(TC_ROWS // RB,),
        in_specs=[pl.BlockSpec((RB, COLS), lambda i: (i + TC_BLOCK_OFF, 0))],
        out_specs=pl.BlockSpec((1, 1, RB), lambda i: (i, 0, 0)),
        out_shape=jax.ShapeDtypeStruct((TC_ROWS // RB, 1, RB), jnp.int32),
        compiler_params=pltpu.CompilerParams(
            dimension_semantics=("arbitrary",),
        ),
    )(x)


def kernel(x):
    sc_out = _argmax_sc(x)
    tc_out = _argmax_tc(x)
    sc_part = sc_out[:, :ROWS_PER_W].reshape(SC_ROWS)
    tc_part = tc_out.reshape(TC_ROWS)
    return jnp.concatenate([sc_part, tc_part]).astype(jnp.int64)

# --- scband reference (transcript-rebuilt; emitter-appended) ---
"""Pipeline reference for scband-arg-max-76390288327158 (READ-ONLY COPY).

The authoritative reference and input builder live on the scoring server;
editing this copy changes nothing except your own understanding.
"""

import jax, jax.numpy as jnp
import numpy as np


def setup_inputs(seed: int = 0) -> dict:
    key = jax.random.key(seed)
    x = jax.random.normal(key, (128, 32768), dtype=jnp.float32)
    return {"x": x}


def reference(x):
    return jnp.argmax(x, axis=-1).astype(jnp.int64)

if __name__ == "__main__":
    import jax
    _d = setup_inputs()
    print(jax.jit(kernel)(*tuple(_d.values())))

</pallas_src>

<mosaic_0001>
#map = affine_map<(d0, d1) -> (0, 0)>
module attributes {stable_mosaic.version = 14 : i64} {
  func.func @_argmax_sc(%arg0: i32, %arg1: i32, %arg2: memref<128x32768xf32, #tpu.memory_space<hbm>>, %arg3: memref<32x16xi32, #tpu.memory_space<hbm>>, %arg4: memref<16384xf32, #tpu.memory_space<vmem>>, %arg5: memref<16384xf32, #tpu.memory_space<vmem>>, %arg6: memref<16xi32, #tpu.memory_space<vmem>>, %arg7: memref<!tpu.dma_semaphore, #tpu.memory_space<semaphore_mem>>, %arg8: memref<!tpu.dma_semaphore, #tpu.memory_space<semaphore_mem>>) attributes {dimension_semantics = [#tpu.dimension_semantics<core_parallel>, #tpu.dimension_semantics<subcore_parallel>], iteration_bounds = array<i64: 2, 16>, scalar_prefetch = 0 : i64, scratch_operands = 5 : i64, tpu.core_type = #tpu.core_type<sc_vector_subcore>, window_params = [{transform_indices = #map}, {transform_indices = #map}]} {
    %mul3A = arith.constant 2 : i32
    %mul3A_0 = arith.muli %arg1, %mul3A : i32
    %add3A = arith.addi %mul3A_0, %arg0 : i32
    %mul3A_1 = arith.constant 2 : i32
    %mul3A_2 = arith.muli %add3A, %mul3A_1 : i32
    %iota3A = tpu.iota {dimensions = array<i32: 0>} : vector<16xi32>
    %add3A_3 = arith.constant 0 : i32
    %add3A_4 = arith.addi %mul3A_2, %add3A_3 : i32
    %dma_start3A = arith.constant 0 : i32
    %dma_start3A_5 = tpu.memref_slice %arg2[%add3A_4, %dma_start3A] : memref<128x32768xf32, #tpu.memory_space<hbm>> -> memref<1x16384xf32, #tpu.memory_space<hbm>>
    %dma_start3A_6 = tpu.memref_squeeze %dma_start3A_5 : memref<1x16384xf32, #tpu.memory_space<hbm>> -> memref<16384xf32, #tpu.memory_space<hbm>>
    %dma_start3A_7 = arith.constant 0 : i32
    %dma_start3A_8 = tpu.memref_slice %arg2[%add3A_4, %dma_start3A_7] : memref<128x32768xf32, #tpu.memory_space<hbm>> -> memref<1x16384xf32, #tpu.memory_space<hbm>>
    %dma_start3A_9 = tpu.memref_squeeze %dma_start3A_8 : memref<1x16384xf32, #tpu.memory_space<hbm>> -> memref<16384xf32, #tpu.memory_space<hbm>>
    tpu.enqueue_dma source(%dma_start3A_9 : memref<16384xf32, #tpu.memory_space<hbm>>) target(%arg4 : memref<16384xf32, #tpu.memory_space<vmem>>) target_semaphore(%arg7 : memref<!tpu.dma_semaphore, #tpu.memory_space<semaphore_mem>>)
    %add3A_10 = arith.constant 0 : i32
    %add3A_11 = arith.addi %mul3A_2, %add3A_10 : i32
    %dma_start3A_12 = arith.constant 16384 : i32
    %dma_start3A_13 = tpu.memref_slice %arg2[%add3A_11, %dma_start3A_12] : memref<128x32768xf32, #tpu.memory_space<hbm>> -> memref<1x16384xf32, #tpu.memory_space<hbm>>
    %dma_start3A_14 = tpu.memref_squeeze %dma_start3A_13 : memref<1x16384xf32, #tpu.memory_space<hbm>> -> memref<16384xf32, #tpu.memory_space<hbm>>
    %dma_start3A_15 = arith.constant 16384 : i32
    %dma_start3A_16 = tpu.memref_slice %arg2[%add3A_11, %dma_start3A_15] : memref<128x32768xf32, #tpu.memory_space<hbm>> -> memref<1x16384xf32, #tpu.memory_space<hbm>>
    %dma_start3A_17 = tpu.memref_squeeze %dma_start3A_16 : memref<1x16384xf32, #tpu.memory_space<hbm>> -> memref<16384xf32, #tpu.memory_space<hbm>>
    tpu.enqueue_dma source(%dma_start3A_17 : memref<16384xf32, #tpu.memory_space<hbm>>) target(%arg5 : memref<16384xf32, #tpu.memory_space<vmem>>) target_semaphore(%arg8 : memref<!tpu.dma_semaphore, #tpu.memory_space<semaphore_mem>>)
    %broadcast_in_dim3A = arith.constant 0xFF800000 : f32
    %broadcast_in_dim3A_18 = vector.broadcast %broadcast_in_dim3A : f32 to vector<16xf32>
    %broadcast_in_dim3A_19 = arith.constant 0 : i32
    %broadcast_in_dim3A_20 = vector.broadcast %broadcast_in_dim3A_19 : i32 to vector<16xi32>
    %broadcast_in_dim3A_21 = arith.constant 0 : i32
    %broadcast_in_dim3A_22 = vector.broadcast %broadcast_in_dim3A_21 : i32 to vector<16xi32>
    %scan3A = arith.constant 0 : i32
    %scan3A_23 = arith.constant 2 : i32
    %scan3A_24 = arith.addi %scan3A, %scan3A_23 : i32
    %scan3A_25 = arith.constant 1 : i32
    %scan3A_26 = scf.for %scan3A_29 = %scan3A to %scan3A_24 step %scan3A_25 iter_args(%scan3A_30 = %broadcast_in_dim3A_22) -> (vector<16xi32>)  : i32 {
      %add3A_31 = arith.constant 0 : i32
      %add3A_32 = vector.broadcast %add3A_31 : i32 to vector<16xi32>
      %add3A_33 = arith.addi %iota3A, %add3A_32 : vector<16xi32>
      %add3A_34 = arith.constant 16 : i32
      %add3A_35 = vector.broadcast %add3A_34 : i32 to vector<16xi32>
      %add3A_36 = arith.addi %iota3A, %add3A_35 : vector<16xi32>
      %add3A_37 = arith.constant 32 : i32
      %add3A_38 = vector.broadcast %add3A_37 : i32 to vector<16xi32>
      %add3A_39 = arith.addi %iota3A, %add3A_38 : vector<16xi32>
      %add3A_40 = arith.constant 48 : i32
      %add3A_41 = vector.broadcast %add3A_40 : i32 to vector<16xi32>
      %add3A_42 = arith.addi %iota3A, %add3A_41 : vector<16xi32>
      %mul3A_43 = arith.constant 2 : i32
      %mul3A_44 = arith.muli %mul3A_43, %scan3A_29 : i32
      %add3A_45 = arith.constant 0 : i32
      %add3A_46 = arith.addi %mul3A_44, %add3A_45 : i32
      %jit3A = arith.constant 2 : i32
      %div3A = arith.divsi %add3A_46, %jit3A : i32
      %sign3A = arith.constant 0 : i32
      %sign3A_47 = arith.cmpi sgt, %add3A_46, %sign3A : i32
      %sign3A_48 = arith.extui %sign3A_47 : i1 to i32
      %sign3A_49 = arith.constant 0 : i32
      %sign3A_50 = arith.cmpi slt, %add3A_46, %sign3A_49 : i32
      %sign3A_51 = arith.extui %sign3A_50 : i1 to i32
      %sign3A_52 = arith.subi %sign3A_48, %sign3A_51 : i32
      %sign3A_53 = arith.constant 0 : i32
      %sign3A_54 = arith.cmpi sgt, %jit3A, %sign3A_53 : i32
      %sign3A_55 = arith.extui %sign3A_54 : i1 to i32
      %sign3A_56 = arith.constant 0 : i32
      %sign3A_57 = arith.cmpi slt, %jit3A, %sign3A_56 : i32
      %sign3A_58 = arith.extui %sign3A_57 : i1 to i32
      %sign3A_59 = arith.subi %sign3A_55, %sign3A_58 : i32
      %ne3A = arith.cmpi ne, %sign3A_52, %sign3A_59 : i32
      %rem3A = arith.remsi %add3A_46, %jit3A : i32
      %ne3A_60 = arith.constant 0 : i32
      %ne3A_61 = arith.cmpi ne, %rem3A, %ne3A_60 : i32
      %and3A = arith.andi %ne3A, %ne3A_61 : i1
      %sub3A = arith.constant 1 : i32
      %sub3A_62 = arith.subi %div3A, %sub3A : i32
      %select_n3A = arith.select %and3A, %sub3A_62, %div3A : i32
      %add3A_63 = arith.addi %mul3A_2, %select_n3A : i32
      %jit3A_64 = arith.constant 2 : i32
      %eq3A = arith.constant 0 : i32
      %eq3A_65 = arith.cmpi eq, %jit3A_64, %eq3A : i32
      %jit3A_66 = arith.constant 1 : i32
      %select_n3A_67 = arith.select %eq3A_65, %jit3A_66, %jit3A_64 : i32
      %rem3A_68 = arith.remsi %add3A_46, %select_n3A_67 : i32
      %ne3A_69 = arith.constant 0 : i32
      %ne3A_70 = arith.cmpi ne, %rem3A_68, %ne3A_69 : i32
      %lt3A = arith.constant 0 : i32
      %lt3A_71 = arith.cmpi slt, %rem3A_68, %lt3A : i32
      %lt3A_72 = arith.constant 0 : i32
      %lt3A_73 = arith.cmpi slt, %select_n3A_67, %lt3A_72 : i32
      %ne3A_74 = arith.xori %lt3A_71, %lt3A_73 : i1
      %and3A_75 = arith.andi %ne3A_74, %ne3A_70 : i1
      %add3A_76 = arith.addi %rem3A_68, %select_n3A_67 : i32
      %select_n3A_77 = arith.select %and3A_75, %add3A_76, %rem3A_68 : i32
      %mul3A_78 = arith.constant 16384 : i32
      %mul3A_79 = arith.muli %select_n3A_77, %mul3A_78 : i32
      %dma_wait3A = tpu.memref_slice %arg2[%add3A_63, %mul3A_79] : memref<128x32768xf32, #tpu.memory_space<hbm>> -> memref<1x16384xf32, #tpu.memory_space<hbm>>
      %dma_wait3A_80 = tpu.memref_squeeze %dma_wait3A : memref<1x16384xf32, #tpu.memory_space<hbm>> -> memref<16384xf32, #tpu.memory_space<hbm>>
      %dma_wait3A_81 = tpu.memref_slice %arg2[%add3A_63, %mul3A_79] : memref<128x32768xf32, #tpu.memory_space<hbm>> -> memref<1x16384xf32, #tpu.memory_space<hbm>>
      %dma_wait3A_82 = tpu.memref_squeeze %dma_wait3A_81 : memref<1x16384xf32, #tpu.memory_space<hbm>> -> memref<16384xf32, #tpu.memory_space<hbm>>
      tpu.wait_dma2 semaphore(%arg7 : memref<!tpu.dma_semaphore, #tpu.memory_space<semaphore_mem>>) src(%dma_wait3A_82 : memref<16384xf32, #tpu.memory_space<hbm>>) dst(%arg4 : memref<16384xf32, #tpu.memory_space<vmem>>)
      %scan3A_83 = arith.constant 0 : i32
      %scan3A_84 = arith.constant 64 : i32
      %scan3A_85 = arith.addi %scan3A_83, %scan3A_84 : i32
      %scan3A_86 = arith.constant 1 : i32
      %scan3A_87:12 = scf.for %scan3A_192 = %scan3A_83 to %scan3A_85 step %scan3A_86 iter_args(%scan3A_193 = %broadcast_in_dim3A_18, %scan3A_194 = %broadcast_in_dim3A_18, %scan3A_195 = %broadcast_in_dim3A_18, %scan3A_196 = %broadcast_in_dim3A_18, %scan3A_197 = %broadcast_in_dim3A_20, %scan3A_198 = %broadcast_in_dim3A_20, %scan3A_199 = %broadcast_in_dim3A_20, %scan3A_200 = %broadcast_in_dim3A_20, %scan3A_201 = %add3A_33, %scan3A_202 = %add3A_36, %scan3A_203 = %add3A_39, %scan3A_204 = %add3A_42) -> (vector<16xf32>, vector<16xf32>, vector<16xf32>, vector<16xf32>, vector<16xi32>, vector<16xi32>, vector<16xi32>, vector<16xi32>, vector<16xi32>, vector<16xi32>, vector<16xi32>, vector<16xi32>)  : i32 {
        %mul3A_205 = arith.constant 16 : i32
        %mul3A_206 = arith.muli %scan3A_192, %mul3A_205 : i32
        %add3A_207 = arith.constant 0 : i32
        %add3A_208 = arith.addi %mul3A_206, %add3A_207 : i32
        %add3A_209 = arith.constant 0 : i32
        %add3A_210 = arith.addi %add3A_208, %add3A_209 : i32
        %mul3A_211 = arith.constant 16 : i32
        %mul3A_212 = arith.muli %add3A_210, %mul3A_211 : i32
        %get3A = arith.index_cast %mul3A_212 : i32 to index
        %get3A_213 = tpu.vector_load %arg4[%get3A] {strides = array<i32>} : memref<16384xf32, #tpu.memory_space<vmem>>, vector<16xf32>,
        %gt3A_214 = arith.cmpf ogt, %get3A_213, %scan3A_193 : vector<16xf32>
        %select_n3A_215 = arith.select %gt3A_214, %get3A_213, %scan3A_193 : vector<16xi1>, vector<16xf32>
        %select_n3A_216 = arith.select %gt3A_214, %scan3A_201, %scan3A_197 : vector<16xi1>, vector<16xi32>
        %add3A_217 = arith.constant 64 : i32
        %add3A_218 = vector.broadcast %add3A_217 : i32 to vector<16xi32>
        %add3A_219 = arith.addi %scan3A_201, %add3A_218 : vector<16xi32>
        %mul3A_220 = arith.constant 16 : i32
        %mul3A_221 = arith.muli %scan3A_192, %mul3A_220 : i32
        %add3A_222 = arith.constant 0 : i32
        %add3A_223 = arith.addi %mul3A_221, %add3A_222 : i32
        %add3A_224 = arith.constant 1 : i32
        %add3A_225 = arith.addi %add3A_223, %add3A_224 : i32
        %mul3A_226 = arith.constant 16 : i32
        %mul3A_227 = arith.muli %add3A_225, %mul3A_226 : i32
        %get3A_228 = arith.index_cast %mul3A_227 : i32 to index
        %get3A_229 = tpu.vector_load %arg4[%get3A_228] {strides = array<i32>} : memref<16384xf32, #tpu.memory_space<vmem>>, vector<16xf32>,
        %gt3A_230 = arith.cmpf ogt, %get3A_229, %scan3A_194 : vector<16xf32>
        %select_n3A_231 = arith.select %gt3A_230, %get3A_229, %scan3A_194 : vector<16xi1>, vector<16xf32>
        %select_n3A_232 = arith.select %gt3A_230, %scan3A_202, %scan3A_198 : vector<16xi1>, vector<16xi32>
        %add3A_233 = arith.constant 64 : i32
        %add3A_234 = vector.broadcast %add3A_233 : i32 to vector<16xi32>
        %add3A_235 = arith.addi %scan3A_202, %add3A_234 : vector<16xi32>
        %mul3A_236 = arith.constant 16 : i32
        %mul3A_237 = arith.muli %scan3A_192, %mul3A_236 : i32
        %add3A_238 = arith.constant 0 : i32
        %add3A_239 = arith.addi %mul3A_237, %add3A_238 : i32
        %add3A_240 = arith.constant 2 : i32
        %add3A_241 = arith.addi %add3A_239, %add3A_240 : i32
        %mul3A_242 = arith.constant 16 : i32
        %mul3A_243 = arith.muli %add3A_241, %mul3A_242 : i32
        %get3A_244 = arith.index_cast %mul3A_243 : i32 to index
        %get3A_245 = tpu.vector_load %arg4[%get3A_244] {strides = array<i32>} : memref<16384xf32, #tpu.memory_space<vmem>>, vector<16xf32>,
        %gt3A_246 = arith.cmpf ogt, %get3A_245, %scan3A_195 : vector<16xf32>
        %select_n3A_247 = arith.select %gt3A_246, %get3A_245, %scan3A_195 : vector<16xi1>, vector<16xf32>
        %select_n3A_248 = arith.select %gt3A_246, %scan3A_203, %scan3A_199 : vector<16xi1>, vector<16xi32>
        %add3A_249 = arith.constant 64 : i32
        %add3A_250 = vector.broadcast %add3A_249 : i32 to vector<16xi32>
        %add3A_251 = arith.addi %scan3A_203, %add3A_250 : vector<16xi32>
        %mul3A_252 = arith.constant 16 : i32
        %mul3A_253 = arith.muli %scan3A_192, %mul3A_252 : i32
        %add3A_254 = arith.constant 0 : i32
        %add3A_255 = arith.addi %mul3A_253, %add3A_254 : i32
        %add3A_256 = arith.constant 3 : i32
        %add3A_257 = arith.addi %add3A_255, %add3A_256 : i32
        %mul3A_258 = arith.constant 16 : i32
        %mul3A_259 = arith.muli %add3A_257, %mul3A_258 : i32
        %get3A_260 = arith.index_cast %mul3A_259 : i32 to index
        %get3A_261 = tpu.vector_load %arg4[%get3A_260] {strides = array<i32>} : memref<16384xf32, #tpu.memory_space<vmem>>, vector<16xf32>,
        %gt3A_262 = arith.cmpf ogt, %get3A_261, %scan3A_196 : vector<16xf32>
        %select_n3A_263 = arith.select %gt3A_262, %get3A_261, %scan3A_196 : vector<16xi1>, vector<16xf32>
        %select_n3A_264 = arith.select %gt3A_262, %scan3A_204, %scan3A_200 : vector<16xi1>, vector<16xi32>
        %add3A_265 = arith.constant 64 : i32
        %add3A_266 = vector.broadcast %add3A_265 : i32 to vector<16xi32>
        %add3A_267 = arith.addi %scan3A_204, %add3A_266 : vector<16xi32>
        %mul3A_268 = arith.constant 16 : i32
        %mul3A_269 = arith.muli %scan3A_192, %mul3A_268 : i32
        %add3A_270 = arith.constant 4 : i32
        %add3A_271 = arith.addi %mul3A_269, %add3A_270 : i32
        %add3A_272 = arith.constant 0 : i32
        %add3A_273 = arith.addi %add3A_271, %add3A_272 : i32
        %mul3A_274 = arith.constant 16 : i32
        %mul3A_275 = arith.muli %add3A_273, %mul3A_274 : i32
        %get3A_276 = arith.index_cast %mul3A_275 : i32 to index
        %get3A_277 = tpu.vector_load %arg4[%get3A_276] {strides = array<i32>} : memref<16384xf32, #tpu.memory_space<vmem>>, vector<16xf32>,
        %gt3A_278 = arith.cmpf ogt, %get3A_277, %select_n3A_215 : vector<16xf32>
        %select_n3A_279 = arith.select %gt3A_278, %get3A_277, %select_n3A_215 : vector<16xi1>, vector<16xf32>
        %select_n3A_280 = arith.select %gt3A_278, %add3A_219, %select_n3A_216 : vector<16xi1>, vector<16xi32>
        %add3A_281 = arith.constant 64 : i32
        %add3A_282 = vector.broadcast %add3A_281 : i32 to vector<16xi32>
        %add3A_283 = arith.addi %add3A_219, %add3A_282 : vector<16xi32>
        %mul3A_284 = arith.constant 16 : i32
        %mul3A_285 = arith.muli %scan3A_192, %mul3A_284 : i32
        %add3A_286 = arith.constant 4 : i32
        %add3A_287 = arith.addi %mul3A_285, %add3A_286 : i32
        %add3A_288 = arith.constant 1 : i32
        %add3A_289 = arith.addi %add3A_287, %add3A_288 : i32
        %mul3A_290 = arith.constant 16 : i32
        %mul3A_291 = arith.muli %add3A_289, %mul3A_290 : i32
        %get3A_292 = arith.index_cast %mul3A_291 : i32 to index
        %get3A_293 = tpu.vector_load %arg4[%get3A_292] {strides = array<i32>} : memref<16384xf32, #tpu.memory_space<vmem>>, vector<16xf32>,
        %gt3A_294 = arith.cmpf ogt, %get3A_293, %select_n3A_231 : vector<16xf32>
        %select_n3A_295 = arith.select %gt3A_294, %get3A_293, %select_n3A_231 : vector<16xi1>, vector<16xf32>
        %select_n3A_296 = arith.select %gt3A_294, %add3A_235, %select_n3A_232 : vector<16xi1>, vector<16xi32>
        %add3A_297 = arith.constant 64 : i32
        %add3A_298 = vector.broadcast %add3A_297 : i32 to vector<16xi32>
        %add3A_299 = arith.addi %add3A_235, %add3A_298 : vector<16xi32>
        %mul3A_300 = arith.constant 16 : i32
        %mul3A_301 = arith.muli %scan3A_192, %mul3A_300 : i32
        %add3A_302 = arith.constant 4 : i32
        %add3A_303 = arith.addi %mul3A_301, %add3A_302 : i32
        %add3A_304 = arith.constant 2 : i32
        %add3A_305 = arith.addi %add3A_303, %add3A_304 : i32
        %mul3A_306 = arith.constant 16 : i32
        %mul3A_307 = arith.muli %add3A_305, %mul3A_306 : i32
        %get3A_308 = arith.index_cast %mul3A_307 : i32 to index
        %get3A_309 = tpu.vector_load %arg4[%get3A_308] {strides = array<i32>} : memref<16384xf32, #tpu.memory_space<vmem>>, vector<16xf32>,
        %gt3A_310 = arith.cmpf ogt, %get3A_309, %select_n3A_247 : vector<16xf32>
        %select_n3A_311 = arith.select %gt3A_310, %get3A_309, %select_n3A_247 : vector<16xi1>, vector<16xf32>
        %select_n3A_312 = arith.select %gt3A_310, %add3A_251, %select_n3A_248 : vector<16xi1>, vector<16xi32>
        %add3A_313 = arith.constant 64 : i32
        %add3A_314 = vector.broadcast %add3A_313 : i32 to vector<16xi32>
        %add3A_315 = arith.addi %add3A_251, %add3A_314 : vector<16xi32>
        %mul3A_316 = arith.constant 16 : i32
        %mul3A_317 = arith.muli %scan3A_192, %mul3A_316 : i32
        %add3A_318 = arith.constant 4 : i32
        %add3A_319 = arith.addi %mul3A_317, %add3A_318 : i32
        %add3A_320 = arith.constant 3 : i32
        %add3A_321 = arith.addi %add3A_319, %add3A_320 : i32
        %mul3A_322 = arith.constant 16 : i32
        %mul3A_323 = arith.muli %add3A_321, %mul3A_322 : i32
        %get3A_324 = arith.index_cast %mul3A_323 : i32 to index
        %get3A_325 = tpu.vector_load %arg4[%get3A_324] {strides = array<i32>} : memref<16384xf32, #tpu.memory_space<vmem>>, vector<16xf32>,
        %gt3A_326 = arith.cmpf ogt, %get3A_325, %select_n3A_263 : vector<16xf32>
        %select_n3A_327 = arith.select %gt3A_326, %get3A_325, %select_n3A_263 : vector<16xi1>, vector<16xf32>
        %select_n3A_328 = arith.select %gt3A_326, %add3A_267, %select_n3A_264 : vector<16xi1>, vector<16xi32>
        %add3A_329 = arith.constant 64 : i32
        %add3A_330 = vector.broadcast %add3A_329 : i32 to vector<16xi32>
        %add3A_331 = arith.addi %add3A_267, %add3A_330 : vector<16xi32>
        %mul3A_332 = arith.constant 16 : i32
        %mul3A_333 = arith.muli %scan3A_192, %mul3A_332 : i32
        %add3A_334 = arith.constant 8 : i32
        %add3A_335 = arith.addi %mul3A_333, %add3A_334 : i32
        %add3A_336 = arith.constant 0 : i32
        %add3A_337 = arith.addi %add3A_335, %add3A_336 : i32
        %mul3A_338 = arith.constant 16 : i32
        %mul3A_339 = arith.muli %add3A_337, %mul3A_338 : i32
        %get3A_340 = arith.index_cast %mul3A_339 : i32 to index
        %get3A_341 = tpu.vector_load %arg4[%get3A_340] {strides = array<i32>} : memref<16384xf32, #tpu.memory_space<vmem>>, vector<16xf32>,
        %gt3A_342 = arith.cmpf ogt, %get3A_341, %select_n3A_279 : vector<16xf32>
        %select_n3A_343 = arith.select %gt3A_342, %get3A_341, %select_n3A_279 : vector<16xi1>, vector<16xf32>
        %select_n3A_344 = arith.select %gt3A_342, %add3A_283, %select_n3A_280 : vector<16xi1>, vector<16xi32>
        %add3A_345 = arith.constant 64 : i32
        %add3A_346 = vector.broadcast %add3A_345 : i32 to vector<16xi32>
        %add3A_347 = arith.addi %add3A_283, %add3A_346 : vector<16xi32>
        %mul3A_348 = arith.constant 16 : i32
        %mul3A_349 = arith.muli %scan3A_192, %mul3A_348 : i32
        %add3A_350 = arith.constant 8 : i32
        %add3A_351 = arith.addi %mul3A_349, %add3A_350 : i32
        %add3A_352 = arith.constant 1 : i32
        %add3A_353 = arith.addi %add3A_351, %add3A_352 : i32
        %mul3A_354 = arith.constant 16 : i32
        %mul3A_355 = arith.muli %add3A_353, %mul3A_354 : i32
        %get3A_356 = arith.index_cast %mul3A_355 : i32 to index
        %get3A_357 = tpu.vector_load %arg4[%get3A_356] {strides = array<i32>} : memref<16384xf32, #tpu.memory_space<vmem>>, vector<16xf32>,
        %gt3A_358 = arith.cmpf ogt, %get3A_357, %select_n3A_295 : vector<16xf32>
        %select_n3A_359 = arith.select %gt3A_358, %get3A_357, %select_n3A_295 : vector<16xi1>, vector<16xf32>
        %select_n3A_360 = arith.select %gt3A_358, %add3A_299, %select_n3A_296 : vector<16xi1>, vector<16xi32>
        %add3A_361 = arith.constant 64 : i32
        %add3A_362 = vector.broadcast %add3A_361 : i32 to vector<16xi32>
        %add3A_363 = arith.addi %add3A_299, %add3A_362 : vector<16xi32>
        %mul3A_364 = arith.constant 16 : i32
        %mul3A_365 = arith.muli %scan3A_192, %mul3A_364 : i32
        %add3A_366 = arith.constant 8 : i32
        %add3A_367 = arith.addi %mul3A_365, %add3A_366 : i32
        %add3A_368 = arith.constant 2 : i32
        %add3A_369 = arith.addi %add3A_367, %add3A_368 : i32
        %mul3A_370 = arith.constant 16 : i32
        %mul3A_371 = arith.muli %add3A_369, %mul3A_370 : i32
        %get3A_372 = arith.index_cast %mul3A_371 : i32 to index
        %get3A_373 = tpu.vector_load %arg4[%get3A_372] {strides = array<i32>} : memref<16384xf32, #tpu.memory_space<vmem>>, vector<16xf32>,
        %gt3A_374 = arith.cmpf ogt, %get3A_373, %select_n3A_311 : vector<16xf32>
        %select_n3A_375 = arith.select %gt3A_374, %get3A_373, %select_n3A_311 : vector<16xi1>, vector<16xf32>
        %select_n3A_376 = arith.select %gt3A_374, %add3A_315, %select_n3A_312 : vector<16xi1>, vector<16xi32>
        %add3A_377 = arith.constant 64 : i32
        %add3A_378 = vector.broadcast %add3A_377 : i32 to vector<16xi32>
        %add3A_379 = arith.addi %add3A_315, %add3A_378 : vector<16xi32>
        %mul3A_380 = arith.constant 16 : i32
        %mul3A_381 = arith.muli %scan3A_192, %mul3A_380 : i32
        %add3A_382 = arith.constant 8 : i32
        %add3A_383 = arith.addi %mul3A_381, %add3A_382 : i32
        %add3A_384 = arith.constant 3 : i32
        %add3A_385 = arith.addi %add3A_383, %add3A_384 : i32
        %mul3A_386 = arith.constant 16 : i32
        %mul3A_387 = arith.muli %add3A_385, %mul3A_386 : i32
        %get3A_388 = arith.index_cast %mul3A_387 : i32 to index
        %get3A_389 = tpu.vector_load %arg4[%get3A_388] {strides = array<i32>} : memref<16384xf32, #tpu.memory_space<vmem>>, vector<16xf32>,
        %gt3A_390 = arith.cmpf ogt, %get3A_389, %select_n3A_327 : vector<16xf32>
        %select_n3A_391 = arith.select %gt3A_390, %get3A_389, %select_n3A_327 : vector<16xi1>, vector<16xf32>
        %select_n3A_392 = arith.select %gt3A_390, %add3A_331, %select_n3A_328 : vector<16xi1>, vector<16xi32>
        %add3A_393 = arith.constant 64 : i32
        %add3A_394 = vector.broadcast %add3A_393 : i32 to vector<16xi32>
        %add3A_395 = arith.addi %add3A_331, %add3A_394 : vector<16xi32>
        %mul3A_396 = arith.constant 16 : i32
        %mul3A_397 = arith.muli %scan3A_192, %mul3A_396 : i32
        %add3A_398 = arith.constant 12 : i32
        %add3A_399 = arith.addi %mul3A_397, %add3A_398 : i32
        %add3A_400 = arith.constant 0 : i32
        %add3A_401 = arith.addi %add3A_399, %add3A_400 : i32
        %mul3A_402 = arith.constant 16 : i32
        %mul3A_403 = arith.muli %add3A_401, %mul3A_402 : i32
        %get3A_404 = arith.index_cast %mul3A_403 : i32 to index
        %get3A_405 = tpu.vector_load %arg4[%get3A_404] {strides = array<i32>} : memref<16384xf32, #tpu.memory_space<vmem>>, vector<16xf32>,
        %gt3A_406 = arith.cmpf ogt, %get3A_405, %select_n3A_343 : vector<16xf32>
        %select_n3A_407 = arith.select %gt3A_406, %get3A_405, %select_n3A_343 : vector<16xi1>, vector<16xf32>
        %select_n3A_408 = arith.select %gt3A_406, %add3A_347, %select_n3A_344 : vector<16xi1>, vector<16xi32>
        %add3A_409 = arith.constant 64 : i32
        %add3A_410 = vector.broadcast %add3A_409 : i32 to vector<16xi32>
        %add3A_411 = arith.addi %add3A_347, %add3A_410 : vector<16xi32>
        %mul3A_412 = arith.constant 16 : i32
        %mul3A_413 = arith.muli %scan3A_192, %mul3A_412 : i32
        %add3A_414 = arith.constant 12 : i32
        %add3A_415 = arith.addi %mul3A_413, %add3A_414 : i32
        %add3A_416 = arith.constant 1 : i32
        %add3A_417 = arith.addi %add3A_415, %add3A_416 : i32
        %mul3A_418 = arith.constant 16 : i32
        %mul3A_419 = arith.muli %add3A_417, %mul3A_418 : i32
        %get3A_420 = arith.index_cast %mul3A_419 : i32 to index
        %get3A_421 = tpu.vector_load %arg4[%get3A_420] {strides = array<i32>} : memref<16384xf32, #tpu.memory_space<vmem>>, vector<16xf32>,
        %gt3A_422 = arith.cmpf ogt, %get3A_421, %select_n3A_359 : vector<16xf32>
        %select_n3A_423 = arith.select %gt3A_422, %get3A_421, %select_n3A_359 : vector<16xi1>, vector<16xf32>
        %select_n3A_424 = arith.select %gt3A_422, %add3A_363, %select_n3A_360 : vector<16xi1>, vector<16xi32>
        %add3A_425 = arith.constant 64 : i32
        %add3A_426 = vector.broadcast %add3A_425 : i32 to vector<16xi32>
        %add3A_427 = arith.addi %add3A_363, %add3A_426 : vector<16xi32>
        %mul3A_428 = arith.constant 16 : i32
        %mul3A_429 = arith.muli %scan3A_192, %mul3A_428 : i32
        %add3A_430 = arith.constant 12 : i32
        %add3A_431 = arith.addi %mul3A_429, %add3A_430 : i32
        %add3A_432 = arith.constant 2 : i32
        %add3A_433 = arith.addi %add3A_431, %add3A_432 : i32
        %mul3A_434 = arith.constant 16 : i32
        %mul3A_435 = arith.muli %add3A_433, %mul3A_434 : i32
        %get3A_436 = arith.index_cast %mul3A_435 : i32 to index
        %get3A_437 = tpu.vector_load %arg4[%get3A_436] {strides = array<i32>} : memref<16384xf32, #tpu.memory_space<vmem>>, vector<16xf32>,
        %gt3A_438 = arith.cmpf ogt, %get3A_437, %select_n3A_375 : vector<16xf32>
        %select_n3A_439 = arith.select %gt3A_438, %get3A_437, %select_n3A_375 : vector<16xi1>, vector<16xf32>
        %select_n3A_440 = arith.select %gt3A_438, %add3A_379, %select_n3A_376 : vector<16xi1>, vector<16xi32>
        %add3A_441 = arith.constant 64 : i32
        %add3A_442 = vector.broadcast %add3A_441 : i32 to vector<16xi32>
        %add3A_443 = arith.addi %add3A_379, %add3A_442 : vector<16xi32>
        %mul3A_444 = arith.constant 16 : i32
        %mul3A_445 = arith.muli %scan3A_192, %mul3A_444 : i32
        %add3A_446 = arith.constant 12 : i32
        %add3A_447 = arith.addi %mul3A_445, %add3A_446 : i32
        %add3A_448 = arith.constant 3 : i32
        %add3A_449 = arith.addi %add3A_447, %add3A_448 : i32
        %mul3A_450 = arith.constant 16 : i32
        %mul3A_451 = arith.muli %add3A_449, %mul3A_450 : i32
        %get3A_452 = arith.index_cast %mul3A_451 : i32 to index
        %get3A_453 = tpu.vector_load %arg4[%get3A_452] {strides = array<i32>} : memref<16384xf32, #tpu.memory_space<vmem>>, vector<16xf32>,
        %gt3A_454 = arith.cmpf ogt, %get3A_453, %select_n3A_391 : vector<16xf32>
        %select_n3A_455 = arith.select %gt3A_454, %get3A_453, %select_n3A_391 : vector<16xi1>, vector<16xf32>
        %select_n3A_456 = arith.select %gt3A_454, %add3A_395, %select_n3A_392 : vector<16xi1>, vector<16xi32>
        %add3A_457 = arith.constant 64 : i32
        %add3A_458 = vector.broadcast %add3A_457 : i32 to vector<16xi32>
        %add3A_459 = arith.addi %add3A_395, %add3A_458 : vector<16xi32>
        scf.yield %select_n3A_407, %select_n3A_423, %select_n3A_439, %select_n3A_455, %select_n3A_408, %select_n3A_424, %select_n3A_440, %select_n3A_456, %add3A_411, %add3A_427, %add3A_443, %add3A_459 : vector<16xf32>, vector<16xf32>, vector<16xf32>, vector<16xf32>, vector<16xi32>, vector<16xi32>, vector<16xi32>, vector<16xi32>, vector<16xi32>, vector<16xi32>, vector<16xi32>, vector<16xi32>
      }
      %scan3A_88 = arith.constant 64 : i32
      %lt3A_89 = arith.constant 1 : i32
      %lt3A_90 = arith.cmpi slt, %scan3A_29, %lt3A_89 : i32
      %convert_element_type3A = arith.extui %lt3A_90 : i1 to i32
      %cond3A = arith.constant 0 : i32
      %cond3A_91 = arith.cmpi ne, %convert_element_type3A, %cond3A : i32
      scf.if %cond3A_91 {
        %add3A_192 = arith.constant 2 : i32
        %add3A_193 = arith.addi %add3A_46, %add3A_192 : i32
        %jit3A_194 = arith.constant 2 : i32
        %div3A_195 = arith.divsi %add3A_193, %jit3A_194 : i32
        %sign3A_196 = arith.constant 0 : i32
        %sign3A_197 = arith.cmpi sgt, %add3A_193, %sign3A_196 : i32
        %sign3A_198 = arith.extui %sign3A_197 : i1 to i32
        %sign3A_199 = arith.constant 0 : i32
        %sign3A_200 = arith.cmpi slt, %add3A_193, %sign3A_199 : i32
        %sign3A_201 = arith.extui %sign3A_200 : i1 to i32
        %sign3A_202 = arith.subi %sign3A_198, %sign3A_201 : i32
        %sign3A_203 = arith.constant 0 : i32
        %sign3A_204 = arith.cmpi sgt, %jit3A_194, %sign3A_203 : i32
        %sign3A_205 = arith.extui %sign3A_204 : i1 to i32
        %sign3A_206 = arith.constant 0 : i32
        %sign3A_207 = arith.cmpi slt, %jit3A_194, %sign3A_206 : i32
        %sign3A_208 = arith.extui %sign3A_207 : i1 to i32
        %sign3A_209 = arith.subi %sign3A_205, %sign3A_208 : i32
        %ne3A_210 = arith.cmpi ne, %sign3A_202, %sign3A_209 : i32
        %rem3A_211 = arith.remsi %add3A_193, %jit3A_194 : i32
        %ne3A_212 = arith.constant 0 : i32
        %ne3A_213 = arith.cmpi ne, %rem3A_211, %ne3A_212 : i32
        %and3A_214 = arith.andi %ne3A_210, %ne3A_213 : i1
        %sub3A_215 = arith.constant 1 : i32
        %sub3A_216 = arith.subi %div3A_195, %sub3A_215 : i32
        %select_n3A_217 = arith.select %and3A_214, %sub3A_216, %div3A_195 : i32
        %add3A_218 = arith.addi %mul3A_2, %select_n3A_217 : i32
        %jit3A_219 = arith.constant 2 : i32
        %eq3A_220 = arith.constant 0 : i32
        %eq3A_221 = arith.cmpi eq, %jit3A_219, %eq3A_220 : i32
        %jit3A_222 = arith.constant 1 : i32
        %select_n3A_223 = arith.select %eq3A_221, %jit3A_222, %jit3A_219 : i32
        %rem3A_224 = arith.remsi %add3A_193, %select_n3A_223 : i32
        %ne3A_225 = arith.constant 0 : i32
        %ne3A_226 = arith.cmpi ne, %rem3A_224, %ne3A_225 : i32
        %lt3A_227 = arith.constant 0 : i32
        %lt3A_228 = arith.cmpi slt, %rem3A_224, %lt3A_227 : i32
        %lt3A_229 = arith.constant 0 : i32
        %lt3A_230 = arith.cmpi slt, %select_n3A_223, %lt3A_229 : i32
        %ne3A_231 = arith.xori %lt3A_228, %lt3A_230 : i1
        %and3A_232 = arith.andi %ne3A_231, %ne3A_226 : i1
        %add3A_233 = arith.addi %rem3A_224, %select_n3A_223 : i32
        %select_n3A_234 = arith.select %and3A_232, %add3A_233, %rem3A_224 : i32
        %mul3A_235 = arith.constant 16384 : i32
        %mul3A_236 = arith.muli %select_n3A_234, %mul3A_235 : i32
        %dma_start3A_237 = tpu.memref_slice %arg2[%add3A_218, %mul3A_236] : memref<128x32768xf32, #tpu.memory_space<hbm>> -> memref<1x16384xf32, #tpu.memory_space<hbm>>
        %dma_start3A_238 = tpu.memref_squeeze %dma_start3A_237 : memref<1x16384xf32, #tpu.memory_space<hbm>> -> memref<16384xf32, #tpu.memory_space<hbm>>
        %dma_start3A_239 = tpu.memref_slice %arg2[%add3A_218, %mul3A_236] : memref<128x32768xf32, #tpu.memory_space<hbm>> -> memref<1x16384xf32, #tpu.memory_space<hbm>>
        %dma_start3A_240 = tpu.memref_squeeze %dma_start3A_239 : memref<1x16384xf32, #tpu.memory_space<hbm>> -> memref<16384xf32, #tpu.memory_space<hbm>>
        tpu.enqueue_dma source(%dma_start3A_240 : memref<16384xf32, #tpu.memory_space<hbm>>) target(%arg4 : memref<16384xf32, #tpu.memory_space<vmem>>) target_semaphore(%arg7 : memref<!tpu.dma_semaphore, #tpu.memory_space<semaphore_mem>>)
      } else {
      }
      %mul3A_92 = arith.constant 2 : i32
      %mul3A_93 = arith.muli %mul3A_92, %scan3A_29 : i32
      %add3A_94 = arith.constant 1 : i32
      %add3A_95 = arith.addi %mul3A_93, %add3A_94 : i32
      %jit3A_96 = arith.constant 2 : i32
      %div3A_97 = arith.divsi %add3A_95, %jit3A_96 : i32
      %sign3A_98 = arith.constant 0 : i32
      %sign3A_99 = arith.cmpi sgt, %add3A_95, %sign3A_98 : i32
      %sign3A_100 = arith.extui %sign3A_99 : i1 to i32
      %sign3A_101 = arith.constant 0 : i32
      %sign3A_102 = arith.cmpi slt, %add3A_95, %sign3A_101 : i32
      %sign3A_103 = arith.extui %sign3A_102 : i1 to i32
      %sign3A_104 = arith.subi %sign3A_100, %sign3A_103 : i32
      %sign3A_105 = arith.constant 0 : i32
      %sign3A_106 = arith.cmpi sgt, %jit3A_96, %sign3A_105 : i32
      %sign3A_107 = arith.extui %sign3A_106 : i1 to i32
      %sign3A_108 = arith.constant 0 : i32
      %sign3A_109 = arith.cmpi slt, %jit3A_96, %sign3A_108 : i32
      %sign3A_110 = arith.extui %sign3A_109 : i1 to i32
      %sign3A_111 = arith.subi %sign3A_107, %sign3A_110 : i32
      %ne3A_112 = arith.cmpi ne, %sign3A_104, %sign3A_111 : i32
      %rem3A_113 = arith.remsi %add3A_95, %jit3A_96 : i32
      %ne3A_114 = arith.constant 0 : i32
      %ne3A_115 = arith.cmpi ne, %rem3A_113, %ne3A_114 : i32
      %and3A_116 = arith.andi %ne3A_112, %ne3A_115 : i1
      %sub3A_117 = arith.constant 1 : i32
      %sub3A_118 = arith.subi %div3A_97, %sub3A_117 : i32
      %select_n3A_119 = arith.select %and3A_116, %sub3A_118, %div3A_97 : i32
      %add3A_120 = arith.addi %mul3A_2, %select_n3A_119 : i32
      %jit3A_121 = arith.constant 2 : i32
      %eq3A_122 = arith.constant 0 : i32
      %eq3A_123 = arith.cmpi eq, %jit3A_121, %eq3A_122 : i32
      %jit3A_124 = arith.constant 1 : i32
      %select_n3A_125 = arith.select %eq3A_123, %jit3A_124, %jit3A_121 : i32
      %rem3A_126 = arith.remsi %add3A_95, %select_n3A_125 : i32
      %ne3A_127 = arith.constant 0 : i32
      %ne3A_128 = arith.cmpi ne, %rem3A_126, %ne3A_127 : i32
      %lt3A_129 = arith.constant 0 : i32
      %lt3A_130 = arith.cmpi slt, %rem3A_126, %lt3A_129 : i32
      %lt3A_131 = arith.constant 0 : i32
      %lt3A_132 = arith.cmpi slt, %select_n3A_125, %lt3A_131 : i32
      %ne3A_133 = arith.xori %lt3A_130, %lt3A_132 : i1
      %and3A_134 = arith.andi %ne3A_133, %ne3A_128 : i1
      %add3A_135 = arith.addi %rem3A_126, %select_n3A_125 : i32
      %select_n3A_136 = arith.select %and3A_134, %add3A_135, %rem3A_126 : i32
      %mul3A_137 = arith.constant 16384 : i32
      %mul3A_138 = arith.muli %select_n3A_136, %mul3A_137 : i32
      %dma_wait3A_139 = tpu.memref_slice %arg2[%add3A_120, %mul3A_138] : memref<128x32768xf32, #tpu.memory_space<hbm>> -> memref<1x16384xf32, #tpu.memory_space<hbm>>
      %dma_wait3A_140 = tpu.memref_squeeze %dma_wait3A_139 : memref<1x16384xf32, #tpu.memory_space<hbm>> -> memref<16384xf32, #tpu.memory_space<hbm>>
      %dma_wait3A_141 = tpu.memref_slice %arg2[%add3A_120, %mul3A_138] : memref<128x32768xf32, #tpu.memory_space<hbm>> -> memref<1x16384xf32, #tpu.memory_space<hbm>>
      %dma_wait3A_142 = tpu.memref_squeeze %dma_wait3A_141 : memref<1x16384xf32, #tpu.memory_space<hbm>> -> memref<16384xf32, #tpu.memory_space<hbm>>
      tpu.wait_dma2 semaphore(%arg8 : memref<!tpu.dma_semaphore, #tpu.memory_space<semaphore_mem>>) src(%dma_wait3A_142 : memref<16384xf32, #tpu.memory_space<hbm>>) dst(%arg5 : memref<16384xf32, #tpu.memory_space<vmem>>)
      %scan3A_143 = arith.constant 0 : i32
      %scan3A_144 = arith.constant 64 : i32
      %scan3A_145 = arith.addi %scan3A_143, %scan3A_144 : i32
      %scan3A_146 = arith.constant 1 : i32
      %scan3A_147:12 = scf.for %scan3A_192 = %scan3A_143 to %scan3A_145 step %scan3A_146 iter_args(%scan3A_193 = %scan3A_87#0, %scan3A_194 = %scan3A_87#1, %scan3A_195 = %scan3A_87#2, %scan3A_196 = %scan3A_87#3, %scan3A_197 = %scan3A_87#4, %scan3A_198 = %scan3A_87#5, %scan3A_199 = %scan3A_87#6, %scan3A_200 = %scan3A_87#7, %scan3A_201 = %scan3A_87#8, %scan3A_202 = %scan3A_87#9, %scan3A_203 = %scan3A_87#10, %scan3A_204 = %scan3A_87#11) -> (vector<16xf32>, vector<16xf32>, vector<16xf32>, vector<16xf32>, vector<16xi32>, vector<16xi32>, vector<16xi32>, vector<16xi32>, vector<16xi32>, vector<16xi32>, vector<16xi32>, vector<16xi32>)  : i32 {
        %mul3A_205 = arith.constant 16 : i32
        %mul3A_206 = arith.muli %scan3A_192, %mul3A_205 : i32
        %add3A_207 = arith.constant 0 : i32
        %add3A_208 = arith.addi %mul3A_206, %add3A_207 : i32
        %add3A_209 = arith.constant 0 : i32
        %add3A_210 = arith.addi %add3A_208, %add3A_209 : i32
        %mul3A_211 = arith.constant 16 : i32
        %mul3A_212 = arith.muli %add3A_210, %mul3A_211 : i32
        %get3A = arith.index_cast %mul3A_212 : i32 to index
        %get3A_213 = tpu.vector_load %arg5[%get3A] {strides = array<i32>} : memref<16384xf32, #tpu.memory_space<vmem>>, vector<16xf32>,
        %gt3A_214 = arith.cmpf ogt, %get3A_213, %scan3A_193 : vector<16xf32>
        %select_n3A_215 = arith.select %gt3A_214, %get3A_213, %scan3A_193 : vector<16xi1>, vector<16xf32>
        %select_n3A_216 = arith.select %gt3A_214, %scan3A_201, %scan3A_197 : vector<16xi1>, vector<16xi32>
        %add3A_217 = arith.constant 64 : i32
        %add3A_218 = vector.broadcast %add3A_217 : i32 to vector<16xi32>
        %add3A_219 = arith.addi %scan3A_201, %add3A_218 : vector<16xi32>
        %mul3A_220 = arith.constant 16 : i32
        %mul3A_221 = arith.muli %scan3A_192, %mul3A_220 : i32
        %add3A_222 = arith.constant 0 : i32
        %add3A_223 = arith.addi %mul3A_221, %add3A_222 : i32
        %add3A_224 = arith.constant 1 : i32
        %add3A_225 = arith.addi %add3A_223, %add3A_224 : i32
        %mul3A_226 = arith.constant 16 : i32
        %mul3A_227 = arith.muli %add3A_225, %mul3A_226 : i32
        %get3A_228 = arith.index_cast %mul3A_227 : i32 to index
        %get3A_229 = tpu.vector_load %arg5[%get3A_228] {strides = array<i32>} : memref<16384xf32, #tpu.memory_space<vmem>>, vector<16xf32>,
        %gt3A_230 = arith.cmpf ogt, %get3A_229, %scan3A_194 : vector<16xf32>
        %select_n3A_231 = arith.select %gt3A_230, %get3A_229, %scan3A_194 : vector<16xi1>, vector<16xf32>
        %select_n3A_232 = arith.select %gt3A_230, %scan3A_202, %scan3A_198 : vector<16xi1>, vector<16xi32>
        %add3A_233 = arith.constant 64 : i32
        %add3A_234 = vector.broadcast %add3A_233 : i32 to vector<16xi32>
        %add3A_235 = arith.addi %scan3A_202, %add3A_234 : vector<16xi32>
        %mul3A_236 = arith.constant 16 : i32
        %mul3A_237 = arith.muli %scan3A_192, %mul3A_236 : i32
        %add3A_238 = arith.constant 0 : i32
        %add3A_239 = arith.addi %mul3A_237, %add3A_238 : i32
        %add3A_240 = arith.constant 2 : i32
        %add3A_241 = arith.addi %add3A_239, %add3A_240 : i32
        %mul3A_242 = arith.constant 16 : i32
        %mul3A_243 = arith.muli %add3A_241, %mul3A_242 : i32
        %get3A_244 = arith.index_cast %mul3A_243 : i32 to index
        %get3A_245 = tpu.vector_load %arg5[%get3A_244] {strides = array<i32>} : memref<16384xf32, #tpu.memory_space<vmem>>, vector<16xf32>,
        %gt3A_246 = arith.cmpf ogt, %get3A_245, %scan3A_195 : vector<16xf32>
        %select_n3A_247 = arith.select %gt3A_246, %get3A_245, %scan3A_195 : vector<16xi1>, vector<16xf32>
        %select_n3A_248 = arith.select %gt3A_246, %scan3A_203, %scan3A_199 : vector<16xi1>, vector<16xi32>
        %add3A_249 = arith.constant 64 : i32
        %add3A_250 = vector.broadcast %add3A_249 : i32 to vector<16xi32>
        %add3A_251 = arith.addi %scan3A_203, %add3A_250 : vector<16xi32>
        %mul3A_252 = arith.constant 16 : i32
        %mul3A_253 = arith.muli %scan3A_192, %mul3A_252 : i32
        %add3A_254 = arith.constant 0 : i32
        %add3A_255 = arith.addi %mul3A_253, %add3A_254 : i32
        %add3A_256 = arith.constant 3 : i32
        %add3A_257 = arith.addi %add3A_255, %add3A_256 : i32
        %mul3A_258 = arith.constant 16 : i32
        %mul3A_259 = arith.muli %add3A_257, %mul3A_258 : i32
        %get3A_260 = arith.index_cast %mul3A_259 : i32 to index
        %get3A_261 = tpu.vector_load %arg5[%get3A_260] {strides = array<i32>} : memref<16384xf32, #tpu.memory_space<vmem>>, vector<16xf32>,
        %gt3A_262 = arith.cmpf ogt, %get3A_261, %scan3A_196 : vector<16xf32>
        %select_n3A_263 = arith.select %gt3A_262, %get3A_261, %scan3A_196 : vector<16xi1>, vector<16xf32>
        %select_n3A_264 = arith.select %gt3A_262, %scan3A_204, %scan3A_200 : vector<16xi1>, vector<16xi32>
        %add3A_265 = arith.constant 64 : i32
        %add3A_266 = vector.broadcast %add3A_265 : i32 to vector<16xi32>
        %add3A_267 = arith.addi %scan3A_204, %add3A_266 : vector<16xi32>
        %mul3A_268 = arith.constant 16 : i32
        %mul3A_269 = arith.muli %scan3A_192, %mul3A_268 : i32
        %add3A_270 = arith.constant 4 : i32
        %add3A_271 = arith.addi %mul3A_269, %add3A_270 : i32
        %add3A_272 = arith.constant 0 : i32
        %add3A_273 = arith.addi %add3A_271, %add3A_272 : i32
        %mul3A_274 = arith.constant 16 : i32
        %mul3A_275 = arith.muli %add3A_273, %mul3A_274 : i32
        %get3A_276 = arith.index_cast %mul3A_275 : i32 to index
        %get3A_277 = tpu.vector_load %arg5[%get3A_276] {strides = array<i32>} : memref<16384xf32, #tpu.memory_space<vmem>>, vector<16xf32>,
        %gt3A_278 = arith.cmpf ogt, %get3A_277, %select_n3A_215 : vector<16xf32>
        %select_n3A_279 = arith.select %gt3A_278, %get3A_277, %select_n3A_215 : vector<16xi1>, vector<16xf32>
        %select_n3A_280 = arith.select %gt3A_278, %add3A_219, %select_n3A_216 : vector<16xi1>, vector<16xi32>
        %add3A_281 = arith.constant 64 : i32
        %add3A_282 = vector.broadcast %add3A_281 : i32 to vector<16xi32>
        %add3A_283 = arith.addi %add3A_219, %add3A_282 : vector<16xi32>
        %mul3A_284 = arith.constant 16 : i32
        %mul3A_285 = arith.muli %scan3A_192, %mul3A_284 : i32
        %add3A_286 = arith.constant 4 : i32
        %add3A_287 = arith.addi %mul3A_285, %add3A_286 : i32
        %add3A_288 = arith.constant 1 : i32
        %add3A_289 = arith.addi %add3A_287, %add3A_288 : i32
        %mul3A_290 = arith.constant 16 : i32
        %mul3A_291 = arith.muli %add3A_289, %mul3A_290 : i32
        %get3A_292 = arith.index_cast %mul3A_291 : i32 to index
        %get3A_293 = tpu.vector_load %arg5[%get3A_292] {strides = array<i32>} : memref<16384xf32, #tpu.memory_space<vmem>>, vector<16xf32>,
        %gt3A_294 = arith.cmpf ogt, %get3A_293, %select_n3A_231 : vector<16xf32>
        %select_n3A_295 = arith.select %gt3A_294, %get3A_293, %select_n3A_231 : vector<16xi1>, vector<16xf32>
        %select_n3A_296 = arith.select %gt3A_294, %add3A_235, %select_n3A_232 : vector<16xi1>, vector<16xi32>
        %add3A_297 = arith.constant 64 : i32
        %add3A_298 = vector.broadcast %add3A_297 : i32 to vector<16xi32>
        %add3A_299 = arith.addi %add3A_235, %add3A_298 : vector<16xi32>
        %mul3A_300 = arith.constant 16 : i32
        %mul3A_301 = arith.muli %scan3A_192, %mul3A_300 : i32
        %add3A_302 = arith.constant 4 : i32
        %add3A_303 = arith.addi %mul3A_301, %add3A_302 : i32
        %add3A_304 = arith.constant 2 : i32
        %add3A_305 = arith.addi %add3A_303, %add3A_304 : i32
        %mul3A_306 = arith.constant 16 : i32
        %mul3A_307 = arith.muli %add3A_305, %mul3A_306 : i32
        %get3A_308 = arith.index_cast %mul3A_307 : i32 to index
        %get3A_309 = tpu.vector_load %arg5[%get3A_308] {strides = array<i32>} : memref<16384xf32, #tpu.memory_space<vmem>>, vector<16xf32>,
        %gt3A_310 = arith.cmpf ogt, %get3A_309, %select_n3A_247 : vector<16xf32>
        %select_n3A_311 = arith.select %gt3A_310, %get3A_309, %select_n3A_247 : vector<16xi1>, vector<16xf32>
        %select_n3A_312 = arith.select %gt3A_310, %add3A_251, %select_n3A_248 : vector<16xi1>, vector<16xi32>
        %add3A_313 = arith.constant 64 : i32
        %add3A_314 = vector.broadcast %add3A_313 : i32 to vector<16xi32>
        %add3A_315 = arith.addi %add3A_251, %add3A_314 : vector<16xi32>
        %mul3A_316 = arith.constant 16 : i32
        %mul3A_317 = arith.muli %scan3A_192, %mul3A_316 : i32
        %add3A_318 = arith.constant 4 : i32
        %add3A_319 = arith.addi %mul3A_317, %add3A_318 : i32
        %add3A_320 = arith.constant 3 : i32
        %add3A_321 = arith.addi %add3A_319, %add3A_320 : i32
        %mul3A_322 = arith.constant 16 : i32
        %mul3A_323 = arith.muli %add3A_321, %mul3A_322 : i32
        %get3A_324 = arith.index_cast %mul3A_323 : i32 to index
        %get3A_325 = tpu.vector_load %arg5[%get3A_324] {strides = array<i32>} : memref<16384xf32, #tpu.memory_space<vmem>>, vector<16xf32>,
        %gt3A_326 = arith.cmpf ogt, %get3A_325, %select_n3A_263 : vector<16xf32>
        %select_n3A_327 = arith.select %gt3A_326, %get3A_325, %select_n3A_263 : vector<16xi1>, vector<16xf32>
        %select_n3A_328 = arith.select %gt3A_326, %add3A_267, %select_n3A_264 : vector<16xi1>, vector<16xi32>
        %add3A_329 = arith.constant 64 : i32
        %add3A_330 = vector.broadcast %add3A_329 : i32 to vector<16xi32>
        %add3A_331 = arith.addi %add3A_267, %add3A_330 : vector<16xi32>
        %mul3A_332 = arith.constant 16 : i32
        %mul3A_333 = arith.muli %scan3A_192, %mul3A_332 : i32
        %add3A_334 = arith.constant 8 : i32
        %add3A_335 = arith.addi %mul3A_333, %add3A_334 : i32
        %add3A_336 = arith.constant 0 : i32
        %add3A_337 = arith.addi %add3A_335, %add3A_336 : i32
        %mul3A_338 = arith.constant 16 : i32
        %mul3A_339 = arith.muli %add3A_337, %mul3A_338 : i32
        %get3A_340 = arith.index_cast %mul3A_339 : i32 to index
        %get3A_341 = tpu.vector_load %arg5[%get3A_340] {strides = array<i32>} : memref<16384xf32, #tpu.memory_space<vmem>>, vector<16xf32>,
        %gt3A_342 = arith.cmpf ogt, %get3A_341, %select_n3A_279 : vector<16xf32>
        %select_n3A_343 = arith.select %gt3A_342, %get3A_341, %select_n3A_279 : vector<16xi1>, vector<16xf32>
        %select_n3A_344 = arith.select %gt3A_342, %add3A_283, %select_n3A_280 : vector<16xi1>, vector<16xi32>
        %add3A_345 = arith.constant 64 : i32
        %add3A_346 = vector.broadcast %add3A_345 : i32 to vector<16xi32>
        %add3A_347 = arith.addi %add3A_283, %add3A_346 : vector<16xi32>
        %mul3A_348 = arith.constant 16 : i32
        %mul3A_349 = arith.muli %scan3A_192, %mul3A_348 : i32
        %add3A_350 = arith.constant 8 : i32
        %add3A_351 = arith.addi %mul3A_349, %add3A_350 : i32
        %add3A_352 = arith.constant 1 : i32
        %add3A_353 = arith.addi %add3A_351, %add3A_352 : i32
        %mul3A_354 = arith.constant 16 : i32
        %mul3A_355 = arith.muli %add3A_353, %mul3A_354 : i32
        %get3A_356 = arith.index_cast %mul3A_355 : i32 to index
        %get3A_357 = tpu.vector_load %arg5[%get3A_356] {strides = array<i32>} : memref<16384xf32, #tpu.memory_space<vmem>>, vector<16xf32>,
        %gt3A_358 = arith.cmpf ogt, %get3A_357, %select_n3A_295 : vector<16xf32>
        %select_n3A_359 = arith.select %gt3A_358, %get3A_357, %select_n3A_295 : vector<16xi1>, vector<16xf32>
        %select_n3A_360 = arith.select %gt3A_358, %add3A_299, %select_n3A_296 : vector<16xi1>, vector<16xi32>
        %add3A_361 = arith.constant 64 : i32
        %add3A_362 = vector.broadcast %add3A_361 : i32 to vector<16xi32>
        %add3A_363 = arith.addi %add3A_299, %add3A_362 : vector<16xi32>
        %mul3A_364 = arith.constant 16 : i32
        %mul3A_365 = arith.muli %scan3A_192, %mul3A_364 : i32
        %add3A_366 = arith.constant 8 : i32
        %add3A_367 = arith.addi %mul3A_365, %add3A_366 : i32
        %add3A_368 = arith.constant 2 : i32
        %add3A_369 = arith.addi %add3A_367, %add3A_368 : i32
        %mul3A_370 = arith.constant 16 : i32
        %mul3A_371 = arith.muli %add3A_369, %mul3A_370 : i32
        %get3A_372 = arith.index_cast %mul3A_371 : i32 to index
        %get3A_373 = tpu.vector_load %arg5[%get3A_372] {strides = array<i32>} : memref<16384xf32, #tpu.memory_space<vmem>>, vector<16xf32>,
        %gt3A_374 = arith.cmpf ogt, %get3A_373, %select_n3A_311 : vector<16xf32>
        %select_n3A_375 = arith.select %gt3A_374, %get3A_373, %select_n3A_311 : vector<16xi1>, vector<16xf32>
        %select_n3A_376 = arith.select %gt3A_374, %add3A_315, %select_n3A_312 : vector<16xi1>, vector<16xi32>
        %add3A_377 = arith.constant 64 : i32
        %add3A_378 = vector.broadcast %add3A_377 : i32 to vector<16xi32>
        %add3A_379 = arith.addi %add3A_315, %add3A_378 : vector<16xi32>
        %mul3A_380 = arith.constant 16 : i32
        %mul3A_381 = arith.muli %scan3A_192, %mul3A_380 : i32
        %add3A_382 = arith.constant 8 : i32
        %add3A_383 = arith.addi %mul3A_381, %add3A_382 : i32
        %add3A_384 = arith.constant 3 : i32
        %add3A_385 = arith.addi %add3A_383, %add3A_384 : i32
        %mul3A_386 = arith.constant 16 : i32
        %mul3A_387 = arith.muli %add3A_385, %mul3A_386 : i32
        %get3A_388 = arith.index_cast %mul3A_387 : i32 to index
        %get3A_389 = tpu.vector_load %arg5[%get3A_388] {strides = array<i32>} : memref<16384xf32, #tpu.memory_space<vmem>>, vector<16xf32>,
        %gt3A_390 = arith.cmpf ogt, %get3A_389, %select_n3A_327 : vector<16xf32>
        %select_n3A_391 = arith.select %gt3A_390, %get3A_389, %select_n3A_327 : vector<16xi1>, vector<16xf32>
        %select_n3A_392 = arith.select %gt3A_390, %add3A_331, %select_n3A_328 : vector<16xi1>, vector<16xi32>
        %add3A_393 = arith.constant 64 : i32
        %add3A_394 = vector.broadcast %add3A_393 : i32 to vector<16xi32>
        %add3A_395 = arith.addi %add3A_331, %add3A_394 : vector<16xi32>
        %mul3A_396 = arith.constant 16 : i32
        %mul3A_397 = arith.muli %scan3A_192, %mul3A_396 : i32
        %add3A_398 = arith.constant 12 : i32
        %add3A_399 = arith.addi %mul3A_397, %add3A_398 : i32
        %add3A_400 = arith.constant 0 : i32
        %add3A_401 = arith.addi %add3A_399, %add3A_400 : i32
        %mul3A_402 = arith.constant 16 : i32
        %mul3A_403 = arith.muli %add3A_401, %mul3A_402 : i32
        %get3A_404 = arith.index_cast %mul3A_403 : i32 to index
        %get3A_405 = tpu.vector_load %arg5[%get3A_404] {strides = array<i32>} : memref<16384xf32, #tpu.memory_space<vmem>>, vector<16xf32>,
        %gt3A_406 = arith.cmpf ogt, %get3A_405, %select_n3A_343 : vector<16xf32>
        %select_n3A_407 = arith.select %gt3A_406, %get3A_405, %select_n3A_343 : vector<16xi1>, vector<16xf32>
        %select_n3A_408 = arith.select %gt3A_406, %add3A_347, %select_n3A_344 : vector<16xi1>, vector<16xi32>
        %add3A_409 = arith.constant 64 : i32
        %add3A_410 = vector.broadcast %add3A_409 : i32 to vector<16xi32>
        %add3A_411 = arith.addi %add3A_347, %add3A_410 : vector<16xi32>
        %mul3A_412 = arith.constant 16 : i32
        %mul3A_413 = arith.muli %scan3A_192, %mul3A_412 : i32
        %add3A_414 = arith.constant 12 : i32
        %add3A_415 = arith.addi %mul3A_413, %add3A_414 : i32
        %add3A_416 = arith.constant 1 : i32
        %add3A_417 = arith.addi %add3A_415, %add3A_416 : i32
        %mul3A_418 = arith.constant 16 : i32
        %mul3A_419 = arith.muli %add3A_417, %mul3A_418 : i32
        %get3A_420 = arith.index_cast %mul3A_419 : i32 to index
        %get3A_421 = tpu.vector_load %arg5[%get3A_420] {strides = array<i32>} : memref<16384xf32, #tpu.memory_space<vmem>>, vector<16xf32>,
        %gt3A_422 = arith.cmpf ogt, %get3A_421, %select_n3A_359 : vector<16xf32>
        %select_n3A_423 = arith.select %gt3A_422, %get3A_421, %select_n3A_359 : vector<16xi1>, vector<16xf32>
        %select_n3A_424 = arith.select %gt3A_422, %add3A_363, %select_n3A_360 : vector<16xi1>, vector<16xi32>
        %add3A_425 = arith.constant 64 : i32
        %add3A_426 = vector.broadcast %add3A_425 : i32 to vector<16xi32>
        %add3A_427 = arith.addi %add3A_363, %add3A_426 : vector<16xi32>
        %mul3A_428 = arith.constant 16 : i32
        %mul3A_429 = arith.muli %scan3A_192, %mul3A_428 : i32
        %add3A_430 = arith.constant 12 : i32
        %add3A_431 = arith.addi %mul3A_429, %add3A_430 : i32
        %add3A_432 = arith.constant 2 : i32
        %add3A_433 = arith.addi %add3A_431, %add3A_432 : i32
        %mul3A_434 = arith.constant 16 : i32
        %mul3A_435 = arith.muli %add3A_433, %mul3A_434 : i32
        %get3A_436 = arith.index_cast %mul3A_435 : i32 to index
        %get3A_437 = tpu.vector_load %arg5[%get3A_436] {strides = array<i32>} : memref<16384xf32, #tpu.memory_space<vmem>>, vector<16xf32>,
        %gt3A_438 = arith.cmpf ogt, %get3A_437, %select_n3A_375 : vector<16xf32>
        %select_n3A_439 = arith.select %gt3A_438, %get3A_437, %select_n3A_375 : vector<16xi1>, vector<16xf32>
        %select_n3A_440 = arith.select %gt3A_438, %add3A_379, %select_n3A_376 : vector<16xi1>, vector<16xi32>
        %add3A_441 = arith.constant 64 : i32
        %add3A_442 = vector.broadcast %add3A_441 : i32 to vector<16xi32>
        %add3A_443 = arith.addi %add3A_379, %add3A_442 : vector<16xi32>
        %mul3A_444 = arith.constant 16 : i32
        %mul3A_445 = arith.muli %scan3A_192, %mul3A_444 : i32
        %add3A_446 = arith.constant 12 : i32
        %add3A_447 = arith.addi %mul3A_445, %add3A_446 : i32
        %add3A_448 = arith.constant 3 : i32
        %add3A_449 = arith.addi %add3A_447, %add3A_448 : i32
        %mul3A_450 = arith.constant 16 : i32
        %mul3A_451 = arith.muli %add3A_449, %mul3A_450 : i32
        %get3A_452 = arith.index_cast %mul3A_451 : i32 to index
        %get3A_453 = tpu.vector_load %arg5[%get3A_452] {strides = array<i32>} : memref<16384xf32, #tpu.memory_space<vmem>>, vector<16xf32>,
        %gt3A_454 = arith.cmpf ogt, %get3A_453, %select_n3A_391 : vector<16xf32>
        %select_n3A_455 = arith.select %gt3A_454, %get3A_453, %select_n3A_391 : vector<16xi1>, vector<16xf32>
        %select_n3A_456 = arith.select %gt3A_454, %add3A_395, %select_n3A_392 : vector<16xi1>, vector<16xi32>
        %add3A_457 = arith.constant 64 : i32
        %add3A_458 = vector.broadcast %add3A_457 : i32 to vector<16xi32>
        %add3A_459 = arith.addi %add3A_395, %add3A_458 : vector<16xi32>
        scf.yield %select_n3A_407, %select_n3A_423, %select_n3A_439, %select_n3A_455, %select_n3A_408, %select_n3A_424, %select_n3A_440, %select_n3A_456, %add3A_411, %add3A_427, %add3A_443, %add3A_459 : vector<16xf32>, vector<16xf32>, vector<16xf32>, vector<16xf32>, vector<16xi32>, vector<16xi32>, vector<16xi32>, vector<16xi32>, vector<16xi32>, vector<16xi32>, vector<16xi32>, vector<16xi32>
      }
      %scan3A_148 = arith.constant 64 : i32
      %lt3A_149 = arith.constant 1 : i32
      %lt3A_150 = arith.cmpi slt, %scan3A_29, %lt3A_149 : i32
      %convert_element_type3A_151 = arith.extui %lt3A_150 : i1 to i32
      %cond3A_152 = arith.constant 0 : i32
      %cond3A_153 = arith.cmpi ne, %convert_element_type3A_151, %cond3A_152 : i32
      scf.if %cond3A_153 {
        %add3A_192 = arith.constant 2 : i32
        %add3A_193 = arith.addi %add3A_95, %add3A_192 : i32
        %jit3A_194 = arith.constant 2 : i32
        %div3A_195 = arith.divsi %add3A_193, %jit3A_194 : i32
        %sign3A_196 = arith.constant 0 : i32
        %sign3A_197 = arith.cmpi sgt, %add3A_193, %sign3A_196 : i32
        %sign3A_198 = arith.extui %sign3A_197 : i1 to i32
        %sign3A_199 = arith.constant 0 : i32
        %sign3A_200 = arith.cmpi slt, %add3A_193, %sign3A_199 : i32
        %sign3A_201 = arith.extui %sign3A_200 : i1 to i32
        %sign3A_202 = arith.subi %sign3A_198, %sign3A_201 : i32
        %sign3A_203 = arith.constant 0 : i32
        %sign3A_204 = arith.cmpi sgt, %jit3A_194, %sign3A_203 : i32
        %sign3A_205 = arith.extui %sign3A_204 : i1 to i32
        %sign3A_206 = arith.constant 0 : i32
        %sign3A_207 = arith.cmpi slt, %jit3A_194, %sign3A_206 : i32
        %sign3A_208 = arith.extui %sign3A_207 : i1 to i32
        %sign3A_209 = arith.subi %sign3A_205, %sign3A_208 : i32
        %ne3A_210 = arith.cmpi ne, %sign3A_202, %sign3A_209 : i32
        %rem3A_211 = arith.remsi %add3A_193, %jit3A_194 : i32
        %ne3A_212 = arith.constant 0 : i32
        %ne3A_213 = arith.cmpi ne, %rem3A_211, %ne3A_212 : i32
        %and3A_214 = arith.andi %ne3A_210, %ne3A_213 : i1
        %sub3A_215 = arith.constant 1 : i32
        %sub3A_216 = arith.subi %div3A_195, %sub3A_215 : i32
        %select_n3A_217 = arith.select %and3A_214, %sub3A_216, %div3A_195 : i32
        %add3A_218 = arith.addi %mul3A_2, %select_n3A_217 : i32
        %jit3A_219 = arith.constant 2 : i32
        %eq3A_220 = arith.constant 0 : i32
        %eq3A_221 = arith.cmpi eq, %jit3A_219, %eq3A_220 : i32
        %jit3A_222 = arith.constant 1 : i32
        %select_n3A_223 = arith.select %eq3A_221, %jit3A_222, %jit3A_219 : i32
        %rem3A_224 = arith.remsi %add3A_193, %select_n3A_223 : i32
        %ne3A_225 = arith.constant 0 : i32
        %ne3A_226 = arith.cmpi ne, %rem3A_224, %ne3A_225 : i32
        %lt3A_227 = arith.constant 0 : i32
        %lt3A_228 = arith.cmpi slt, %rem3A_224, %lt3A_227 : i32
        %lt3A_229 = arith.constant 0 : i32
        %lt3A_230 = arith.cmpi slt, %select_n3A_223, %lt3A_229 : i32
        %ne3A_231 = arith.xori %lt3A_228, %lt3A_230 : i1
        %and3A_232 = arith.andi %ne3A_231, %ne3A_226 : i1
        %add3A_233 = arith.addi %rem3A_224, %select_n3A_223 : i32
        %select_n3A_234 = arith.select %and3A_232, %add3A_233, %rem3A_224 : i32
        %mul3A_235 = arith.constant 16384 : i32
        %mul3A_236 = arith.muli %select_n3A_234, %mul3A_235 : i32
        %dma_start3A_237 = tpu.memref_slice %arg2[%add3A_218, %mul3A_236] : memref<128x32768xf32, #tpu.memory_space<hbm>> -> memref<1x16384xf32, #tpu.memory_space<hbm>>
        %dma_start3A_238 = tpu.memref_squeeze %dma_start3A_237 : memref<1x16384xf32, #tpu.memory_space<hbm>> -> memref<16384xf32, #tpu.memory_space<hbm>>
        %dma_start3A_239 = tpu.memref_slice %arg2[%add3A_218, %mul3A_236] : memref<128x32768xf32, #tpu.memory_space<hbm>> -> memref<1x16384xf32, #tpu.memory_space<hbm>>
        %dma_start3A_240 = tpu.memref_squeeze %dma_start3A_239 : memref<1x16384xf32, #tpu.memory_space<hbm>> -> memref<16384xf32, #tpu.memory_space<hbm>>
        tpu.enqueue_dma source(%dma_start3A_240 : memref<16384xf32, #tpu.memory_space<hbm>>) target(%arg5 : memref<16384xf32, #tpu.memory_space<vmem>>) target_semaphore(%arg8 : memref<!tpu.dma_semaphore, #tpu.memory_space<semaphore_mem>>)
      } else {
      }
      %gt3A = arith.cmpf ogt, %scan3A_147#1, %scan3A_147#0 : vector<16xf32>
      %eq3A_154 = arith.cmpf oeq, %scan3A_147#1, %scan3A_147#0 : vector<16xf32>
      %lt3A_155 = arith.cmpi slt, %scan3A_147#5, %scan3A_147#4 : vector<16xi32>
      %and3A_156 = arith.andi %eq3A_154, %lt3A_155 : vector<16xi1>
      %or3A = arith.ori %gt3A, %and3A_156 : vector<16xi1>
      %select_n3A_157 = arith.select %or3A, %scan3A_147#1, %scan3A_147#0 : vector<16xi1>, vector<16xf32>
      %select_n3A_158 = arith.select %or3A, %scan3A_147#5, %scan3A_147#4 : vector<16xi1>, vector<16xi32>
      %gt3A_159 = arith.cmpf ogt, %scan3A_147#3, %scan3A_147#2 : vector<16xf32>
      %eq3A_160 = arith.cmpf oeq, %scan3A_147#3, %scan3A_147#2 : vector<16xf32>
      %lt3A_161 = arith.cmpi slt, %scan3A_147#7, %scan3A_147#6 : vector<16xi32>
      %and3A_162 = arith.andi %eq3A_160, %lt3A_161 : vector<16xi1>
      %or3A_163 = arith.ori %gt3A_159, %and3A_162 : vector<16xi1>
      %select_n3A_164 = arith.select %or3A_163, %scan3A_147#3, %scan3A_147#2 : vector<16xi1>, vector<16xf32>
      %select_n3A_165 = arith.select %or3A_163, %scan3A_147#7, %scan3A_147#6 : vector<16xi1>, vector<16xi32>
      %gt3A_166 = arith.cmpf ogt, %select_n3A_164, %select_n3A_157 : vector<16xf32>
      %eq3A_167 = arith.cmpf oeq, %select_n3A_164, %select_n3A_157 : vector<16xf32>
      %lt3A_168 = arith.cmpi slt, %select_n3A_165, %select_n3A_158 : vector<16xi32>
      %and3A_169 = arith.andi %eq3A_167, %lt3A_168 : vector<16xi1>
      %or3A_170 = arith.ori %gt3A_166, %and3A_169 : vector<16xi1>
      %select_n3A_171 = arith.select %or3A_170, %select_n3A_164, %select_n3A_157 : vector<16xi1>, vector<16xf32>
      %select_n3A_172 = arith.select %or3A_170, %select_n3A_165, %select_n3A_158 : vector<16xi1>, vector<16xi32>
      %reduce_max3A = arith.constant true
      %reduce_max3A_173 = vector.broadcast %reduce_max3A : i1 to vector<16xi1>
      %reduce_max3A_174 = tpu.scan <max>, %select_n3A_171 masked %reduce_max3A_173 : vector<16xf32>, vector<16xi1> -> vector<16xf32>
      %reduce_max3A_175 = vector.extract %reduce_max3A_174[15] : f32 from vector<16xf32>
      %eq3A_176 = vector.broadcast %reduce_max3A_175 : f32 to vector<16xf32>
      %eq3A_177 = arith.cmpf oeq, %select_n3A_171, %eq3A_176 : vector<16xf32>
      %jit3A_178 = arith.constant 2147483647 : i32
      %broadcast_in_dim3A_179 = vector.broadcast %jit3A_178 : i32 to vector<16xi32>
      %select_n3A_180 = arith.select %eq3A_177, %select_n3A_172, %broadcast_in_dim3A_179 : vector<16xi1>, vector<16xi32>
      %reduce_min3A = arith.constant true
      %reduce_min3A_181 = vector.broadcast %reduce_min3A : i1 to vector<16xi1>
      %reduce_min3A_182 = arith.constant -2147483648 : i32
      %reduce_min3A_183 = vector.broadcast %reduce_min3A_182 : i32 to vector<16xi32>
      %reduce_min3A_184 = arith.xori %select_n3A_180, %reduce_min3A_183 : vector<16xi32>
      %reduce_min3A_185 = tpu.scan <min>, %reduce_min3A_184 masked %reduce_min3A_181 : vector<16xi32>, vector<16xi1> -> vector<16xi32>
      %reduce_min3A_186 = arith.xori %reduce_min3A_185, %reduce_min3A_183 : vector<16xi32>
      %reduce_min3A_187 = vector.extract %reduce_min3A_186[15] : i32 from vector<16xi32>
      %eq3A_188 = vector.broadcast %scan3A_29 : i32 to vector<16xi32>
      %eq3A_189 = arith.cmpi eq, %iota3A, %eq3A_188 : vector<16xi32>
      %broadcast_in_dim3A_190 = vector.broadcast %reduce_min3A_187 : i32 to vector<16xi32>
      %select_n3A_191 = arith.select %eq3A_189, %broadcast_in_dim3A_190, %scan3A_30 : vector<16xi1>, vector<16xi32>
      scf.yield %select_n3A_191 : vector<16xi32>
    }
    %scan3A_27 = arith.constant 2 : i32
    %swap3A = arith.constant 0 : index
    %swap3A_28 = tpu.vector_load %arg6[%swap3A] {strides = array<i32>} : memref<16xi32, #tpu.memory_space<vmem>>, vector<16xi32>,
    tpu.vector_store %arg6[%swap3A], %scan3A_26 {strides = array<i32>} : memref<16xi32, #tpu.memory_space<vmem>>, vector<16xi32>,
    "tpu.region"() ({
      %run_scoped3A = tpu.sem_alloc : memref<!tpu.dma_semaphore, #tpu.memory_space<semaphore_mem>>
      %dma_start3A_29 = arith.constant 0 : i32
      %dma_start3A_30 = tpu.memref_slice %arg3[%add3A, %dma_start3A_29] : memref<32x16xi32, #tpu.memory_space<hbm>> -> memref<1x16xi32, #tpu.memory_space<hbm>>
      %dma_start3A_31 = tpu.memref_squeeze %dma_start3A_30 : memref<1x16xi32, #tpu.memory_space<hbm>> -> memref<16xi32, #tpu.memory_space<hbm>>
      %dma_start3A_32 = arith.constant 0 : i32
      %dma_start3A_33 = tpu.memref_slice %arg3[%add3A, %dma_start3A_32] : memref<32x16xi32, #tpu.memory_space<hbm>> -> memref<1x16xi32, #tpu.memory_space<hbm>>
      %dma_start3A_34 = tpu.memref_squeeze %dma_start3A_33 : memref<1x16xi32, #tpu.memory_space<hbm>> -> memref<16xi32, #tpu.memory_space<hbm>>
      tpu.enqueue_dma source(%arg6 : memref<16xi32, #tpu.memory_space<vmem>>) target(%dma_start3A_34 : memref<16xi32, #tpu.memory_space<hbm>>) target_semaphore(%run_scoped3A : memref<!tpu.dma_semaphore, #tpu.memory_space<semaphore_mem>>)
      %dma_wait3A = arith.constant 0 : i32
      %dma_wait3A_35 = tpu.memref_slice %arg3[%add3A, %dma_wait3A] : memref<32x16xi32, #tpu.memory_space<hbm>> -> memref<1x16xi32, #tpu.memory_space<hbm>>
      %dma_wait3A_36 = tpu.memref_squeeze %dma_wait3A_35 : memref<1x16xi32, #tpu.memory_space<hbm>> -> memref<16xi32, #tpu.memory_space<hbm>>
      %dma_wait3A_37 = arith.constant 0 : i32
      %dma_wait3A_38 = tpu.memref_slice %arg3[%add3A, %dma_wait3A_37] : memref<32x16xi32, #tpu.memory_space<hbm>> -> memref<1x16xi32, #tpu.memory_space<hbm>>
      %dma_wait3A_39 = tpu.memref_squeeze %dma_wait3A_38 : memref<1x16xi32, #tpu.memory_space<hbm>> -> memref<16xi32, #tpu.memory_space<hbm>>
      tpu.wait_dma2 semaphore(%run_scoped3A : memref<!tpu.dma_semaphore, #tpu.memory_space<semaphore_mem>>) src(%arg6 : memref<16xi32, #tpu.memory_space<vmem>>) dst(%dma_wait3A_39 : memref<16xi32, #tpu.memory_space<hbm>>)
      tpu.yield
    }) : () -> ()
    return
  }
}

module attributes {stable_mosaic.version = 14 : i64} {
  func.func @_tc_body(%arg0: i32, %arg1: memref<8x32768xf32, #tpu.memory_space<vmem>>, %arg2: memref<1x1x8xi32, #tpu.memory_space<vmem>>) attributes {dimension_semantics = [#tpu.dimension_semantics<arbitrary>], iteration_bounds = array<i64: 8>, scalar_prefetch = 0 : i64, scratch_operands = 0 : i64, tpu.core_type = #tpu.core_type<tc>, window_params = [{transform_indices = @transform_0, window_bounds = array<i64: 8, 32768>}, {transform_indices = @transform_1, window_bounds = array<i64: 1, 1, 8>}]} {
    %iota3A = tpu.iota {dimensions = array<i32: 1>} : vector<8x128xi32>
    %get3A = arith.constant 0 : index
    %get3A_0 = arith.constant 0 : index
    %get3A_1 = vector.load %arg1[%get3A, %get3A_0] : memref<8x32768xf32, #tpu.memory_space<vmem>>, vector<8x128xf32>
    %get3A_2 = arith.constant 0 : index
    %get3A_3 = arith.constant 128 : index
    %get3A_4 = vector.load %arg1[%get3A_2, %get3A_3] : memref<8x32768xf32, #tpu.memory_space<vmem>>, vector<8x128xf32>
    %get3A_5 = arith.constant 0 : index
    %get3A_6 = arith.constant 256 : index
    %get3A_7 = vector.load %arg1[%get3A_5, %get3A_6] : memref<8x32768xf32, #tpu.memory_space<vmem>>, vector<8x128xf32>
    %get3A_8 = arith.constant 0 : index
    %get3A_9 = arith.constant 384 : index
    %get3A_10 = vector.load %arg1[%get3A_8, %get3A_9] : memref<8x32768xf32, #tpu.memory_space<vmem>>, vector<8x128xf32>
    %get3A_11 = arith.constant 0 : index
    %get3A_12 = arith.constant 512 : index
    %get3A_13 = vector.load %arg1[%get3A_11, %get3A_12] : memref<8x32768xf32, #tpu.memory_space<vmem>>, vector<8x128xf32>
    %get3A_14 = arith.constant 0 : index
    %get3A_15 = arith.constant 640 : index
    %get3A_16 = vector.load %arg1[%get3A_14, %get3A_15] : memref<8x32768xf32, #tpu.memory_space<vmem>>, vector<8x128xf32>
    %get3A_17 = arith.constant 0 : index
    %get3A_18 = arith.constant 768 : index
    %get3A_19 = vector.load %arg1[%get3A_17, %get3A_18] : memref<8x32768xf32, #tpu.memory_space<vmem>>, vector<8x128xf32>
    %get3A_20 = arith.constant 0 : index
    %get3A_21 = arith.constant 896 : index
    %get3A_22 = vector.load %arg1[%get3A_20, %get3A_21] : memref<8x32768xf32, #tpu.memory_space<vmem>>, vector<8x128xf32>
    %get3A_23 = arith.constant 0 : index
    %get3A_24 = arith.constant 1024 : index
    %get3A_25 = vector.load %arg1[%get3A_23, %get3A_24] : memref<8x32768xf32, #tpu.memory_space<vmem>>, vector<8x128xf32>
    %get3A_26 = arith.constant 0 : index
    %get3A_27 = arith.constant 1152 : index
    %get3A_28 = vector.load %arg1[%get3A_26, %get3A_27] : memref<8x32768xf32, #tpu.memory_space<vmem>>, vector<8x128xf32>
    %get3A_29 = arith.constant 0 : index
    %get3A_30 = arith.constant 1280 : index
    %get3A_31 = vector.load %arg1[%get3A_29, %get3A_30] : memref<8x32768xf32, #tpu.memory_space<vmem>>, vector<8x128xf32>
    %get3A_32 = arith.constant 0 : index
    %get3A_33 = arith.constant 1408 : index
    %get3A_34 = vector.load %arg1[%get3A_32, %get3A_33] : memref<8x32768xf32, #tpu.memory_space<vmem>>, vector<8x128xf32>
    %get3A_35 = arith.constant 0 : index
    %get3A_36 = arith.constant 1536 : index
    %get3A_37 = vector.load %arg1[%get3A_35, %get3A_36] : memref<8x32768xf32, #tpu.memory_space<vmem>>, vector<8x128xf32>
    %get3A_38 = arith.constant 0 : index
    %get3A_39 = arith.constant 1664 : index
    %get3A_40 = vector.load %arg1[%get3A_38, %get3A_39] : memref<8x32768xf32, #tpu.memory_space<vmem>>, vector<8x128xf32>
    %get3A_41 = arith.constant 0 : index
    %get3A_42 = arith.constant 1792 : index
    %get3A_43 = vector.load %arg1[%get3A_41, %get3A_42] : memref<8x32768xf32, #tpu.memory_space<vmem>>, vector<8x128xf32>
    %get3A_44 = arith.constant 0 : index
    %get3A_45 = arith.constant 1920 : index
    %get3A_46 = vector.load %arg1[%get3A_44, %get3A_45] : memref<8x32768xf32, #tpu.memory_space<vmem>>, vector<8x128xf32>
    %get3A_47 = arith.constant 0 : index
    %get3A_48 = arith.constant 2048 : index
    %get3A_49 = vector.load %arg1[%get3A_47, %get3A_48] : memref<8x32768xf32, #tpu.memory_space<vmem>>, vector<8x128xf32>
    %get3A_50 = arith.constant 0 : index
    %get3A_51 = arith.constant 2176 : index
    %get3A_52 = vector.load %arg1[%get3A_50, %get3A_51] : memref<8x32768xf32, #tpu.memory_space<vmem>>, vector<8x128xf32>
    %get3A_53 = arith.constant 0 : index
    %get3A_54 = arith.constant 2304 : index
    %get3A_55 = vector.load %arg1[%get3A_53, %get3A_54] : memref<8x32768xf32, #tpu.memory_space<vmem>>, vector<8x128xf32>
    %get3A_56 = arith.constant 0 : index
    %get3A_57 = arith.constant 2432 : index
    %get3A_58 = vector.load %arg1[%get3A_56, %get3A_57] : memref<8x32768xf32, #tpu.memory_space<vmem>>, vector<8x128xf32>
    %get3A_59 = arith.constant 0 : index
    %get3A_60 = arith.constant 2560 : index
    %get3A_61 = vector.load %arg1[%get3A_59, %get3A_60] : memref<8x32768xf32, #tpu.memory_space<vmem>>, vector<8x128xf32>
    %get3A_62 = arith.constant 0 : index
    %get3A_63 = arith.constant 2688 : index
    %get3A_64 = vector.load %arg1[%get3A_62, %get3A_63] : memref<8x32768xf32, #tpu.memory_space<vmem>>, vector<8x128xf32>
    %get3A_65 = arith.constant 0 : index
    %get3A_66 = arith.constant 2816 : index
    %get3A_67 = vector.load %arg1[%get3A_65, %get3A_66] : memref<8x32768xf32, #tpu.memory_space<vmem>>, vector<8x128xf32>
    %get3A_68 = arith.constant 0 : index
    %get3A_69 = arith.constant 2944 : index
    %get3A_70 = vector.load %arg1[%get3A_68, %get3A_69] : memref<8x32768xf32, #tpu.memory_space<vmem>>, vector<8x128xf32>
    %get3A_71 = arith.constant 0 : index
    %get3A_72 = arith.constant 3072 : index
    %get3A_73 = vector.load %arg1[%get3A_71, %get3A_72] : memref<8x32768xf32, #tpu.memory_space<vmem>>, vector<8x128xf32>
    %get3A_74 = arith.constant 0 : index
    %get3A_75 = arith.constant 3200 : index
    %get3A_76 = vector.load %arg1[%get3A_74, %get3A_75] : memref<8x32768xf32, #tpu.memory_space<vmem>>, vector<8x128xf32>
    %get3A_77 = arith.constant 0 : index
    %get3A_78 = arith.constant 3328 : index
    %get3A_79 = vector.load %arg1[%get3A_77, %get3A_78] : memref<8x32768xf32, #tpu.memory_space<vmem>>, vector<8x128xf32>
    %get3A_80 = arith.constant 0 : index
    %get3A_81 = arith.constant 3456 : index
    %get3A_82 = vector.load %arg1[%get3A_80, %get3A_81] : memref<8x32768xf32, #tpu.memory_space<vmem>>, vector<8x128xf32>
    %get3A_83 = arith.constant 0 : index
    %get3A_84 = arith.constant 3584 : index
    %get3A_85 = vector.load %arg1[%get3A_83, %get3A_84] : memref<8x32768xf32, #tpu.memory_space<vmem>>, vector<8x128xf32>
    %get3A_86 = arith.constant 0 : index
    %get3A_87 = arith.constant 3712 : index
    %get3A_88 = vector.load %arg1[%get3A_86, %get3A_87] : memref<8x32768xf32, #tpu.memory_space<vmem>>, vector<8x128xf32>
    %get3A_89 = arith.constant 0 : index
    %get3A_90 = arith.constant 3840 : index
    %get3A_91 = vector.load %arg1[%get3A_89, %get3A_90] : memref<8x32768xf32, #tpu.memory_space<vmem>>, vector<8x128xf32>
    %get3A_92 = arith.constant 0 : index
    %get3A_93 = arith.constant 3968 : index
    %get3A_94 = vector.load %arg1[%get3A_92, %get3A_93] : memref<8x32768xf32, #tpu.memory_space<vmem>>, vector<8x128xf32>
    %get3A_95 = arith.constant 0 : index
    %get3A_96 = arith.constant 4096 : index
    %get3A_97 = vector.load %arg1[%get3A_95, %get3A_96] : memref<8x32768xf32, #tpu.memory_space<vmem>>, vector<8x128xf32>
    %get3A_98 = arith.constant 0 : index
    %get3A_99 = arith.constant 4224 : index
    %get3A_100 = vector.load %arg1[%get3A_98, %get3A_99] : memref<8x32768xf32, #tpu.memory_space<vmem>>, vector<8x128xf32>
    %get3A_101 = arith.constant 0 : index
    %get3A_102 = arith.constant 4352 : index
    %get3A_103 = vector.load %arg1[%get3A_101, %get3A_102] : memref<8x32768xf32, #tpu.memory_space<vmem>>, vector<8x128xf32>
    %get3A_104 = arith.constant 0 : index
    %get3A_105 = arith.constant 4480 : index
    %get3A_106 = vector.load %arg1[%get3A_104, %get3A_105] : memref<8x32768xf32, #tpu.memory_space<vmem>>, vector<8x128xf32>
    %get3A_107 = arith.constant 0 : index
    %get3A_108 = arith.constant 4608 : index
    %get3A_109 = vector.load %arg1[%get3A_107, %get3A_108] : memref<8x32768xf32, #tpu.memory_space<vmem>>, vector<8x128xf32>
    %get3A_110 = arith.constant 0 : index
    %get3A_111 = arith.constant 4736 : index
    %get3A_112 = vector.load %arg1[%get3A_110, %get3A_111] : memref<8x32768xf32, #tpu.memory_space<vmem>>, vector<8x128xf32>
    %get3A_113 = arith.constant 0 : index
    %get3A_114 = arith.constant 4864 : index
    %get3A_115 = vector.load %arg1[%get3A_113, %get3A_114] : memref<8x32768xf32, #tpu.memory_space<vmem>>, vector<8x128xf32>
    %get3A_116 = arith.constant 0 : index
    %get3A_117 = arith.constant 4992 : index
    %get3A_118 = vector.load %arg1[%get3A_116, %get3A_117] : memref<8x32768xf32, #tpu.memory_space<vmem>>, vector<8x128xf32>
    %get3A_119 = arith.constant 0 : index
    %get3A_120 = arith.constant 5120 : index
    %get3A_121 = vector.load %arg1[%get3A_119, %get3A_120] : memref<8x32768xf32, #tpu.memory_space<vmem>>, vector<8x128xf32>
    %get3A_122 = arith.constant 0 : index
    %get3A_123 = arith.constant 5248 : index
    %get3A_124 = vector.load %arg1[%get3A_122, %get3A_123] : memref<8x32768xf32, #tpu.memory_space<vmem>>, vector<8x128xf32>
    %get3A_125 = arith.constant 0 : index
    %get3A_126 = arith.constant 5376 : index
    %get3A_127 = vector.load %arg1[%get3A_125, %get3A_126] : memref<8x32768xf32, #tpu.memory_space<vmem>>, vector<8x128xf32>
    %get3A_128 = arith.constant 0 : index
    %get3A_129 = arith.constant 5504 : index
    %get3A_130 = vector.load %arg1[%get3A_128, %get3A_129] : memref<8x32768xf32, #tpu.memory_space<vmem>>, vector<8x128xf32>
    %get3A_131 = arith.constant 0 : index
    %get3A_132 = arith.constant 5632 : index
    %get3A_133 = vector.load %arg1[%get3A_131, %get3A_132] : memref<8x32768xf32, #tpu.memory_space<vmem>>, vector<8x128xf32>
    %get3A_134 = arith.constant 0 : index
    %get3A_135 = arith.constant 5760 : index
    %get3A_136 = vector.load %arg1[%get3A_134, %get3A_135] : memref<8x32768xf32, #tpu.memory_space<vmem>>, vector<8x128xf32>
    %get3A_137 = arith.constant 0 : index
    %get3A_138 = arith.constant 5888 : index
    %get3A_139 = vector.load %arg1[%get3A_137, %get3A_138] : memref<8x32768xf32, #tpu.memory_space<vmem>>, vector<8x128xf32>
    %get3A_140 = arith.constant 0 : index
    %get3A_141 = arith.constant 6016 : index
    %get3A_142 = vector.load %arg1[%get3A_140, %get3A_141] : memref<8x32768xf32, #tpu.memory_space<vmem>>, vector<8x128xf32>
    %get3A_143 = arith.constant 0 : index
    %get3A_144 = arith.constant 6144 : index
    %get3A_145 = vector.load %arg1[%get3A_143, %get3A_144] : memref<8x32768xf32, #tpu.memory_space<vmem>>, vector<8x128xf32>
    %get3A_146 = arith.constant 0 : index
    %get3A_147 = arith.constant 6272 : index
    %get3A_148 = vector.load %arg1[%get3A_146, %get3A_147] : memref<8x32768xf32, #tpu.memory_space<vmem>>, vector<8x128xf32>
    %get3A_149 = arith.constant 0 : index
    %get3A_150 = arith.constant 6400 : index
    %get3A_151 = vector.load %arg1[%get3A_149, %get3A_150] : memref<8x32768xf32, #tpu.memory_space<vmem>>, vector<8x128xf32>
    %get3A_152 = arith.constant 0 : index
    %get3A_153 = arith.constant 6528 : index
    %get3A_154 = vector.load %arg1[%get3A_152, %get3A_153] : memref<8x32768xf32, #tpu.memory_space<vmem>>, vector<8x128xf32>
    %get3A_155 = arith.constant 0 : index
    %get3A_156 = arith.constant 6656 : index
    %get3A_157 = vector.load %arg1[%get3A_155, %get3A_156] : memref<8x32768xf32, #tpu.memory_space<vmem>>, vector<8x128xf32>
    %get3A_158 = arith.constant 0 : index
    %get3A_159 = arith.constant 6784 : index
    %get3A_160 = vector.load %arg1[%get3A_158, %get3A_159] : memref<8x32768xf32, #tpu.memory_space<vmem>>, vector<8x128xf32>
    %get3A_161 = arith.constant 0 : index
    %get3A_162 = arith.constant 6912 : index
    %get3A_163 = vector.load %arg1[%get3A_161, %get3A_162] : memref<8x32768xf32, #tpu.memory_space<vmem>>, vector<8x128xf32>
    %get3A_164 = arith.constant 0 : index
    %get3A_165 = arith.constant 7040 : index
    %get3A_166 = vector.load %arg1[%get3A_164, %get3A_165] : memref<8x32768xf32, #tpu.memory_space<vmem>>, vector<8x128xf32>
    %get3A_167 = arith.constant 0 : index
    %get3A_168 = arith.constant 7168 : index
    %get3A_169 = vector.load %arg1[%get3A_167, %get3A_168] : memref<8x32768xf32, #tpu.memory_space<vmem>>, vector<8x128xf32>
    %get3A_170 = arith.constant 0 : index
    %get3A_171 = arith.constant 7296 : index
    %get3A_172 = vector.load %arg1[%get3A_170, %get3A_171] : memref<8x32768xf32, #tpu.memory_space<vmem>>, vector<8x128xf32>
    %get3A_173 = arith.constant 0 : index
    %get3A_174 = arith.constant 7424 : index
    %get3A_175 = vector.load %arg1[%get3A_173, %get3A_174] : memref<8x32768xf32, #tpu.memory_space<vmem>>, vector<8x128xf32>
    %get3A_176 = arith.constant 0 : index
    %get3A_177 = arith.constant 7552 : index
    %get3A_178 = vector.load %arg1[%get3A_176, %get3A_177] : memref<8x32768xf32, #tpu.memory_space<vmem>>, vector<8x128xf32>
    %get3A_179 = arith.constant 0 : index
    %get3A_180 = arith.constant 7680 : index
    %get3A_181 = vector.load %arg1[%get3A_179, %get3A_180] : memref<8x32768xf32, #tpu.memory_space<vmem>>, vector<8x128xf32>
    %get3A_182 = arith.constant 0 : index
    %get3A_183 = arith.constant 7808 : index
    %get3A_184 = vector.load %arg1[%get3A_182, %get3A_183] : memref<8x32768xf32, #tpu.memory_space<vmem>>, vector<8x128xf32>
    %get3A_185 = arith.constant 0 : index
    %get3A_186 = arith.constant 7936 : index
    %get3A_187 = vector.load %arg1[%get3A_185, %get3A_186] : memref<8x32768xf32, #tpu.memory_space<vmem>>, vector<8x128xf32>
    %get3A_188 = arith.constant 0 : index
    %get3A_189 = arith.constant 8064 : index
    %get3A_190 = vector.load %arg1[%get3A_188, %get3A_189] : memref<8x32768xf32, #tpu.memory_space<vmem>>, vector<8x128xf32>
    %get3A_191 = arith.constant 0 : index
    %get3A_192 = arith.constant 8192 : index
    %get3A_193 = vector.load %arg1[%get3A_191, %get3A_192] : memref<8x32768xf32, #tpu.memory_space<vmem>>, vector<8x128xf32>
    %get3A_194 = arith.constant 0 : index
    %get3A_195 = arith.constant 8320 : index
    %get3A_196 = vector.load %arg1[%get3A_194, %get3A_195] : memref<8x32768xf32, #tpu.memory_space<vmem>>, vector<8x128xf32>
    %get3A_197 = arith.constant 0 : index
    %get3A_198 = arith.constant 8448 : index
    %get3A_199 = vector.load %arg1[%get3A_197, %get3A_198] : memref<8x32768xf32, #tpu.memory_space<vmem>>, vector<8x128xf32>
    %get3A_200 = arith.constant 0 : index
    %get3A_201 = arith.constant 8576 : index
    %get3A_202 = vector.load %arg1[%get3A_200, %get3A_201] : memref<8x32768xf32, #tpu.memory_space<vmem>>, vector<8x128xf32>
    %get3A_203 = arith.constant 0 : index
    %get3A_204 = arith.constant 8704 : index
    %get3A_205 = vector.load %arg1[%get3A_203, %get3A_204] : memref<8x32768xf32, #tpu.memory_space<vmem>>, vector<8x128xf32>
    %get3A_206 = arith.constant 0 : index
    %get3A_207 = arith.constant 8832 : index
    %get3A_208 = vector.load %arg1[%get3A_206, %get3A_207] : memref<8x32768xf32, #tpu.memory_space<vmem>>, vector<8x128xf32>
    %get3A_209 = arith.constant 0 : index
    %get3A_210 = arith.constant 8960 : index
    %get3A_211 = vector.load %arg1[%get3A_209, %get3A_210] : memref<8x32768xf32, #tpu.memory_space<vmem>>, vector<8x128xf32>
    %get3A_212 = arith.constant 0 : index
    %get3A_213 = arith.constant 9088 : index
    %get3A_214 = vector.load %arg1[%get3A_212, %get3A_213] : memref<8x32768xf32, #tpu.memory_space<vmem>>, vector<8x128xf32>
    %get3A_215 = arith.constant 0 : index
    %get3A_216 = arith.constant 9216 : index
    %get3A_217 = vector.load %arg1[%get3A_215, %get3A_216] : memref<8x32768xf32, #tpu.memory_space<vmem>>, vector<8x128xf32>
    %get3A_218 = arith.constant 0 : index
    %get3A_219 = arith.constant 9344 : index
    %get3A_220 = vector.load %arg1[%get3A_218, %get3A_219] : memref<8x32768xf32, #tpu.memory_space<vmem>>, vector<8x128xf32>
    %get3A_221 = arith.constant 0 : index
    %get3A_222 = arith.constant 9472 : index
    %get3A_223 = vector.load %arg1[%get3A_221, %get3A_222] : memref<8x32768xf32, #tpu.memory_space<vmem>>, vector<8x128xf32>
    %get3A_224 = arith.constant 0 : index
    %get3A_225 = arith.constant 9600 : index
    %get3A_226 = vector.load %arg1[%get3A_224, %get3A_225] : memref<8x32768xf32, #tpu.memory_space<vmem>>, vector<8x128xf32>
    %get3A_227 = arith.constant 0 : index
    %get3A_228 = arith.constant 9728 : index
    %get3A_229 = vector.load %arg1[%get3A_227, %get3A_228] : memref<8x32768xf32, #tpu.memory_space<vmem>>, vector<8x128xf32>
    %get3A_230 = arith.constant 0 : index
    %get3A_231 = arith.constant 9856 : index
    %get3A_232 = vector.load %arg1[%get3A_230, %get3A_231] : memref<8x32768xf32, #tpu.memory_space<vmem>>, vector<8x128xf32>
    %get3A_233 = arith.constant 0 : index
    %get3A_234 = arith.constant 9984 : index
    %get3A_235 = vector.load %arg1[%get3A_233, %get3A_234] : memref<8x32768xf32, #tpu.memory_space<vmem>>, vector<8x128xf32>
    %get3A_236 = arith.constant 0 : index
    %get3A_237 = arith.constant 10112 : index
    %get3A_238 = vector.load %arg1[%get3A_236, %get3A_237] : memref<8x32768xf32, #tpu.memory_space<vmem>>, vector<8x128xf32>
    %get3A_239 = arith.constant 0 : index
    %get3A_240 = arith.constant 10240 : index
    %get3A_241 = vector.load %arg1[%get3A_239, %get3A_240] : memref<8x32768xf32, #tpu.memory_space<vmem>>, vector<8x128xf32>
    %get3A_242 = arith.constant 0 : index
    %get3A_243 = arith.constant 10368 : index
    %get3A_244 = vector.load %arg1[%get3A_242, %get3A_243] : memref<8x32768xf32, #tpu.memory_space<vmem>>, vector<8x128xf32>
    %get3A_245 = arith.constant 0 : index
    %get3A_246 = arith.constant 10496 : index
    %get3A_247 = vector.load %arg1[%get3A_245, %get3A_246] : memref<8x32768xf32, #tpu.memory_space<vmem>>, vector<8x128xf32>
    %get3A_248 = arith.constant 0 : index
    %get3A_249 = arith.constant 10624 : index
    %get3A_250 = vector.load %arg1[%get3A_248, %get3A_249] : memref<8x32768xf32, #tpu.memory_space<vmem>>, vector<8x128xf32>
    %get3A_251 = arith.constant 0 : index
    %get3A_252 = arith.constant 10752 : index
    %get3A_253 = vector.load %arg1[%get3A_251, %get3A_252] : memref<8x32768xf32, #tpu.memory_space<vmem>>, vector<8x128xf32>
    %get3A_254 = arith.constant 0 : index
    %get3A_255 = arith.constant 10880 : index
    %get3A_256 = vector.load %arg1[%get3A_254, %get3A_255] : memref<8x32768xf32, #tpu.memory_space<vmem>>, vector<8x128xf32>
    %get3A_257 = arith.constant 0 : index
    %get3A_258 = arith.constant 11008 : index
    %get3A_259 = vector.load %arg1[%get3A_257, %get3A_258] : memref<8x32768xf32, #tpu.memory_space<vmem>>, vector<8x128xf32>
    %get3A_260 = arith.constant 0 : index
    %get3A_261 = arith.constant 11136 : index
    %get3A_262 = vector.load %arg1[%get3A_260, %get3A_261] : memref<8x32768xf32, #tpu.memory_space<vmem>>, vector<8x128xf32>
    %get3A_263 = arith.constant 0 : index
    %get3A_264 = arith.constant 11264 : index
    %get3A_265 = vector.load %arg1[%get3A_263, %get3A_264] : memref<8x32768xf32, #tpu.memory_space<vmem>>, vector<8x128xf32>
    %get3A_266 = arith.constant 0 : index
    %get3A_267 = arith.constant 11392 : index
    %get3A_268 = vector.load %arg1[%get3A_266, %get3A_267] : memref<8x32768xf32, #tpu.memory_space<vmem>>, vector<8x128xf32>
    %get3A_269 = arith.constant 0 : index
    %get3A_270 = arith.constant 11520 : index
    %get3A_271 = vector.load %arg1[%get3A_269, %get3A_270] : memref<8x32768xf32, #tpu.memory_space<vmem>>, vector<8x128xf32>
    %get3A_272 = arith.constant 0 : index
    %get3A_273 = arith.constant 11648 : index
    %get3A_274 = vector.load %arg1[%get3A_272, %get3A_273] : memref<8x32768xf32, #tpu.memory_space<vmem>>, vector<8x128xf32>
    %get3A_275 = arith.constant 0 : index
    %get3A_276 = arith.constant 11776 : index
    %get3A_277 = vector.load %arg1[%get3A_275, %get3A_276] : memref<8x32768xf32, #tpu.memory_space<vmem>>, vector<8x128xf32>
    %get3A_278 = arith.constant 0 : index
    %get3A_279 = arith.constant 11904 : index
    %get3A_280 = vector.load %arg1[%get3A_278, %get3A_279] : memref<8x32768xf32, #tpu.memory_space<vmem>>, vector<8x128xf32>
    %get3A_281 = arith.constant 0 : index
    %get3A_282 = arith.constant 12032 : index
    %get3A_283 = vector.load %arg1[%get3A_281, %get3A_282] : memref<8x32768xf32, #tpu.memory_space<vmem>>, vector<8x128xf32>
    %get3A_284 = arith.constant 0 : index
    %get3A_285 = arith.constant 12160 : index
    %get3A_286 = vector.load %arg1[%get3A_284, %get3A_285] : memref<8x32768xf32, #tpu.memory_space<vmem>>, vector<8x128xf32>
    %get3A_287 = arith.constant 0 : index
    %get3A_288 = arith.constant 12288 : index
    %get3A_289 = vector.load %arg1[%get3A_287, %get3A_288] : memref<8x32768xf32, #tpu.memory_space<vmem>>, vector<8x128xf32>
    %get3A_290 = arith.constant 0 : index
    %get3A_291 = arith.constant 12416 : index
    %get3A_292 = vector.load %arg1[%get3A_290, %get3A_291] : memref<8x32768xf32, #tpu.memory_space<vmem>>, vector<8x128xf32>
    %get3A_293 = arith.constant 0 : index
    %get3A_294 = arith.constant 12544 : index
    %get3A_295 = vector.load %arg1[%get3A_293, %get3A_294] : memref<8x32768xf32, #tpu.memory_space<vmem>>, vector<8x128xf32>
    %get3A_296 = arith.constant 0 : index
    %get3A_297 = arith.constant 12672 : index
    %get3A_298 = vector.load %arg1[%get3A_296, %get3A_297] : memref<8x32768xf32, #tpu.memory_space<vmem>>, vector<8x128xf32>
    %get3A_299 = arith.constant 0 : index
    %get3A_300 = arith.constant 12800 : index
    %get3A_301 = vector.load %arg1[%get3A_299, %get3A_300] : memref<8x32768xf32, #tpu.memory_space<vmem>>, vector<8x128xf32>
    %get3A_302 = arith.constant 0 : index
    %get3A_303 = arith.constant 12928 : index
    %get3A_304 = vector.load %arg1[%get3A_302, %get3A_303] : memref<8x32768xf32, #tpu.memory_space<vmem>>, vector<8x128xf32>
    %get3A_305 = arith.constant 0 : index
    %get3A_306 = arith.constant 13056 : index
    %get3A_307 = vector.load %arg1[%get3A_305, %get3A_306] : memref<8x32768xf32, #tpu.memory_space<vmem>>, vector<8x128xf32>
    %get3A_308 = arith.constant 0 : index
    %get3A_309 = arith.constant 13184 : index
    %get3A_310 = vector.load %arg1[%get3A_308, %get3A_309] : memref<8x32768xf32, #tpu.memory_space<vmem>>, vector<8x128xf32>
    %get3A_311 = arith.constant 0 : index
    %get3A_312 = arith.constant 13312 : index
    %get3A_313 = vector.load %arg1[%get3A_311, %get3A_312] : memref<8x32768xf32, #tpu.memory_space<vmem>>, vector<8x128xf32>
    %get3A_314 = arith.constant 0 : index
    %get3A_315 = arith.constant 13440 : index
    %get3A_316 = vector.load %arg1[%get3A_314, %get3A_315] : memref<8x32768xf32, #tpu.memory_space<vmem>>, vector<8x128xf32>
    %get3A_317 = arith.constant 0 : index
    %get3A_318 = arith.constant 13568 : index
    %get3A_319 = vector.load %arg1[%get3A_317, %get3A_318] : memref<8x32768xf32, #tpu.memory_space<vmem>>, vector<8x128xf32>
    %get3A_320 = arith.constant 0 : index
    %get3A_321 = arith.constant 13696 : index
    %get3A_322 = vector.load %arg1[%get3A_320, %get3A_321] : memref<8x32768xf32, #tpu.memory_space<vmem>>, vector<8x128xf32>
    %get3A_323 = arith.constant 0 : index
    %get3A_324 = arith.constant 13824 : index
    %get3A_325 = vector.load %arg1[%get3A_323, %get3A_324] : memref<8x32768xf32, #tpu.memory_space<vmem>>, vector<8x128xf32>
    %get3A_326 = arith.constant 0 : index
    %get3A_327 = arith.constant 13952 : index
    %get3A_328 = vector.load %arg1[%get3A_326, %get3A_327] : memref<8x32768xf32, #tpu.memory_space<vmem>>, vector<8x128xf32>
    %get3A_329 = arith.constant 0 : index
    %get3A_330 = arith.constant 14080 : index
    %get3A_331 = vector.load %arg1[%get3A_329, %get3A_330] : memref<8x32768xf32, #tpu.memory_space<vmem>>, vector<8x128xf32>
    %get3A_332 = arith.constant 0 : index
    %get3A_333 = arith.constant 14208 : index
    %get3A_334 = vector.load %arg1[%get3A_332, %get3A_333] : memref<8x32768xf32, #tpu.memory_space<vmem>>, vector<8x128xf32>
    %get3A_335 = arith.constant 0 : index
    %get3A_336 = arith.constant 14336 : index
    %get3A_337 = vector.load %arg1[%get3A_335, %get3A_336] : memref<8x32768xf32, #tpu.memory_space<vmem>>, vector<8x128xf32>
    %get3A_338 = arith.constant 0 : index
    %get3A_339 = arith.constant 14464 : index
    %get3A_340 = vector.load %arg1[%get3A_338, %get3A_339] : memref<8x32768xf32, #tpu.memory_space<vmem>>, vector<8x128xf32>
    %get3A_341 = arith.constant 0 : index
    %get3A_342 = arith.constant 14592 : index
    %get3A_343 = vector.load %arg1[%get3A_341, %get3A_342] : memref<8x32768xf32, #tpu.memory_space<vmem>>, vector<8x128xf32>
    %get3A_344 = arith.constant 0 : index
    %get3A_345 = arith.constant 14720 : index
    %get3A_346 = vector.load %arg1[%get3A_344, %get3A_345] : memref<8x32768xf32, #tpu.memory_space<vmem>>, vector<8x128xf32>
    %get3A_347 = arith.constant 0 : index
    %get3A_348 = arith.constant 14848 : index
    %get3A_349 = vector.load %arg1[%get3A_347, %get3A_348] : memref<8x32768xf32, #tpu.memory_space<vmem>>, vector<8x128xf32>
    %get3A_350 = arith.constant 0 : index
    %get3A_351 = arith.constant 14976 : index
    %get3A_352 = vector.load %arg1[%get3A_350, %get3A_351] : memref<8x32768xf32, #tpu.memory_space<vmem>>, vector<8x128xf32>
    %get3A_353 = arith.constant 0 : index
    %get3A_354 = arith.constant 15104 : index
    %get3A_355 = vector.load %arg1[%get3A_353, %get3A_354] : memref<8x32768xf32, #tpu.memory_space<vmem>>, vector<8x128xf32>
    %get3A_356 = arith.constant 0 : index
    %get3A_357 = arith.constant 15232 : index
    %get3A_358 = vector.load %arg1[%get3A_356, %get3A_357] : memref<8x32768xf32, #tpu.memory_space<vmem>>, vector<8x128xf32>
    %get3A_359 = arith.constant 0 : index
    %get3A_360 = arith.constant 15360 : index
    %get3A_361 = vector.load %arg1[%get3A_359, %get3A_360] : memref<8x32768xf32, #tpu.memory_space<vmem>>, vector<8x128xf32>
    %get3A_362 = arith.constant 0 : index
    %get3A_363 = arith.constant 15488 : index
    %get3A_364 = vector.load %arg1[%get3A_362, %get3A_363] : memref<8x32768xf32, #tpu.memory_space<vmem>>, vector<8x128xf32>
    %get3A_365 = arith.constant 0 : index
    %get3A_366 = arith.constant 15616 : index
    %get3A_367 = vector.load %arg1[%get3A_365, %get3A_366] : memref<8x32768xf32, #tpu.memory_space<vmem>>, vector<8x128xf32>
    %get3A_368 = arith.constant 0 : index
    %get3A_369 = arith.constant 15744 : index
    %get3A_370 = vector.load %arg1[%get3A_368, %get3A_369] : memref<8x32768xf32, #tpu.memory_space<vmem>>, vector<8x128xf32>
    %get3A_371 = arith.constant 0 : index
    %get3A_372 = arith.constant 15872 : index
    %get3A_373 = vector.load %arg1[%get3A_371, %get3A_372] : memref<8x32768xf32, #tpu.memory_space<vmem>>, vector<8x128xf32>
    %get3A_374 = arith.constant 0 : index
    %get3A_375 = arith.constant 16000 : index
    %get3A_376 = vector.load %arg1[%get3A_374, %get3A_375] : memref<8x32768xf32, #tpu.memory_space<vmem>>, vector<8x128xf32>
    %get3A_377 = arith.constant 0 : index
    %get3A_378 = arith.constant 16128 : index
    %get3A_379 = vector.load %arg1[%get3A_377, %get3A_378] : memref<8x32768xf32, #tpu.memory_space<vmem>>, vector<8x128xf32>
    %get3A_380 = arith.constant 0 : index
    %get3A_381 = arith.constant 16256 : index
    %get3A_382 = vector.load %arg1[%get3A_380, %get3A_381] : memref<8x32768xf32, #tpu.memory_space<vmem>>, vector<8x128xf32>
    %get3A_383 = arith.constant 0 : index
    %get3A_384 = arith.constant 16384 : index
    %get3A_385 = vector.load %arg1[%get3A_383, %get3A_384] : memref<8x32768xf32, #tpu.memory_space<vmem>>, vector<8x128xf32>
    %get3A_386 = arith.constant 0 : index
    %get3A_387 = arith.constant 16512 : index
    %get3A_388 = vector.load %arg1[%get3A_386, %get3A_387] : memref<8x32768xf32, #tpu.memory_space<vmem>>, vector<8x128xf32>
    %get3A_389 = arith.constant 0 : index
    %get3A_390 = arith.constant 16640 : index
    %get3A_391 = vector.load %arg1[%get3A_389, %get3A_390] : memref<8x32768xf32, #tpu.memory_space<vmem>>, vector<8x128xf32>
    %get3A_392 = arith.constant 0 : index
    %get3A_393 = arith.constant 16768 : index
    %get3A_394 = vector.load %arg1[%get3A_392, %get3A_393] : memref<8x32768xf32, #tpu.memory_space<vmem>>, vector<8x128xf32>
    %get3A_395 = arith.constant 0 : index
    %get3A_396 = arith.constant 16896 : index
    %get3A_397 = vector.load %arg1[%get3A_395, %get3A_396] : memref<8x32768xf32, #tpu.memory_space<vmem>>, vector<8x128xf32>
    %get3A_398 = arith.constant 0 : index
    %get3A_399 = arith.constant 17024 : index
    %get3A_400 = vector.load %arg1[%get3A_398, %get3A_399] : memref<8x32768xf32, #tpu.memory_space<vmem>>, vector<8x128xf32>
    %get3A_401 = arith.constant 0 : index
    %get3A_402 = arith.constant 17152 : index
    %get3A_403 = vector.load %arg1[%get3A_401, %get3A_402] : memref<8x32768xf32, #tpu.memory_space<vmem>>, vector<8x128xf32>
    %get3A_404 = arith.constant 0 : index
    %get3A_405 = arith.constant 17280 : index
    %get3A_406 = vector.load %arg1[%get3A_404, %get3A_405] : memref<8x32768xf32, #tpu.memory_space<vmem>>, vector<8x128xf32>
    %get3A_407 = arith.constant 0 : index
    %get3A_408 = arith.constant 17408 : index
    %get3A_409 = vector.load %arg1[%get3A_407, %get3A_408] : memref<8x32768xf32, #tpu.memory_space<vmem>>, vector<8x128xf32>
    %get3A_410 = arith.constant 0 : index
    %get3A_411 = arith.constant 17536 : index
    %get3A_412 = vector.load %arg1[%get3A_410, %get3A_411] : memref<8x32768xf32, #tpu.memory_space<vmem>>, vector<8x128xf32>
    %get3A_413 = arith.constant 0 : index
    %get3A_414 = arith.constant 17664 : index
    %get3A_415 = vector.load %arg1[%get3A_413, %get3A_414] : memref<8x32768xf32, #tpu.memory_space<vmem>>, vector<8x128xf32>
    %get3A_416 = arith.constant 0 : index
    %get3A_417 = arith.constant 17792 : index
    %get3A_418 = vector.load %arg1[%get3A_416, %get3A_417] : memref<8x32768xf32, #tpu.memory_space<vmem>>, vector<8x128xf32>
    %get3A_419 = arith.constant 0 : index
    %get3A_420 = arith.constant 17920 : index
    %get3A_421 = vector.load %arg1[%get3A_419, %get3A_420] : memref<8x32768xf32, #tpu.memory_space<vmem>>, vector<8x128xf32>
    %get3A_422 = arith.constant 0 : index
    %get3A_423 = arith.constant 18048 : index
    %get3A_424 = vector.load %arg1[%get3A_422, %get3A_423] : memref<8x32768xf32, #tpu.memory_space<vmem>>, vector<8x128xf32>
    %get3A_425 = arith.constant 0 : index
    %get3A_426 = arith.constant 18176 : index
    %get3A_427 = vector.load %arg1[%get3A_425, %get3A_426] : memref<8x32768xf32, #tpu.memory_space<vmem>>, vector<8x128xf32>
    %get3A_428 = arith.constant 0 : index
    %get3A_429 = arith.constant 18304 : index
    %get3A_430 = vector.load %arg1[%get3A_428, %get3A_429] : memref<8x32768xf32, #tpu.memory_space<vmem>>, vector<8x128xf32>
    %get3A_431 = arith.constant 0 : index
    %get3A_432 = arith.constant 18432 : index
    %get3A_433 = vector.load %arg1[%get3A_431, %get3A_432] : memref<8x32768xf32, #tpu.memory_space<vmem>>, vector<8x128xf32>
    %get3A_434 = arith.constant 0 : index
    %get3A_435 = arith.constant 18560 : index
    %get3A_436 = vector.load %arg1[%get3A_434, %get3A_435] : memref<8x32768xf32, #tpu.memory_space<vmem>>, vector<8x128xf32>
    %get3A_437 = arith.constant 0 : index
    %get3A_438 = arith.constant 18688 : index
    %get3A_439 = vector.load %arg1[%get3A_437, %get3A_438] : memref<8x32768xf32, #tpu.memory_space<vmem>>, vector<8x128xf32>
    %get3A_440 = arith.constant 0 : index
    %get3A_441 = arith.constant 18816 : index
    %get3A_442 = vector.load %arg1[%get3A_440, %get3A_441] : memref<8x32768xf32, #tpu.memory_space<vmem>>, vector<8x128xf32>
    %get3A_443 = arith.constant 0 : index
    %get3A_444 = arith.constant 18944 : index
    %get3A_445 = vector.load %arg1[%get3A_443, %get3A_444] : memref<8x32768xf32, #tpu.memory_space<vmem>>, vector<8x128xf32>
    %get3A_446 = arith.constant 0 : index
    %get3A_447 = arith.constant 19072 : index
    %get3A_448 = vector.load %arg1[%get3A_446, %get3A_447] : memref<8x32768xf32, #tpu.memory_space<vmem>>, vector<8x128xf32>
    %get3A_449 = arith.constant 0 : index
    %get3A_450 = arith.constant 19200 : index
    %get3A_451 = vector.load %arg1[%get3A_449, %get3A_450] : memref<8x32768xf32, #tpu.memory_space<vmem>>, vector<8x128xf32>
    %get3A_452 = arith.constant 0 : index
    %get3A_453 = arith.constant 19328 : index
    %get3A_454 = vector.load %arg1[%get3A_452, %get3A_453] : memref<8x32768xf32, #tpu.memory_space<vmem>>, vector<8x128xf32>
    %get3A_455 = arith.constant 0 : index
    %get3A_456 = arith.constant 19456 : index
    %get3A_457 = vector.load %arg1[%get3A_455, %get3A_456] : memref<8x32768xf32, #tpu.memory_space<vmem>>, vector<8x128xf32>
    %get3A_458 = arith.constant 0 : index
    %get3A_459 = arith.constant 19584 : index
    %get3A_460 = vector.load %arg1[%get3A_458, %get3A_459] : memref<8x32768xf32, #tpu.memory_space<vmem>>, vector<8x128xf32>
    %get3A_461 = arith.constant 0 : index
    %get3A_462 = arith.constant 19712 : index
    %get3A_463 = vector.load %arg1[%get3A_461, %get3A_462] : memref<8x32768xf32, #tpu.memory_space<vmem>>, vector<8x128xf32>
    %get3A_464 = arith.constant 0 : index
    %get3A_465 = arith.constant 19840 : index
    %get3A_466 = vector.load %arg1[%get3A_464, %get3A_465] : memref<8x32768xf32, #tpu.memory_space<vmem>>, vector<8x128xf32>
    %get3A_467 = arith.constant 0 : index
    %get3A_468 = arith.constant 19968 : index
    %get3A_469 = vector.load %arg1[%get3A_467, %get3A_468] : memref<8x32768xf32, #tpu.memory_space<vmem>>, vector<8x128xf32>
    %get3A_470 = arith.constant 0 : index
    %get3A_471 = arith.constant 20096 : index
    %get3A_472 = vector.load %arg1[%get3A_470, %get3A_471] : memref<8x32768xf32, #tpu.memory_space<vmem>>, vector<8x128xf32>
    %get3A_473 = arith.constant 0 : index
    %get3A_474 = arith.constant 20224 : index
    %get3A_475 = vector.load %arg1[%get3A_473, %get3A_474] : memref<8x32768xf32, #tpu.memory_space<vmem>>, vector<8x128xf32>
    %get3A_476 = arith.constant 0 : index
    %get3A_477 = arith.constant 20352 : index
    %get3A_478 = vector.load %arg1[%get3A_476, %get3A_477] : memref<8x32768xf32, #tpu.memory_space<vmem>>, vector<8x128xf32>
    %get3A_479 = arith.constant 0 : index
    %get3A_480 = arith.constant 20480 : index
    %get3A_481 = vector.load %arg1[%get3A_479, %get3A_480] : memref<8x32768xf32, #tpu.memory_space<vmem>>, vector<8x128xf32>
    %get3A_482 = arith.constant 0 : index
    %get3A_483 = arith.constant 20608 : index
    %get3A_484 = vector.load %arg1[%get3A_482, %get3A_483] : memref<8x32768xf32, #tpu.memory_space<vmem>>, vector<8x128xf32>
    %get3A_485 = arith.constant 0 : index
    %get3A_486 = arith.constant 20736 : index
    %get3A_487 = vector.load %arg1[%get3A_485, %get3A_486] : memref<8x32768xf32, #tpu.memory_space<vmem>>, vector<8x128xf32>
    %get3A_488 = arith.constant 0 : index
    %get3A_489 = arith.constant 20864 : index
    %get3A_490 = vector.load %arg1[%get3A_488, %get3A_489] : memref<8x32768xf32, #tpu.memory_space<vmem>>, vector<8x128xf32>
    %get3A_491 = arith.constant 0 : index
    %get3A_492 = arith.constant 20992 : index
    %get3A_493 = vector.load %arg1[%get3A_491, %get3A_492] : memref<8x32768xf32, #tpu.memory_space<vmem>>, vector<8x128xf32>
    %get3A_494 = arith.constant 0 : index
    %get3A_495 = arith.constant 21120 : index
    %get3A_496 = vector.load %arg1[%get3A_494, %get3A_495] : memref<8x32768xf32, #tpu.memory_space<vmem>>, vector<8x128xf32>
    %get3A_497 = arith.constant 0 : index
    %get3A_498 = arith.constant 21248 : index
    %get3A_499 = vector.load %arg1[%get3A_497, %get3A_498] : memref<8x32768xf32, #tpu.memory_space<vmem>>, vector<8x128xf32>
    %get3A_500 = arith.constant 0 : index
    %get3A_501 = arith.constant 21376 : index
    %get3A_502 = vector.load %arg1[%get3A_500, %get3A_501] : memref<8x32768xf32, #tpu.memory_space<vmem>>, vector<8x128xf32>
    %get3A_503 = arith.constant 0 : index
    %get3A_504 = arith.constant 21504 : index
    %get3A_505 = vector.load %arg1[%get3A_503, %get3A_504] : memref<8x32768xf32, #tpu.memory_space<vmem>>, vector<8x128xf32>
    %get3A_506 = arith.constant 0 : index
    %get3A_507 = arith.constant 21632 : index
    %get3A_508 = vector.load %arg1[%get3A_506, %get3A_507] : memref<8x32768xf32, #tpu.memory_space<vmem>>, vector<8x128xf32>
    %get3A_509 = arith.constant 0 : index
    %get3A_510 = arith.constant 21760 : index
    %get3A_511 = vector.load %arg1[%get3A_509, %get3A_510] : memref<8x32768xf32, #tpu.memory_space<vmem>>, vector<8x128xf32>
    %get3A_512 = arith.constant 0 : index
    %get3A_513 = arith.constant 21888 : index
    %get3A_514 = vector.load %arg1[%get3A_512, %get3A_513] : memref<8x32768xf32, #tpu.memory_space<vmem>>, vector<8x128xf32>
    %get3A_515 = arith.constant 0 : index
    %get3A_516 = arith.constant 22016 : index
    %get3A_517 = vector.load %arg1[%get3A_515, %get3A_516] : memref<8x32768xf32, #tpu.memory_space<vmem>>, vector<8x128xf32>
    %get3A_518 = arith.constant 0 : index
    %get3A_519 = arith.constant 22144 : index
    %get3A_520 = vector.load %arg1[%get3A_518, %get3A_519] : memref<8x32768xf32, #tpu.memory_space<vmem>>, vector<8x128xf32>
    %get3A_521 = arith.constant 0 : index
    %get3A_522 = arith.constant 22272 : index
    %get3A_523 = vector.load %arg1[%get3A_521, %get3A_522] : memref<8x32768xf32, #tpu.memory_space<vmem>>, vector<8x128xf32>
    %get3A_524 = arith.constant 0 : index
    %get3A_525 = arith.constant 22400 : index
    %get3A_526 = vector.load %arg1[%get3A_524, %get3A_525] : memref<8x32768xf32, #tpu.memory_space<vmem>>, vector<8x128xf32>
    %get3A_527 = arith.constant 0 : index
    %get3A_528 = arith.constant 22528 : index
    %get3A_529 = vector.load %arg1[%get3A_527, %get3A_528] : memref<8x32768xf32, #tpu.memory_space<vmem>>, vector<8x128xf32>
    %get3A_530 = arith.constant 0 : index
    %get3A_531 = arith.constant 22656 : index
    %get3A_532 = vector.load %arg1[%get3A_530, %get3A_531] : memref<8x32768xf32, #tpu.memory_space<vmem>>, vector<8x128xf32>
    %get3A_533 = arith.constant 0 : index
    %get3A_534 = arith.constant 22784 : index
    %get3A_535 = vector.load %arg1[%get3A_533, %get3A_534] : memref<8x32768xf32, #tpu.memory_space<vmem>>, vector<8x128xf32>
    %get3A_536 = arith.constant 0 : index
    %get3A_537 = arith.constant 22912 : index
    %get3A_538 = vector.load %arg1[%get3A_536, %get3A_537] : memref<8x32768xf32, #tpu.memory_space<vmem>>, vector<8x128xf32>
    %get3A_539 = arith.constant 0 : index
    %get3A_540 = arith.constant 23040 : index
    %get3A_541 = vector.load %arg1[%get3A_539, %get3A_540] : memref<8x32768xf32, #tpu.memory_space<vmem>>, vector<8x128xf32>
    %get3A_542 = arith.constant 0 : index
    %get3A_543 = arith.constant 23168 : index
    %get3A_544 = vector.load %arg1[%get3A_542, %get3A_543] : memref<8x32768xf32, #tpu.memory_space<vmem>>, vector<8x128xf32>
    %get3A_545 = arith.constant 0 : index
    %get3A_546 = arith.constant 23296 : index
    %get3A_547 = vector.load %arg1[%get3A_545, %get3A_546] : memref<8x32768xf32, #tpu.memory_space<vmem>>, vector<8x128xf32>
    %get3A_548 = arith.constant 0 : index
    %get3A_549 = arith.constant 23424 : index
    %get3A_550 = vector.load %arg1[%get3A_548, %get3A_549] : memref<8x32768xf32, #tpu.memory_space<vmem>>, vector<8x128xf32>
    %get3A_551 = arith.constant 0 : index
    %get3A_552 = arith.constant 23552 : index
    %get3A_553 = vector.load %arg1[%get3A_551, %get3A_552] : memref<8x32768xf32, #tpu.memory_space<vmem>>, vector<8x128xf32>
    %get3A_554 = arith.constant 0 : index
    %get3A_555 = arith.constant 23680 : index
    %get3A_556 = vector.load %arg1[%get3A_554, %get3A_555] : memref<8x32768xf32, #tpu.memory_space<vmem>>, vector<8x128xf32>
    %get3A_557 = arith.constant 0 : index
    %get3A_558 = arith.constant 23808 : index
    %get3A_559 = vector.load %arg1[%get3A_557, %get3A_558] : memref<8x32768xf32, #tpu.memory_space<vmem>>, vector<8x128xf32>
    %get3A_560 = arith.constant 0 : index
    %get3A_561 = arith.constant 23936 : index
    %get3A_562 = vector.load %arg1[%get3A_560, %get3A_561] : memref<8x32768xf32, #tpu.memory_space<vmem>>, vector<8x128xf32>
    %get3A_563 = arith.constant 0 : index
    %get3A_564 = arith.constant 24064 : index
    %get3A_565 = vector.load %arg1[%get3A_563, %get3A_564] : memref<8x32768xf32, #tpu.memory_space<vmem>>, vector<8x128xf32>
    %get3A_566 = arith.constant 0 : index
    %get3A_567 = arith.constant 24192 : index
    %get3A_568 = vector.load %arg1[%get3A_566, %get3A_567] : memref<8x32768xf32, #tpu.memory_space<vmem>>, vector<8x128xf32>
    %get3A_569 = arith.constant 0 : index
    %get3A_570 = arith.constant 24320 : index
    %get3A_571 = vector.load %arg1[%get3A_569, %get3A_570] : memref<8x32768xf32, #tpu.memory_space<vmem>>, vector<8x128xf32>
    %get3A_572 = arith.constant 0 : index
    %get3A_573 = arith.constant 24448 : index
    %get3A_574 = vector.load %arg1[%get3A_572, %get3A_573] : memref<8x32768xf32, #tpu.memory_space<vmem>>, vector<8x128xf32>
    %get3A_575 = arith.constant 0 : index
    %get3A_576 = arith.constant 24576 : index
    %get3A_577 = vector.load %arg1[%get3A_575, %get3A_576] : memref<8x32768xf32, #tpu.memory_space<vmem>>, vector<8x128xf32>
    %get3A_578 = arith.constant 0 : index
    %get3A_579 = arith.constant 24704 : index
    %get3A_580 = vector.load %arg1[%get3A_578, %get3A_579] : memref<8x32768xf32, #tpu.memory_space<vmem>>, vector<8x128xf32>
    %get3A_581 = arith.constant 0 : index
    %get3A_582 = arith.constant 24832 : index
    %get3A_583 = vector.load %arg1[%get3A_581, %get3A_582] : memref<8x32768xf32, #tpu.memory_space<vmem>>, vector<8x128xf32>
    %get3A_584 = arith.constant 0 : index
    %get3A_585 = arith.constant 24960 : index
    %get3A_586 = vector.load %arg1[%get3A_584, %get3A_585] : memref<8x32768xf32, #tpu.memory_space<vmem>>, vector<8x128xf32>
    %get3A_587 = arith.constant 0 : index
    %get3A_588 = arith.constant 25088 : index
    %get3A_589 = vector.load %arg1[%get3A_587, %get3A_588] : memref<8x32768xf32, #tpu.memory_space<vmem>>, vector<8x128xf32>
    %get3A_590 = arith.constant 0 : index
    %get3A_591 = arith.constant 25216 : index
    %get3A_592 = vector.load %arg1[%get3A_590, %get3A_591] : memref<8x32768xf32, #tpu.memory_space<vmem>>, vector<8x128xf32>
    %get3A_593 = arith.constant 0 : index
    %get3A_594 = arith.constant 25344 : index
    %get3A_595 = vector.load %arg1[%get3A_593, %get3A_594] : memref<8x32768xf32, #tpu.memory_space<vmem>>, vector<8x128xf32>
    %get3A_596 = arith.constant 0 : index
    %get3A_597 = arith.constant 25472 : index
    %get3A_598 = vector.load %arg1[%get3A_596, %get3A_597] : memref<8x32768xf32, #tpu.memory_space<vmem>>, vector<8x128xf32>
    %get3A_599 = arith.constant 0 : index
    %get3A_600 = arith.constant 25600 : index
    %get3A_601 = vector.load %arg1[%get3A_599, %get3A_600] : memref<8x32768xf32, #tpu.memory_space<vmem>>, vector<8x128xf32>
    %get3A_602 = arith.constant 0 : index
    %get3A_603 = arith.constant 25728 : index
    %get3A_604 = vector.load %arg1[%get3A_602, %get3A_603] : memref<8x32768xf32, #tpu.memory_space<vmem>>, vector<8x128xf32>
    %get3A_605 = arith.constant 0 : index
    %get3A_606 = arith.constant 25856 : index
    %get3A_607 = vector.load %arg1[%get3A_605, %get3A_606] : memref<8x32768xf32, #tpu.memory_space<vmem>>, vector<8x128xf32>
    %get3A_608 = arith.constant 0 : index
    %get3A_609 = arith.constant 25984 : index
    %get3A_610 = vector.load %arg1[%get3A_608, %get3A_609] : memref<8x32768xf32, #tpu.memory_space<vmem>>, vector<8x128xf32>
    %get3A_611 = arith.constant 0 : index
    %get3A_612 = arith.constant 26112 : index
    %get3A_613 = vector.load %arg1[%get3A_611, %get3A_612] : memref<8x32768xf32, #tpu.memory_space<vmem>>, vector<8x128xf32>
    %get3A_614 = arith.constant 0 : index
    %get3A_615 = arith.constant 26240 : index
    %get3A_616 = vector.load %arg1[%get3A_614, %get3A_615] : memref<8x32768xf32, #tpu.memory_space<vmem>>, vector<8x128xf32>
    %get3A_617 = arith.constant 0 : index
    %get3A_618 = arith.constant 26368 : index
    %get3A_619 = vector.load %arg1[%get3A_617, %get3A_618] : memref<8x32768xf32, #tpu.memory_space<vmem>>, vector<8x128xf32>
    %get3A_620 = arith.constant 0 : index
    %get3A_621 = arith.constant 26496 : index
    %get3A_622 = vector.load %arg1[%get3A_620, %get3A_621] : memref<8x32768xf32, #tpu.memory_space<vmem>>, vector<8x128xf32>
    %get3A_623 = arith.constant 0 : index
    %get3A_624 = arith.constant 26624 : index
    %get3A_625 = vector.load %arg1[%get3A_623, %get3A_624] : memref<8x32768xf32, #tpu.memory_space<vmem>>, vector<8x128xf32>
    %get3A_626 = arith.constant 0 : index
    %get3A_627 = arith.constant 26752 : index
    %get3A_628 = vector.load %arg1[%get3A_626, %get3A_627] : memref<8x32768xf32, #tpu.memory_space<vmem>>, vector<8x128xf32>
    %get3A_629 = arith.constant 0 : index
    %get3A_630 = arith.constant 26880 : index
    %get3A_631 = vector.load %arg1[%get3A_629, %get3A_630] : memref<8x32768xf32, #tpu.memory_space<vmem>>, vector<8x128xf32>
    %get3A_632 = arith.constant 0 : index
    %get3A_633 = arith.constant 27008 : index
    %get3A_634 = vector.load %arg1[%get3A_632, %get3A_633] : memref<8x32768xf32, #tpu.memory_space<vmem>>, vector<8x128xf32>
    %get3A_635 = arith.constant 0 : index
    %get3A_636 = arith.constant 27136 : index
    %get3A_637 = vector.load %arg1[%get3A_635, %get3A_636] : memref<8x32768xf32, #tpu.memory_space<vmem>>, vector<8x128xf32>
    %get3A_638 = arith.constant 0 : index
    %get3A_639 = arith.constant 27264 : index
    %get3A_640 = vector.load %arg1[%get3A_638, %get3A_639] : memref<8x32768xf32, #tpu.memory_space<vmem>>, vector<8x128xf32>
    %get3A_641 = arith.constant 0 : index
    %get3A_642 = arith.constant 27392 : index
    %get3A_643 = vector.load %arg1[%get3A_641, %get3A_642] : memref<8x32768xf32, #tpu.memory_space<vmem>>, vector<8x128xf32>
    %get3A_644 = arith.constant 0 : index
    %get3A_645 = arith.constant 27520 : index
    %get3A_646 = vector.load %arg1[%get3A_644, %get3A_645] : memref<8x32768xf32, #tpu.memory_space<vmem>>, vector<8x128xf32>
    %get3A_647 = arith.constant 0 : index
    %get3A_648 = arith.constant 27648 : index
    %get3A_649 = vector.load %arg1[%get3A_647, %get3A_648] : memref<8x32768xf32, #tpu.memory_space<vmem>>, vector<8x128xf32>
    %get3A_650 = arith.constant 0 : index
    %get3A_651 = arith.constant 27776 : index
    %get3A_652 = vector.load %arg1[%get3A_650, %get3A_651] : memref<8x32768xf32, #tpu.memory_space<vmem>>, vector<8x128xf32>
    %get3A_653 = arith.constant 0 : index
    %get3A_654 = arith.constant 27904 : index
    %get3A_655 = vector.load %arg1[%get3A_653, %get3A_654] : memref<8x32768xf32, #tpu.memory_space<vmem>>, vector<8x128xf32>
    %get3A_656 = arith.constant 0 : index
    %get3A_657 = arith.constant 28032 : index
    %get3A_658 = vector.load %arg1[%get3A_656, %get3A_657] : memref<8x32768xf32, #tpu.memory_space<vmem>>, vector<8x128xf32>
    %get3A_659 = arith.constant 0 : index
    %get3A_660 = arith.constant 28160 : index
    %get3A_661 = vector.load %arg1[%get3A_659, %get3A_660] : memref<8x32768xf32, #tpu.memory_space<vmem>>, vector<8x128xf32>
    %get3A_662 = arith.constant 0 : index
    %get3A_663 = arith.constant 28288 : index
    %get3A_664 = vector.load %arg1[%get3A_662, %get3A_663] : memref<8x32768xf32, #tpu.memory_space<vmem>>, vector<8x128xf32>
    %get3A_665 = arith.constant 0 : index
    %get3A_666 = arith.constant 28416 : index
    %get3A_667 = vector.load %arg1[%get3A_665, %get3A_666] : memref<8x32768xf32, #tpu.memory_space<vmem>>, vector<8x128xf32>
    %get3A_668 = arith.constant 0 : index
    %get3A_669 = arith.constant 28544 : index
    %get3A_670 = vector.load %arg1[%get3A_668, %get3A_669] : memref<8x32768xf32, #tpu.memory_space<vmem>>, vector<8x128xf32>
    %get3A_671 = arith.constant 0 : index
    %get3A_672 = arith.constant 28672 : index
    %get3A_673 = vector.load %arg1[%get3A_671, %get3A_672] : memref<8x32768xf32, #tpu.memory_space<vmem>>, vector<8x128xf32>
    %get3A_674 = arith.constant 0 : index
    %get3A_675 = arith.constant 28800 : index
    %get3A_676 = vector.load %arg1[%get3A_674, %get3A_675] : memref<8x32768xf32, #tpu.memory_space<vmem>>, vector<8x128xf32>
    %get3A_677 = arith.constant 0 : index
    %get3A_678 = arith.constant 28928 : index
    %get3A_679 = vector.load %arg1[%get3A_677, %get3A_678] : memref<8x32768xf32, #tpu.memory_space<vmem>>, vector<8x128xf32>
    %get3A_680 = arith.constant 0 : index
    %get3A_681 = arith.constant 29056 : index
    %get3A_682 = vector.load %arg1[%get3A_680, %get3A_681] : memref<8x32768xf32, #tpu.memory_space<vmem>>, vector<8x128xf32>
    %get3A_683 = arith.constant 0 : index
    %get3A_684 = arith.constant 29184 : index
    %get3A_685 = vector.load %arg1[%get3A_683, %get3A_684] : memref<8x32768xf32, #tpu.memory_space<vmem>>, vector<8x128xf32>
    %get3A_686 = arith.constant 0 : index
    %get3A_687 = arith.constant 29312 : index
    %get3A_688 = vector.load %arg1[%get3A_686, %get3A_687] : memref<8x32768xf32, #tpu.memory_space<vmem>>, vector<8x128xf32>
    %get3A_689 = arith.constant 0 : index
    %get3A_690 = arith.constant 29440 : index
    %get3A_691 = vector.load %arg1[%get3A_689, %get3A_690] : memref<8x32768xf32, #tpu.memory_space<vmem>>, vector<8x128xf32>
    %get3A_692 = arith.constant 0 : index
    %get3A_693 = arith.constant 29568 : index
    %get3A_694 = vector.load %arg1[%get3A_692, %get3A_693] : memref<8x32768xf32, #tpu.memory_space<vmem>>, vector<8x128xf32>
    %get3A_695 = arith.constant 0 : index
    %get3A_696 = arith.constant 29696 : index
    %get3A_697 = vector.load %arg1[%get3A_695, %get3A_696] : memref<8x32768xf32, #tpu.memory_space<vmem>>, vector<8x128xf32>
    %get3A_698 = arith.constant 0 : index
    %get3A_699 = arith.constant 29824 : index
    %get3A_700 = vector.load %arg1[%get3A_698, %get3A_699] : memref<8x32768xf32, #tpu.memory_space<vmem>>, vector<8x128xf32>
    %get3A_701 = arith.constant 0 : index
    %get3A_702 = arith.constant 29952 : index
    %get3A_703 = vector.load %arg1[%get3A_701, %get3A_702] : memref<8x32768xf32, #tpu.memory_space<vmem>>, vector<8x128xf32>
    %get3A_704 = arith.constant 0 : index
    %get3A_705 = arith.constant 30080 : index
    %get3A_706 = vector.load %arg1[%get3A_704, %get3A_705] : memref<8x32768xf32, #tpu.memory_space<vmem>>, vector<8x128xf32>
    %get3A_707 = arith.constant 0 : index
    %get3A_708 = arith.constant 30208 : index
    %get3A_709 = vector.load %arg1[%get3A_707, %get3A_708] : memref<8x32768xf32, #tpu.memory_space<vmem>>, vector<8x128xf32>
    %get3A_710 = arith.constant 0 : index
    %get3A_711 = arith.constant 30336 : index
    %get3A_712 = vector.load %arg1[%get3A_710, %get3A_711] : memref<8x32768xf32, #tpu.memory_space<vmem>>, vector<8x128xf32>
    %get3A_713 = arith.constant 0 : index
    %get3A_714 = arith.constant 30464 : index
    %get3A_715 = vector.load %arg1[%get3A_713, %get3A_714] : memref<8x32768xf32, #tpu.memory_space<vmem>>, vector<8x128xf32>
    %get3A_716 = arith.constant 0 : index
    %get3A_717 = arith.constant 30592 : index
    %get3A_718 = vector.load %arg1[%get3A_716, %get3A_717] : memref<8x32768xf32, #tpu.memory_space<vmem>>, vector<8x128xf32>
    %get3A_719 = arith.constant 0 : index
    %get3A_720 = arith.constant 30720 : index
    %get3A_721 = vector.load %arg1[%get3A_719, %get3A_720] : memref<8x32768xf32, #tpu.memory_space<vmem>>, vector<8x128xf32>
    %get3A_722 = arith.constant 0 : index
    %get3A_723 = arith.constant 30848 : index
    %get3A_724 = vector.load %arg1[%get3A_722, %get3A_723] : memref<8x32768xf32, #tpu.memory_space<vmem>>, vector<8x128xf32>
    %get3A_725 = arith.constant 0 : index
    %get3A_726 = arith.constant 30976 : index
    %get3A_727 = vector.load %arg1[%get3A_725, %get3A_726] : memref<8x32768xf32, #tpu.memory_space<vmem>>, vector<8x128xf32>
    %get3A_728 = arith.constant 0 : index
    %get3A_729 = arith.constant 31104 : index
    %get3A_730 = vector.load %arg1[%get3A_728, %get3A_729] : memref<8x32768xf32, #tpu.memory_space<vmem>>, vector<8x128xf32>
    %get3A_731 = arith.constant 0 : index
    %get3A_732 = arith.constant 31232 : index
    %get3A_733 = vector.load %arg1[%get3A_731, %get3A_732] : memref<8x32768xf32, #tpu.memory_space<vmem>>, vector<8x128xf32>
    %get3A_734 = arith.constant 0 : index
    %get3A_735 = arith.constant 31360 : index
    %get3A_736 = vector.load %arg1[%get3A_734, %get3A_735] : memref<8x32768xf32, #tpu.memory_space<vmem>>, vector<8x128xf32>
    %get3A_737 = arith.constant 0 : index
    %get3A_738 = arith.constant 31488 : index
    %get3A_739 = vector.load %arg1[%get3A_737, %get3A_738] : memref<8x32768xf32, #tpu.memory_space<vmem>>, vector<8x128xf32>
    %get3A_740 = arith.constant 0 : index
    %get3A_741 = arith.constant 31616 : index
    %get3A_742 = vector.load %arg1[%get3A_740, %get3A_741] : memref<8x32768xf32, #tpu.memory_space<vmem>>, vector<8x128xf32>
    %get3A_743 = arith.constant 0 : index
    %get3A_744 = arith.constant 31744 : index
    %get3A_745 = vector.load %arg1[%get3A_743, %get3A_744] : memref<8x32768xf32, #tpu.memory_space<vmem>>, vector<8x128xf32>
    %get3A_746 = arith.constant 0 : index
    %get3A_747 = arith.constant 31872 : index
    %get3A_748 = vector.load %arg1[%get3A_746, %get3A_747] : memref<8x32768xf32, #tpu.memory_space<vmem>>, vector<8x128xf32>
    %get3A_749 = arith.constant 0 : index
    %get3A_750 = arith.constant 32000 : index
    %get3A_751 = vector.load %arg1[%get3A_749, %get3A_750] : memref<8x32768xf32, #tpu.memory_space<vmem>>, vector<8x128xf32>
    %get3A_752 = arith.constant 0 : index
    %get3A_753 = arith.constant 32128 : index
    %get3A_754 = vector.load %arg1[%get3A_752, %get3A_753] : memref<8x32768xf32, #tpu.memory_space<vmem>>, vector<8x128xf32>
    %get3A_755 = arith.constant 0 : index
    %get3A_756 = arith.constant 32256 : index
    %get3A_757 = vector.load %arg1[%get3A_755, %get3A_756] : memref<8x32768xf32, #tpu.memory_space<vmem>>, vector<8x128xf32>
    %get3A_758 = arith.constant 0 : index
    %get3A_759 = arith.constant 32384 : index
    %get3A_760 = vector.load %arg1[%get3A_758, %get3A_759] : memref<8x32768xf32, #tpu.memory_space<vmem>>, vector<8x128xf32>
    %get3A_761 = arith.constant 0 : index
    %get3A_762 = arith.constant 32512 : index
    %get3A_763 = vector.load %arg1[%get3A_761, %get3A_762] : memref<8x32768xf32, #tpu.memory_space<vmem>>, vector<8x128xf32>
    %get3A_764 = arith.constant 0 : index
    %get3A_765 = arith.constant 32640 : index
    %get3A_766 = vector.load %arg1[%get3A_764, %get3A_765] : memref<8x32768xf32, #tpu.memory_space<vmem>>, vector<8x128xf32>
    %add3A = arith.constant 0 : i32
    %add3A_767 = vector.broadcast %add3A : i32 to vector<8x128xi32>
    %add3A_768 = arith.addi %iota3A, %add3A_767 : vector<8x128xi32>
    %add3A_769 = arith.constant 128 : i32
    %add3A_770 = vector.broadcast %add3A_769 : i32 to vector<8x128xi32>
    %add3A_771 = arith.addi %iota3A, %add3A_770 : vector<8x128xi32>
    %add3A_772 = arith.constant 256 : i32
    %add3A_773 = vector.broadcast %add3A_772 : i32 to vector<8x128xi32>
    %add3A_774 = arith.addi %iota3A, %add3A_773 : vector<8x128xi32>
    %add3A_775 = arith.constant 384 : i32
    %add3A_776 = vector.broadcast %add3A_775 : i32 to vector<8x128xi32>
    %add3A_777 = arith.addi %iota3A, %add3A_776 : vector<8x128xi32>
    %add3A_778 = arith.constant 512 : i32
    %add3A_779 = vector.broadcast %add3A_778 : i32 to vector<8x128xi32>
    %add3A_780 = arith.addi %iota3A, %add3A_779 : vector<8x128xi32>
    %add3A_781 = arith.constant 640 : i32
    %add3A_782 = vector.broadcast %add3A_781 : i32 to vector<8x128xi32>
    %add3A_783 = arith.addi %iota3A, %add3A_782 : vector<8x128xi32>
    %add3A_784 = arith.constant 768 : i32
    %add3A_785 = vector.broadcast %add3A_784 : i32 to vector<8x128xi32>
    %add3A_786 = arith.addi %iota3A, %add3A_785 : vector<8x128xi32>
    %add3A_787 = arith.constant 896 : i32
    %add3A_788 = vector.broadcast %add3A_787 : i32 to vector<8x128xi32>
    %add3A_789 = arith.addi %iota3A, %add3A_788 : vector<8x128xi32>
    %add3A_790 = arith.constant 1024 : i32
    %add3A_791 = vector.broadcast %add3A_790 : i32 to vector<8x128xi32>
    %add3A_792 = arith.addi %iota3A, %add3A_791 : vector<8x128xi32>
    %add3A_793 = arith.constant 1152 : i32
    %add3A_794 = vector.broadcast %add3A_793 : i32 to vector<8x128xi32>
    %add3A_795 = arith.addi %iota3A, %add3A_794 : vector<8x128xi32>
    %add3A_796 = arith.constant 1280 : i32
    %add3A_797 = vector.broadcast %add3A_796 : i32 to vector<8x128xi32>
    %add3A_798 = arith.addi %iota3A, %add3A_797 : vector<8x128xi32>
    %add3A_799 = arith.constant 1408 : i32
    %add3A_800 = vector.broadcast %add3A_799 : i32 to vector<8x128xi32>
    %add3A_801 = arith.addi %iota3A, %add3A_800 : vector<8x128xi32>
    %add3A_802 = arith.constant 1536 : i32
    %add3A_803 = vector.broadcast %add3A_802 : i32 to vector<8x128xi32>
    %add3A_804 = arith.addi %iota3A, %add3A_803 : vector<8x128xi32>
    %add3A_805 = arith.constant 1664 : i32
    %add3A_806 = vector.broadcast %add3A_805 : i32 to vector<8x128xi32>
    %add3A_807 = arith.addi %iota3A, %add3A_806 : vector<8x128xi32>
    %add3A_808 = arith.constant 1792 : i32
    %add3A_809 = vector.broadcast %add3A_808 : i32 to vector<8x128xi32>
    %add3A_810 = arith.addi %iota3A, %add3A_809 : vector<8x128xi32>
    %add3A_811 = arith.constant 1920 : i32
    %add3A_812 = vector.broadcast %add3A_811 : i32 to vector<8x128xi32>
    %add3A_813 = arith.addi %iota3A, %add3A_812 : vector<8x128xi32>
    %add3A_814 = arith.constant 2048 : i32
    %add3A_815 = vector.broadcast %add3A_814 : i32 to vector<8x128xi32>
    %add3A_816 = arith.addi %iota3A, %add3A_815 : vector<8x128xi32>
    %add3A_817 = arith.constant 2176 : i32
    %add3A_818 = vector.broadcast %add3A_817 : i32 to vector<8x128xi32>
    %add3A_819 = arith.addi %iota3A, %add3A_818 : vector<8x128xi32>
    %add3A_820 = arith.constant 2304 : i32
    %add3A_821 = vector.broadcast %add3A_820 : i32 to vector<8x128xi32>
    %add3A_822 = arith.addi %iota3A, %add3A_821 : vector<8x128xi32>
    %add3A_823 = arith.constant 2432 : i32
    %add3A_824 = vector.broadcast %add3A_823 : i32 to vector<8x128xi32>
    %add3A_825 = arith.addi %iota3A, %add3A_824 : vector<8x128xi32>
    %add3A_826 = arith.constant 2560 : i32
    %add3A_827 = vector.broadcast %add3A_826 : i32 to vector<8x128xi32>
    %add3A_828 = arith.addi %iota3A, %add3A_827 : vector<8x128xi32>
    %add3A_829 = arith.constant 2688 : i32
    %add3A_830 = vector.broadcast %add3A_829 : i32 to vector<8x128xi32>
    %add3A_831 = arith.addi %iota3A, %add3A_830 : vector<8x128xi32>
    %add3A_832 = arith.constant 2816 : i32
    %add3A_833 = vector.broadcast %add3A_832 : i32 to vector<8x128xi32>
    %add3A_834 = arith.addi %iota3A, %add3A_833 : vector<8x128xi32>
    %add3A_835 = arith.constant 2944 : i32
    %add3A_836 = vector.broadcast %add3A_835 : i32 to vector<8x128xi32>
    %add3A_837 = arith.addi %iota3A, %add3A_836 : vector<8x128xi32>
    %add3A_838 = arith.constant 3072 : i32
    %add3A_839 = vector.broadcast %add3A_838 : i32 to vector<8x128xi32>
    %add3A_840 = arith.addi %iota3A, %add3A_839 : vector<8x128xi32>
    %add3A_841 = arith.constant 3200 : i32
    %add3A_842 = vector.broadcast %add3A_841 : i32 to vector<8x128xi32>
    %add3A_843 = arith.addi %iota3A, %add3A_842 : vector<8x128xi32>
    %add3A_844 = arith.constant 3328 : i32
    %add3A_845 = vector.broadcast %add3A_844 : i32 to vector<8x128xi32>
    %add3A_846 = arith.addi %iota3A, %add3A_845 : vector<8x128xi32>
    %add3A_847 = arith.constant 3456 : i32
    %add3A_848 = vector.broadcast %add3A_847 : i32 to vector<8x128xi32>
    %add3A_849 = arith.addi %iota3A, %add3A_848 : vector<8x128xi32>
    %add3A_850 = arith.constant 3584 : i32
    %add3A_851 = vector.broadcast %add3A_850 : i32 to vector<8x128xi32>
    %add3A_852 = arith.addi %iota3A, %add3A_851 : vector<8x128xi32>
    %add3A_853 = arith.constant 3712 : i32
    %add3A_854 = vector.broadcast %add3A_853 : i32 to vector<8x128xi32>
    %add3A_855 = arith.addi %iota3A, %add3A_854 : vector<8x128xi32>
    %add3A_856 = arith.constant 3840 : i32
    %add3A_857 = vector.broadcast %add3A_856 : i32 to vector<8x128xi32>
    %add3A_858 = arith.addi %iota3A, %add3A_857 : vector<8x128xi32>
    %add3A_859 = arith.constant 3968 : i32
    %add3A_860 = vector.broadcast %add3A_859 : i32 to vector<8x128xi32>
    %add3A_861 = arith.addi %iota3A, %add3A_860 : vector<8x128xi32>
    %add3A_862 = arith.constant 4096 : i32
    %add3A_863 = vector.broadcast %add3A_862 : i32 to vector<8x128xi32>
    %add3A_864 = arith.addi %iota3A, %add3A_863 : vector<8x128xi32>
    %add3A_865 = arith.constant 4224 : i32
    %add3A_866 = vector.broadcast %add3A_865 : i32 to vector<8x128xi32>
    %add3A_867 = arith.addi %iota3A, %add3A_866 : vector<8x128xi32>
    %add3A_868 = arith.constant 4352 : i32
    %add3A_869 = vector.broadcast %add3A_868 : i32 to vector<8x128xi32>
    %add3A_870 = arith.addi %iota3A, %add3A_869 : vector<8x128xi32>
    %add3A_871 = arith.constant 4480 : i32
    %add3A_872 = vector.broadcast %add3A_871 : i32 to vector<8x128xi32>
    %add3A_873 = arith.addi %iota3A, %add3A_872 : vector<8x128xi32>
    %add3A_874 = arith.constant 4608 : i32
    %add3A_875 = vector.broadcast %add3A_874 : i32 to vector<8x128xi32>
    %add3A_876 = arith.addi %iota3A, %add3A_875 : vector<8x128xi32>
    %add3A_877 = arith.constant 4736 : i32
    %add3A_878 = vector.broadcast %add3A_877 : i32 to vector<8x128xi32>
    %add3A_879 = arith.addi %iota3A, %add3A_878 : vector<8x128xi32>
    %add3A_880 = arith.constant 4864 : i32
    %add3A_881 = vector.broadcast %add3A_880 : i32 to vector<8x128xi32>
    %add3A_882 = arith.addi %iota3A, %add3A_881 : vector<8x128xi32>
    %add3A_883 = arith.constant 4992 : i32
    %add3A_884 = vector.broadcast %add3A_883 : i32 to vector<8x128xi32>
    %add3A_885 = arith.addi %iota3A, %add3A_884 : vector<8x128xi32>
    %add3A_886 = arith.constant 5120 : i32
    %add3A_887 = vector.broadcast %add3A_886 : i32 to vector<8x128xi32>
    %add3A_888 = arith.addi %iota3A, %add3A_887 : vector<8x128xi32>
    %add3A_889 = arith.constant 5248 : i32
    %add3A_890 = vector.broadcast %add3A_889 : i32 to vector<8x128xi32>
    %add3A_891 = arith.addi %iota3A, %add3A_890 : vector<8x128xi32>
    %add3A_892 = arith.constant 5376 : i32
    %add3A_893 = vector.broadcast %add3A_892 : i32 to vector<8x128xi32>
    %add3A_894 = arith.addi %iota3A, %add3A_893 : vector<8x128xi32>
    %add3A_895 = arith.constant 5504 : i32
    %add3A_896 = vector.broadcast %add3A_895 : i32 to vector<8x128xi32>
    %add3A_897 = arith.addi %iota3A, %add3A_896 : vector<8x128xi32>
    %add3A_898 = arith.constant 5632 : i32
    %add3A_899 = vector.broadcast %add3A_898 : i32 to vector<8x128xi32>
    %add3A_900 = arith.addi %iota3A, %add3A_899 : vector<8x128xi32>
    %add3A_901 = arith.constant 5760 : i32
    %add3A_902 = vector.broadcast %add3A_901 : i32 to vector<8x128xi32>
    %add3A_903 = arith.addi %iota3A, %add3A_902 : vector<8x128xi32>
    %add3A_904 = arith.constant 5888 : i32
    %add3A_905 = vector.broadcast %add3A_904 : i32 to vector<8x128xi32>
    %add3A_906 = arith.addi %iota3A, %add3A_905 : vector<8x128xi32>
    %add3A_907 = arith.constant 6016 : i32
    %add3A_908 = vector.broadcast %add3A_907 : i32 to vector<8x128xi32>
    %add3A_909 = arith.addi %iota3A, %add3A_908 : vector<8x128xi32>
    %add3A_910 = arith.constant 6144 : i32
    %add3A_911 = vector.broadcast %add3A_910 : i32 to vector<8x128xi32>
    %add3A_912 = arith.addi %iota3A, %add3A_911 : vector<8x128xi32>
    %add3A_913 = arith.constant 6272 : i32
    %add3A_914 = vector.broadcast %add3A_913 : i32 to vector<8x128xi32>
    %add3A_915 = arith.addi %iota3A, %add3A_914 : vector<8x128xi32>
    %add3A_916 = arith.constant 6400 : i32
    %add3A_917 = vector.broadcast %add3A_916 : i32 to vector<8x128xi32>
    %add3A_918 = arith.addi %iota3A, %add3A_917 : vector<8x128xi32>
    %add3A_919 = arith.constant 6528 : i32
    %add3A_920 = vector.broadcast %add3A_919 : i32 to vector<8x128xi32>
    %add3A_921 = arith.addi %iota3A, %add3A_920 : vector<8x128xi32>
    %add3A_922 = arith.constant 6656 : i32
    %add3A_923 = vector.broadcast %add3A_922 : i32 to vector<8x128xi32>
    %add3A_924 = arith.addi %iota3A, %add3A_923 : vector<8x128xi32>
    %add3A_925 = arith.constant 6784 : i32
    %add3A_926 = vector.broadcast %add3A_925 : i32 to vector<8x128xi32>
    %add3A_927 = arith.addi %iota3A, %add3A_926 : vector<8x128xi32>
    %add3A_928 = arith.constant 6912 : i32
    %add3A_929 = vector.broadcast %add3A_928 : i32 to vector<8x128xi32>
    %add3A_930 = arith.addi %iota3A, %add3A_929 : vector<8x128xi32>
    %add3A_931 = arith.constant 7040 : i32
    %add3A_932 = vector.broadcast %add3A_931 : i32 to vector<8x128xi32>
    %add3A_933 = arith.addi %iota3A, %add3A_932 : vector<8x128xi32>
    %add3A_934 = arith.constant 7168 : i32
    %add3A_935 = vector.broadcast %add3A_934 : i32 to vector<8x128xi32>
    %add3A_936 = arith.addi %iota3A, %add3A_935 : vector<8x128xi32>
    %add3A_937 = arith.constant 7296 : i32
    %add3A_938 = vector.broadcast %add3A_937 : i32 to vector<8x128xi32>
    %add3A_939 = arith.addi %iota3A, %add3A_938 : vector<8x128xi32>
    %add3A_940 = arith.constant 7424 : i32
    %add3A_941 = vector.broadcast %add3A_940 : i32 to vector<8x128xi32>
    %add3A_942 = arith.addi %iota3A, %add3A_941 : vector<8x128xi32>
    %add3A_943 = arith.constant 7552 : i32
    %add3A_944 = vector.broadcast %add3A_943 : i32 to vector<8x128xi32>
    %add3A_945 = arith.addi %iota3A, %add3A_944 : vector<8x128xi32>
    %add3A_946 = arith.constant 7680 : i32
    %add3A_947 = vector.broadcast %add3A_946 : i32 to vector<8x128xi32>
    %add3A_948 = arith.addi %iota3A, %add3A_947 : vector<8x128xi32>
    %add3A_949 = arith.constant 7808 : i32
    %add3A_950 = vector.broadcast %add3A_949 : i32 to vector<8x128xi32>
    %add3A_951 = arith.addi %iota3A, %add3A_950 : vector<8x128xi32>
    %add3A_952 = arith.constant 7936 : i32
    %add3A_953 = vector.broadcast %add3A_952 : i32 to vector<8x128xi32>
    %add3A_954 = arith.addi %iota3A, %add3A_953 : vector<8x128xi32>
    %add3A_955 = arith.constant 8064 : i32
    %add3A_956 = vector.broadcast %add3A_955 : i32 to vector<8x128xi32>
    %add3A_957 = arith.addi %iota3A, %add3A_956 : vector<8x128xi32>
    %add3A_958 = arith.constant 8192 : i32
    %add3A_959 = vector.broadcast %add3A_958 : i32 to vector<8x128xi32>
    %add3A_960 = arith.addi %iota3A, %add3A_959 : vector<8x128xi32>
    %add3A_961 = arith.constant 8320 : i32
    %add3A_962 = vector.broadcast %add3A_961 : i32 to vector<8x128xi32>
    %add3A_963 = arith.addi %iota3A, %add3A_962 : vector<8x128xi32>
    %add3A_964 = arith.constant 8448 : i32
    %add3A_965 = vector.broadcast %add3A_964 : i32 to vector<8x128xi32>
    %add3A_966 = arith.addi %iota3A, %add3A_965 : vector<8x128xi32>
    %add3A_967 = arith.constant 8576 : i32
    %add3A_968 = vector.broadcast %add3A_967 : i32 to vector<8x128xi32>
    %add3A_969 = arith.addi %iota3A, %add3A_968 : vector<8x128xi32>
    %add3A_970 = arith.constant 8704 : i32
    %add3A_971 = vector.broadcast %add3A_970 : i32 to vector<8x128xi32>
    %add3A_972 = arith.addi %iota3A, %add3A_971 : vector<8x128xi32>
    %add3A_973 = arith.constant 8832 : i32
    %add3A_974 = vector.broadcast %add3A_973 : i32 to vector<8x128xi32>
    %add3A_975 = arith.addi %iota3A, %add3A_974 : vector<8x128xi32>
    %add3A_976 = arith.constant 8960 : i32
    %add3A_977 = vector.broadcast %add3A_976 : i32 to vector<8x128xi32>
    %add3A_978 = arith.addi %iota3A, %add3A_977 : vector<8x128xi32>
    %add3A_979 = arith.constant 9088 : i32
    %add3A_980 = vector.broadcast %add3A_979 : i32 to vector<8x128xi32>
    %add3A_981 = arith.addi %iota3A, %add3A_980 : vector<8x128xi32>
    %add3A_982 = arith.constant 9216 : i32
    %add3A_983 = vector.broadcast %add3A_982 : i32 to vector<8x128xi32>
    %add3A_984 = arith.addi %iota3A, %add3A_983 : vector<8x128xi32>
    %add3A_985 = arith.constant 9344 : i32
    %add3A_986 = vector.broadcast %add3A_985 : i32 to vector<8x128xi32>
    %add3A_987 = arith.addi %iota3A, %add3A_986 : vector<8x128xi32>
    %add3A_988 = arith.constant 9472 : i32
    %add3A_989 = vector.broadcast %add3A_988 : i32 to vector<8x128xi32>
    %add3A_990 = arith.addi %iota3A, %add3A_989 : vector<8x128xi32>
    %add3A_991 = arith.constant 9600 : i32
    %add3A_992 = vector.broadcast %add3A_991 : i32 to vector<8x128xi32>
    %add3A_993 = arith.addi %iota3A, %add3A_992 : vector<8x128xi32>
    %add3A_994 = arith.constant 9728 : i32
    %add3A_995 = vector.broadcast %add3A_994 : i32 to vector<8x128xi32>
    %add3A_996 = arith.addi %iota3A, %add3A_995 : vector<8x128xi32>
    %add3A_997 = arith.constant 9856 : i32
    %add3A_998 = vector.broadcast %add3A_997 : i32 to vector<8x128xi32>
    %add3A_999 = arith.addi %iota3A, %add3A_998 : vector<8x128xi32>
    %add3A_1000 = arith.constant 9984 : i32
    %add3A_1001 = vector.broadcast %add3A_1000 : i32 to vector<8x128xi32>
    %add3A_1002 = arith.addi %iota3A, %add3A_1001 : vector<8x128xi32>
    %add3A_1003 = arith.constant 10112 : i32
    %add3A_1004 = vector.broadcast %add3A_1003 : i32 to vector<8x128xi32>
    %add3A_1005 = arith.addi %iota3A, %add3A_1004 : vector<8x128xi32>
    %add3A_1006 = arith.constant 10240 : i32
    %add3A_1007 = vector.broadcast %add3A_1006 : i32 to vector<8x128xi32>
    %add3A_1008 = arith.addi %iota3A, %add3A_1007 : vector<8x128xi32>
    %add3A_1009 = arith.constant 10368 : i32
    %add3A_1010 = vector.broadcast %add3A_1009 : i32 to vector<8x128xi32>
    %add3A_1011 = arith.addi %iota3A, %add3A_1010 : vector<8x128xi32>
    %add3A_1012 = arith.constant 10496 : i32
    %add3A_1013 = vector.broadcast %add3A_1012 : i32 to vector<8x128xi32>
    %add3A_1014 = arith.addi %iota3A, %add3A_1013 : vector<8x128xi32>
    %add3A_1015 = arith.constant 10624 : i32
    %add3A_1016 = vector.broadcast %add3A_1015 : i32 to vector<8x128xi32>
    %add3A_1017 = arith.addi %iota3A, %add3A_1016 : vector<8x128xi32>
    %add3A_1018 = arith.constant 10752 : i32
    %add3A_1019 = vector.broadcast %add3A_1018 : i32 to vector<8x128xi32>
    %add3A_1020 = arith.addi %iota3A, %add3A_1019 : vector<8x128xi32>
    %add3A_1021 = arith.constant 10880 : i32
    %add3A_1022 = vector.broadcast %add3A_1021 : i32 to vector<8x128xi32>
    %add3A_1023 = arith.addi %iota3A, %add3A_1022 : vector<8x128xi32>
    %add3A_1024 = arith.constant 11008 : i32
    %add3A_1025 = vector.broadcast %add3A_1024 : i32 to vector<8x128xi32>
    %add3A_1026 = arith.addi %iota3A, %add3A_1025 : vector<8x128xi32>
    %add3A_1027 = arith.constant 11136 : i32
    %add3A_1028 = vector.broadcast %add3A_1027 : i32 to vector<8x128xi32>
    %add3A_1029 = arith.addi %iota3A, %add3A_1028 : vector<8x128xi32>
    %add3A_1030 = arith.constant 11264 : i32
    %add3A_1031 = vector.broadcast %add3A_1030 : i32 to vector<8x128xi32>
    %add3A_1032 = arith.addi %iota3A, %add3A_1031 : vector<8x128xi32>
    %add3A_1033 = arith.constant 11392 : i32
    %add3A_1034 = vector.broadcast %add3A_1033 : i32 to vector<8x128xi32>
    %add3A_1035 = arith.addi %iota3A, %add3A_1034 : vector<8x128xi32>
    %add3A_1036 = arith.constant 11520 : i32
    %add3A_1037 = vector.broadcast %add3A_1036 : i32 to vector<8x128xi32>
    %add3A_1038 = arith.addi %iota3A, %add3A_1037 : vector<8x128xi32>
    %add3A_1039 = arith.constant 11648 : i32
    %add3A_1040 = vector.broadcast %add3A_1039 : i32 to vector<8x128xi32>
    %add3A_1041 = arith.addi %iota3A, %add3A_1040 : vector<8x128xi32>
    %add3A_1042 = arith.constant 11776 : i32
    %add3A_1043 = vector.broadcast %add3A_1042 : i32 to vector<8x128xi32>
    %add3A_1044 = arith.addi %iota3A, %add3A_1043 : vector<8x128xi32>
    %add3A_1045 = arith.constant 11904 : i32
    %add3A_1046 = vector.broadcast %add3A_1045 : i32 to vector<8x128xi32>
    %add3A_1047 = arith.addi %iota3A, %add3A_1046 : vector<8x128xi32>
    %add3A_1048 = arith.constant 12032 : i32
    %add3A_1049 = vector.broadcast %add3A_1048 : i32 to vector<8x128xi32>
    %add3A_1050 = arith.addi %iota3A, %add3A_1049 : vector<8x128xi32>
    %add3A_1051 = arith.constant 12160 : i32
    %add3A_1052 = vector.broadcast %add3A_1051 : i32 to vector<8x128xi32>
    %add3A_1053 = arith.addi %iota3A, %add3A_1052 : vector<8x128xi32>
    %add3A_1054 = arith.constant 12288 : i32
    %add3A_1055 = vector.broadcast %add3A_1054 : i32 to vector<8x128xi32>
    %add3A_1056 = arith.addi %iota3A, %add3A_1055 : vector<8x128xi32>
    %add3A_1057 = arith.constant 12416 : i32
    %add3A_1058 = vector.broadcast %add3A_1057 : i32 to vector<8x128xi32>
    %add3A_1059 = arith.addi %iota3A, %add3A_1058 : vector<8x128xi32>
    %add3A_1060 = arith.constant 12544 : i32
    %add3A_1061 = vector.broadcast %add3A_1060 : i32 to vector<8x128xi32>
    %add3A_1062 = arith.addi %iota3A, %add3A_1061 : vector<8x128xi32>
    %add3A_1063 = arith.constant 12672 : i32
    %add3A_1064 = vector.broadcast %add3A_1063 : i32 to vector<8x128xi32>
    %add3A_1065 = arith.addi %iota3A, %add3A_1064 : vector<8x128xi32>
    %add3A_1066 = arith.constant 12800 : i32
    %add3A_1067 = vector.broadcast %add3A_1066 : i32 to vector<8x128xi32>
    %add3A_1068 = arith.addi %iota3A, %add3A_1067 : vector<8x128xi32>
    %add3A_1069 = arith.constant 12928 : i32
    %add3A_1070 = vector.broadcast %add3A_1069 : i32 to vector<8x128xi32>
    %add3A_1071 = arith.addi %iota3A, %add3A_1070 : vector<8x128xi32>
    %add3A_1072 = arith.constant 13056 : i32
    %add3A_1073 = vector.broadcast %add3A_1072 : i32 to vector<8x128xi32>
    %add3A_1074 = arith.addi %iota3A, %add3A_1073 : vector<8x128xi32>
    %add3A_1075 = arith.constant 13184 : i32
    %add3A_1076 = vector.broadcast %add3A_1075 : i32 to vector<8x128xi32>
    %add3A_1077 = arith.addi %iota3A, %add3A_1076 : vector<8x128xi32>
    %add3A_1078 = arith.constant 13312 : i32
    %add3A_1079 = vector.broadcast %add3A_1078 : i32 to vector<8x128xi32>
    %add3A_1080 = arith.addi %iota3A, %add3A_1079 : vector<8x128xi32>
    %add3A_1081 = arith.constant 13440 : i32
    %add3A_1082 = vector.broadcast %add3A_1081 : i32 to vector<8x128xi32>
    %add3A_1083 = arith.addi %iota3A, %add3A_1082 : vector<8x128xi32>
    %add3A_1084 = arith.constant 13568 : i32
    %add3A_1085 = vector.broadcast %add3A_1084 : i32 to vector<8x128xi32>
    %add3A_1086 = arith.addi %iota3A, %add3A_1085 : vector<8x128xi32>
    %add3A_1087 = arith.constant 13696 : i32
    %add3A_1088 = vector.broadcast %add3A_1087 : i32 to vector<8x128xi32>
    %add3A_1089 = arith.addi %iota3A, %add3A_1088 : vector<8x128xi32>
    %add3A_1090 = arith.constant 13824 : i32
    %add3A_1091 = vector.broadcast %add3A_1090 : i32 to vector<8x128xi32>
    %add3A_1092 = arith.addi %iota3A, %add3A_1091 : vector<8x128xi32>
    %add3A_1093 = arith.constant 13952 : i32
    %add3A_1094 = vector.broadcast %add3A_1093 : i32 to vector<8x128xi32>
    %add3A_1095 = arith.addi %iota3A, %add3A_1094 : vector<8x128xi32>
    %add3A_1096 = arith.constant 14080 : i32
    %add3A_1097 = vector.broadcast %add3A_1096 : i32 to vector<8x128xi32>
    %add3A_1098 = arith.addi %iota3A, %add3A_1097 : vector<8x128xi32>
    %add3A_1099 = arith.constant 14208 : i32
    %add3A_1100 = vector.broadcast %add3A_1099 : i32 to vector<8x128xi32>
    %add3A_1101 = arith.addi %iota3A, %add3A_1100 : vector<8x128xi32>
    %add3A_1102 = arith.constant 14336 : i32
    %add3A_1103 = vector.broadcast %add3A_1102 : i32 to vector<8x128xi32>
    %add3A_1104 = arith.addi %iota3A, %add3A_1103 : vector<8x128xi32>
    %add3A_1105 = arith.constant 14464 : i32
    %add3A_1106 = vector.broadcast %add3A_1105 : i32 to vector<8x128xi32>
    %add3A_1107 = arith.addi %iota3A, %add3A_1106 : vector<8x128xi32>
    %add3A_1108 = arith.constant 14592 : i32
    %add3A_1109 = vector.broadcast %add3A_1108 : i32 to vector<8x128xi32>
    %add3A_1110 = arith.addi %iota3A, %add3A_1109 : vector<8x128xi32>
    %add3A_1111 = arith.constant 14720 : i32
    %add3A_1112 = vector.broadcast %add3A_1111 : i32 to vector<8x128xi32>
    %add3A_1113 = arith.addi %iota3A, %add3A_1112 : vector<8x128xi32>
    %add3A_1114 = arith.constant 14848 : i32
    %add3A_1115 = vector.broadcast %add3A_1114 : i32 to vector<8x128xi32>
    %add3A_1116 = arith.addi %iota3A, %add3A_1115 : vector<8x128xi32>
    %add3A_1117 = arith.constant 14976 : i32
    %add3A_1118 = vector.broadcast %add3A_1117 : i32 to vector<8x128xi32>
    %add3A_1119 = arith.addi %iota3A, %add3A_1118 : vector<8x128xi32>
    %add3A_1120 = arith.constant 15104 : i32
    %add3A_1121 = vector.broadcast %add3A_1120 : i32 to vector<8x128xi32>
    %add3A_1122 = arith.addi %iota3A, %add3A_1121 : vector<8x128xi32>
    %add3A_1123 = arith.constant 15232 : i32
    %add3A_1124 = vector.broadcast %add3A_1123 : i32 to vector<8x128xi32>
    %add3A_1125 = arith.addi %iota3A, %add3A_1124 : vector<8x128xi32>
    %add3A_1126 = arith.constant 15360 : i32
    %add3A_1127 = vector.broadcast %add3A_1126 : i32 to vector<8x128xi32>
    %add3A_1128 = arith.addi %iota3A, %add3A_1127 : vector<8x128xi32>
    %add3A_1129 = arith.constant 15488 : i32
    %add3A_1130 = vector.broadcast %add3A_1129 : i32 to vector<8x128xi32>
    %add3A_1131 = arith.addi %iota3A, %add3A_1130 : vector<8x128xi32>
    %add3A_1132 = arith.constant 15616 : i32
    %add3A_1133 = vector.broadcast %add3A_1132 : i32 to vector<8x128xi32>
    %add3A_1134 = arith.addi %iota3A, %add3A_1133 : vector<8x128xi32>
    %add3A_1135 = arith.constant 15744 : i32
    %add3A_1136 = vector.broadcast %add3A_1135 : i32 to vector<8x128xi32>
    %add3A_1137 = arith.addi %iota3A, %add3A_1136 : vector<8x128xi32>
    %add3A_1138 = arith.constant 15872 : i32
    %add3A_1139 = vector.broadcast %add3A_1138 : i32 to vector<8x128xi32>
    %add3A_1140 = arith.addi %iota3A, %add3A_1139 : vector<8x128xi32>
    %add3A_1141 = arith.constant 16000 : i32
    %add3A_1142 = vector.broadcast %add3A_1141 : i32 to vector<8x128xi32>
    %add3A_1143 = arith.addi %iota3A, %add3A_1142 : vector<8x128xi32>
    %add3A_1144 = arith.constant 16128 : i32
    %add3A_1145 = vector.broadcast %add3A_1144 : i32 to vector<8x128xi32>
    %add3A_1146 = arith.addi %iota3A, %add3A_1145 : vector<8x128xi32>
    %add3A_1147 = arith.constant 16256 : i32
    %add3A_1148 = vector.broadcast %add3A_1147 : i32 to vector<8x128xi32>
    %add3A_1149 = arith.addi %iota3A, %add3A_1148 : vector<8x128xi32>
    %add3A_1150 = arith.constant 16384 : i32
    %add3A_1151 = vector.broadcast %add3A_1150 : i32 to vector<8x128xi32>
    %add3A_1152 = arith.addi %iota3A, %add3A_1151 : vector<8x128xi32>
    %add3A_1153 = arith.constant 16512 : i32
    %add3A_1154 = vector.broadcast %add3A_1153 : i32 to vector<8x128xi32>
    %add3A_1155 = arith.addi %iota3A, %add3A_1154 : vector<8x128xi32>
    %add3A_1156 = arith.constant 16640 : i32
    %add3A_1157 = vector.broadcast %add3A_1156 : i32 to vector<8x128xi32>
    %add3A_1158 = arith.addi %iota3A, %add3A_1157 : vector<8x128xi32>
    %add3A_1159 = arith.constant 16768 : i32
    %add3A_1160 = vector.broadcast %add3A_1159 : i32 to vector<8x128xi32>
    %add3A_1161 = arith.addi %iota3A, %add3A_1160 : vector<8x128xi32>
    %add3A_1162 = arith.constant 16896 : i32
    %add3A_1163 = vector.broadcast %add3A_1162 : i32 to vector<8x128xi32>
    %add3A_1164 = arith.addi %iota3A, %add3A_1163 : vector<8x128xi32>
    %add3A_1165 = arith.constant 17024 : i32
    %add3A_1166 = vector.broadcast %add3A_1165 : i32 to vector<8x128xi32>
    %add3A_1167 = arith.addi %iota3A, %add3A_1166 : vector<8x128xi32>
    %add3A_1168 = arith.constant 17152 : i32
    %add3A_1169 = vector.broadcast %add3A_1168 : i32 to vector<8x128xi32>
    %add3A_1170 = arith.addi %iota3A, %add3A_1169 : vector<8x128xi32>
    %add3A_1171 = arith.constant 17280 : i32
    %add3A_1172 = vector.broadcast %add3A_1171 : i32 to vector<8x128xi32>
    %add3A_1173 = arith.addi %iota3A, %add3A_1172 : vector<8x128xi32>
    %add3A_1174 = arith.constant 17408 : i32
    %add3A_1175 = vector.broadcast %add3A_1174 : i32 to vector<8x128xi32>
    %add3A_1176 = arith.addi %iota3A, %add3A_1175 : vector<8x128xi32>
    %add3A_1177 = arith.constant 17536 : i32
    %add3A_1178 = vector.broadcast %add3A_1177 : i32 to vector<8x128xi32>
    %add3A_1179 = arith.addi %iota3A, %add3A_1178 : vector<8x128xi32>
    %add3A_1180 = arith.constant 17664 : i32
    %add3A_1181 = vector.broadcast %add3A_1180 : i32 to vector<8x128xi32>
    %add3A_1182 = arith.addi %iota3A, %add3A_1181 : vector<8x128xi32>
    %add3A_1183 = arith.constant 17792 : i32
    %add3A_1184 = vector.broadcast %add3A_1183 : i32 to vector<8x128xi32>
    %add3A_1185 = arith.addi %iota3A, %add3A_1184 : vector<8x128xi32>
    %add3A_1186 = arith.constant 17920 : i32
    %add3A_1187 = vector.broadcast %add3A_1186 : i32 to vector<8x128xi32>
    %add3A_1188 = arith.addi %iota3A, %add3A_1187 : vector<8x128xi32>
    %add3A_1189 = arith.constant 18048 : i32
    %add3A_1190 = vector.broadcast %add3A_1189 : i32 to vector<8x128xi32>
    %add3A_1191 = arith.addi %iota3A, %add3A_1190 : vector<8x128xi32>
    %add3A_1192 = arith.constant 18176 : i32
    %add3A_1193 = vector.broadcast %add3A_1192 : i32 to vector<8x128xi32>
    %add3A_1194 = arith.addi %iota3A, %add3A_1193 : vector<8x128xi32>
    %add3A_1195 = arith.constant 18304 : i32
    %add3A_1196 = vector.broadcast %add3A_1195 : i32 to vector<8x128xi32>
    %add3A_1197 = arith.addi %iota3A, %add3A_1196 : vector<8x128xi32>
    %add3A_1198 = arith.constant 18432 : i32
    %add3A_1199 = vector.broadcast %add3A_1198 : i32 to vector<8x128xi32>
    %add3A_1200 = arith.addi %iota3A, %add3A_1199 : vector<8x128xi32>
    %add3A_1201 = arith.constant 18560 : i32
    %add3A_1202 = vector.broadcast %add3A_1201 : i32 to vector<8x128xi32>
    %add3A_1203 = arith.addi %iota3A, %add3A_1202 : vector<8x128xi32>
    %add3A_1204 = arith.constant 18688 : i32
    %add3A_1205 = vector.broadcast %add3A_1204 : i32 to vector<8x128xi32>
    %add3A_1206 = arith.addi %iota3A, %add3A_1205 : vector<8x128xi32>
    %add3A_1207 = arith.constant 18816 : i32
    %add3A_1208 = vector.broadcast %add3A_1207 : i32 to vector<8x128xi32>
    %add3A_1209 = arith.addi %iota3A, %add3A_1208 : vector<8x128xi32>
    %add3A_1210 = arith.constant 18944 : i32
    %add3A_1211 = vector.broadcast %add3A_1210 : i32 to vector<8x128xi32>
    %add3A_1212 = arith.addi %iota3A, %add3A_1211 : vector<8x128xi32>
    %add3A_1213 = arith.constant 19072 : i32
    %add3A_1214 = vector.broadcast %add3A_1213 : i32 to vector<8x128xi32>
    %add3A_1215 = arith.addi %iota3A, %add3A_1214 : vector<8x128xi32>
    %add3A_1216 = arith.constant 19200 : i32
    %add3A_1217 = vector.broadcast %add3A_1216 : i32 to vector<8x128xi32>
    %add3A_1218 = arith.addi %iota3A, %add3A_1217 : vector<8x128xi32>
    %add3A_1219 = arith.constant 19328 : i32
    %add3A_1220 = vector.broadcast %add3A_1219 : i32 to vector<8x128xi32>
    %add3A_1221 = arith.addi %iota3A, %add3A_1220 : vector<8x128xi32>
    %add3A_1222 = arith.constant 19456 : i32
    %add3A_1223 = vector.broadcast %add3A_1222 : i32 to vector<8x128xi32>
    %add3A_1224 = arith.addi %iota3A, %add3A_1223 : vector<8x128xi32>
    %add3A_1225 = arith.constant 19584 : i32
    %add3A_1226 = vector.broadcast %add3A_1225 : i32 to vector<8x128xi32>
    %add3A_1227 = arith.addi %iota3A, %add3A_1226 : vector<8x128xi32>
    %add3A_1228 = arith.constant 19712 : i32
    %add3A_1229 = vector.broadcast %add3A_1228 : i32 to vector<8x128xi32>
    %add3A_1230 = arith.addi %iota3A, %add3A_1229 : vector<8x128xi32>
    %add3A_1231 = arith.constant 19840 : i32
    %add3A_1232 = vector.broadcast %add3A_1231 : i32 to vector<8x128xi32>
    %add3A_1233 = arith.addi %iota3A, %add3A_1232 : vector<8x128xi32>
    %add3A_1234 = arith.constant 19968 : i32
    %add3A_1235 = vector.broadcast %add3A_1234 : i32 to vector<8x128xi32>
    %add3A_1236 = arith.addi %iota3A, %add3A_1235 : vector<8x128xi32>
    %add3A_1237 = arith.constant 20096 : i32
    %add3A_1238 = vector.broadcast %add3A_1237 : i32 to vector<8x128xi32>
    %add3A_1239 = arith.addi %iota3A, %add3A_1238 : vector<8x128xi32>
    %add3A_1240 = arith.constant 20224 : i32
    %add3A_1241 = vector.broadcast %add3A_1240 : i32 to vector<8x128xi32>
    %add3A_1242 = arith.addi %iota3A, %add3A_1241 : vector<8x128xi32>
    %add3A_1243 = arith.constant 20352 : i32
    %add3A_1244 = vector.broadcast %add3A_1243 : i32 to vector<8x128xi32>
    %add3A_1245 = arith.addi %iota3A, %add3A_1244 : vector<8x128xi32>
    %add3A_1246 = arith.constant 20480 : i32
    %add3A_1247 = vector.broadcast %add3A_1246 : i32 to vector<8x128xi32>
    %add3A_1248 = arith.addi %iota3A, %add3A_1247 : vector<8x128xi32>
    %add3A_1249 = arith.constant 20608 : i32
    %add3A_1250 = vector.broadcast %add3A_1249 : i32 to vector<8x128xi32>
    %add3A_1251 = arith.addi %iota3A, %add3A_1250 : vector<8x128xi32>
    %add3A_1252 = arith.constant 20736 : i32
    %add3A_1253 = vector.broadcast %add3A_1252 : i32 to vector<8x128xi32>
    %add3A_1254 = arith.addi %iota3A, %add3A_1253 : vector<8x128xi32>
    %add3A_1255 = arith.constant 20864 : i32
    %add3A_1256 = vector.broadcast %add3A_1255 : i32 to vector<8x128xi32>
    %add3A_1257 = arith.addi %iota3A, %add3A_1256 : vector<8x128xi32>
    %add3A_1258 = arith.constant 20992 : i32
    %add3A_1259 = vector.broadcast %add3A_1258 : i32 to vector<8x128xi32>
    %add3A_1260 = arith.addi %iota3A, %add3A_1259 : vector<8x128xi32>
    %add3A_1261 = arith.constant 21120 : i32
    %add3A_1262 = vector.broadcast %add3A_1261 : i32 to vector<8x128xi32>
    %add3A_1263 = arith.addi %iota3A, %add3A_1262 : vector<8x128xi32>
    %add3A_1264 = arith.constant 21248 : i32
    %add3A_1265 = vector.broadcast %add3A_1264 : i32 to vector<8x128xi32>
    %add3A_1266 = arith.addi %iota3A, %add3A_1265 : vector<8x128xi32>
    %add3A_1267 = arith.constant 21376 : i32
    %add3A_1268 = vector.broadcast %add3A_1267 : i32 to vector<8x128xi32>
    %add3A_1269 = arith.addi %iota3A, %add3A_1268 : vector<8x128xi32>
    %add3A_1270 = arith.constant 21504 : i32
    %add3A_1271 = vector.broadcast %add3A_1270 : i32 to vector<8x128xi32>
    %add3A_1272 = arith.addi %iota3A, %add3A_1271 : vector<8x128xi32>
    %add3A_1273 = arith.constant 21632 : i32
    %add3A_1274 = vector.broadcast %add3A_1273 : i32 to vector<8x128xi32>
    %add3A_1275 = arith.addi %iota3A, %add3A_1274 : vector<8x128xi32>
    %add3A_1276 = arith.constant 21760 : i32
    %add3A_1277 = vector.broadcast %add3A_1276 : i32 to vector<8x128xi32>
    %add3A_1278 = arith.addi %iota3A, %add3A_1277 : vector<8x128xi32>
    %add3A_1279 = arith.constant 21888 : i32
    %add3A_1280 = vector.broadcast %add3A_1279 : i32 to vector<8x128xi32>
    %add3A_1281 = arith.addi %iota3A, %add3A_1280 : vector<8x128xi32>
    %add3A_1282 = arith.constant 22016 : i32
    %add3A_1283 = vector.broadcast %add3A_1282 : i32 to vector<8x128xi32>
    %add3A_1284 = arith.addi %iota3A, %add3A_1283 : vector<8x128xi32>
    %add3A_1285 = arith.constant 22144 : i32
    %add3A_1286 = vector.broadcast %add3A_1285 : i32 to vector<8x128xi32>
    %add3A_1287 = arith.addi %iota3A, %add3A_1286 : vector<8x128xi32>
    %add3A_1288 = arith.constant 22272 : i32
    %add3A_1289 = vector.broadcast %add3A_1288 : i32 to vector<8x128xi32>
    %add3A_1290 = arith.addi %iota3A, %add3A_1289 : vector<8x128xi32>
    %add3A_1291 = arith.constant 22400 : i32
    %add3A_1292 = vector.broadcast %add3A_1291 : i32 to vector<8x128xi32>
    %add3A_1293 = arith.addi %iota3A, %add3A_1292 : vector<8x128xi32>
    %add3A_1294 = arith.constant 22528 : i32
    %add3A_1295 = vector.broadcast %add3A_1294 : i32 to vector<8x128xi32>
    %add3A_1296 = arith.addi %iota3A, %add3A_1295 : vector<8x128xi32>
    %add3A_1297 = arith.constant 22656 : i32
    %add3A_1298 = vector.broadcast %add3A_1297 : i32 to vector<8x128xi32>
    %add3A_1299 = arith.addi %iota3A, %add3A_1298 : vector<8x128xi32>
    %add3A_1300 = arith.constant 22784 : i32
    %add3A_1301 = vector.broadcast %add3A_1300 : i32 to vector<8x128xi32>
    %add3A_1302 = arith.addi %iota3A, %add3A_1301 : vector<8x128xi32>
    %add3A_1303 = arith.constant 22912 : i32
    %add3A_1304 = vector.broadcast %add3A_1303 : i32 to vector<8x128xi32>
    %add3A_1305 = arith.addi %iota3A, %add3A_1304 : vector<8x128xi32>
    %add3A_1306 = arith.constant 23040 : i32
    %add3A_1307 = vector.broadcast %add3A_1306 : i32 to vector<8x128xi32>
    %add3A_1308 = arith.addi %iota3A, %add3A_1307 : vector<8x128xi32>
    %add3A_1309 = arith.constant 23168 : i32
    %add3A_1310 = vector.broadcast %add3A_1309 : i32 to vector<8x128xi32>
    %add3A_1311 = arith.addi %iota3A, %add3A_1310 : vector<8x128xi32>
    %add3A_1312 = arith.constant 23296 : i32
    %add3A_1313 = vector.broadcast %add3A_1312 : i32 to vector<8x128xi32>
    %add3A_1314 = arith.addi %iota3A, %add3A_1313 : vector<8x128xi32>
    %add3A_1315 = arith.constant 23424 : i32
    %add3A_1316 = vector.broadcast %add3A_1315 : i32 to vector<8x128xi32>
    %add3A_1317 = arith.addi %iota3A, %add3A_1316 : vector<8x128xi32>
    %add3A_1318 = arith.constant 23552 : i32
    %add3A_1319 = vector.broadcast %add3A_1318 : i32 to vector<8x128xi32>
    %add3A_1320 = arith.addi %iota3A, %add3A_1319 : vector<8x128xi32>
    %add3A_1321 = arith.constant 23680 : i32
    %add3A_1322 = vector.broadcast %add3A_1321 : i32 to vector<8x128xi32>
    %add3A_1323 = arith.addi %iota3A, %add3A_1322 : vector<8x128xi32>
    %add3A_1324 = arith.constant 23808 : i32
    %add3A_1325 = vector.broadcast %add3A_1324 : i32 to vector<8x128xi32>
    %add3A_1326 = arith.addi %iota3A, %add3A_1325 : vector<8x128xi32>
    %add3A_1327 = arith.constant 23936 : i32
    %add3A_1328 = vector.broadcast %add3A_1327 : i32 to vector<8x128xi32>
    %add3A_1329 = arith.addi %iota3A, %add3A_1328 : vector<8x128xi32>
    %add3A_1330 = arith.constant 24064 : i32
    %add3A_1331 = vector.broadcast %add3A_1330 : i32 to vector<8x128xi32>
    %add3A_1332 = arith.addi %iota3A, %add3A_1331 : vector<8x128xi32>
    %add3A_1333 = arith.constant 24192 : i32
    %add3A_1334 = vector.broadcast %add3A_1333 : i32 to vector<8x128xi32>
    %add3A_1335 = arith.addi %iota3A, %add3A_1334 : vector<8x128xi32>
    %add3A_1336 = arith.constant 24320 : i32
    %add3A_1337 = vector.broadcast %add3A_1336 : i32 to vector<8x128xi32>
    %add3A_1338 = arith.addi %iota3A, %add3A_1337 : vector<8x128xi32>
    %add3A_1339 = arith.constant 24448 : i32
    %add3A_1340 = vector.broadcast %add3A_1339 : i32 to vector<8x128xi32>
    %add3A_1341 = arith.addi %iota3A, %add3A_1340 : vector<8x128xi32>
    %add3A_1342 = arith.constant 24576 : i32
    %add3A_1343 = vector.broadcast %add3A_1342 : i32 to vector<8x128xi32>
    %add3A_1344 = arith.addi %iota3A, %add3A_1343 : vector<8x128xi32>
    %add3A_1345 = arith.constant 24704 : i32
    %add3A_1346 = vector.broadcast %add3A_1345 : i32 to vector<8x128xi32>
    %add3A_1347 = arith.addi %iota3A, %add3A_1346 : vector<8x128xi32>
    %add3A_1348 = arith.constant 24832 : i32
    %add3A_1349 = vector.broadcast %add3A_1348 : i32 to vector<8x128xi32>
    %add3A_1350 = arith.addi %iota3A, %add3A_1349 : vector<8x128xi32>
    %add3A_1351 = arith.constant 24960 : i32
    %add3A_1352 = vector.broadcast %add3A_1351 : i32 to vector<8x128xi32>
    %add3A_1353 = arith.addi %iota3A, %add3A_1352 : vector<8x128xi32>
    %add3A_1354 = arith.constant 25088 : i32
    %add3A_1355 = vector.broadcast %add3A_1354 : i32 to vector<8x128xi32>
    %add3A_1356 = arith.addi %iota3A, %add3A_1355 : vector<8x128xi32>
    %add3A_1357 = arith.constant 25216 : i32
    %add3A_1358 = vector.broadcast %add3A_1357 : i32 to vector<8x128xi32>
    %add3A_1359 = arith.addi %iota3A, %add3A_1358 : vector<8x128xi32>
    %add3A_1360 = arith.constant 25344 : i32
    %add3A_1361 = vector.broadcast %add3A_1360 : i32 to vector<8x128xi32>
    %add3A_1362 = arith.addi %iota3A, %add3A_1361 : vector<8x128xi32>
    %add3A_1363 = arith.constant 25472 : i32
    %add3A_1364 = vector.broadcast %add3A_1363 : i32 to vector<8x128xi32>
    %add3A_1365 = arith.addi %iota3A, %add3A_1364 : vector<8x128xi32>
    %add3A_1366 = arith.constant 25600 : i32
    %add3A_1367 = vector.broadcast %add3A_1366 : i32 to vector<8x128xi32>
    %add3A_1368 = arith.addi %iota3A, %add3A_1367 : vector<8x128xi32>
    %add3A_1369 = arith.constant 25728 : i32
    %add3A_1370 = vector.broadcast %add3A_1369 : i32 to vector<8x128xi32>
    %add3A_1371 = arith.addi %iota3A, %add3A_1370 : vector<8x128xi32>
    %add3A_1372 = arith.constant 25856 : i32
    %add3A_1373 = vector.broadcast %add3A_1372 : i32 to vector<8x128xi32>
    %add3A_1374 = arith.addi %iota3A, %add3A_1373 : vector<8x128xi32>
    %add3A_1375 = arith.constant 25984 : i32
    %add3A_1376 = vector.broadcast %add3A_1375 : i32 to vector<8x128xi32>
    %add3A_1377 = arith.addi %iota3A, %add3A_1376 : vector<8x128xi32>
    %add3A_1378 = arith.constant 26112 : i32
    %add3A_1379 = vector.broadcast %add3A_1378 : i32 to vector<8x128xi32>
    %add3A_1380 = arith.addi %iota3A, %add3A_1379 : vector<8x128xi32>
    %add3A_1381 = arith.constant 26240 : i32
    %add3A_1382 = vector.broadcast %add3A_1381 : i32 to vector<8x128xi32>
    %add3A_1383 = arith.addi %iota3A, %add3A_1382 : vector<8x128xi32>
    %add3A_1384 = arith.constant 26368 : i32
    %add3A_1385 = vector.broadcast %add3A_1384 : i32 to vector<8x128xi32>
    %add3A_1386 = arith.addi %iota3A, %add3A_1385 : vector<8x128xi32>
    %add3A_1387 = arith.constant 26496 : i32
    %add3A_1388 = vector.broadcast %add3A_1387 : i32 to vector<8x128xi32>
    %add3A_1389 = arith.addi %iota3A, %add3A_1388 : vector<8x128xi32>
    %add3A_1390 = arith.constant 26624 : i32
    %add3A_1391 = vector.broadcast %add3A_1390 : i32 to vector<8x128xi32>
    %add3A_1392 = arith.addi %iota3A, %add3A_1391 : vector<8x128xi32>
    %add3A_1393 = arith.constant 26752 : i32
    %add3A_1394 = vector.broadcast %add3A_1393 : i32 to vector<8x128xi32>
    %add3A_1395 = arith.addi %iota3A, %add3A_1394 : vector<8x128xi32>
    %add3A_1396 = arith.constant 26880 : i32
    %add3A_1397 = vector.broadcast %add3A_1396 : i32 to vector<8x128xi32>
    %add3A_1398 = arith.addi %iota3A, %add3A_1397 : vector<8x128xi32>
    %add3A_1399 = arith.constant 27008 : i32
    %add3A_1400 = vector.broadcast %add3A_1399 : i32 to vector<8x128xi32>
    %add3A_1401 = arith.addi %iota3A, %add3A_1400 : vector<8x128xi32>
    %add3A_1402 = arith.constant 27136 : i32
    %add3A_1403 = vector.broadcast %add3A_1402 : i32 to vector<8x128xi32>
    %add3A_1404 = arith.addi %iota3A, %add3A_1403 : vector<8x128xi32>
    %add3A_1405 = arith.constant 27264 : i32
    %add3A_1406 = vector.broadcast %add3A_1405 : i32 to vector<8x128xi32>
    %add3A_1407 = arith.addi %iota3A, %add3A_1406 : vector<8x128xi32>
    %add3A_1408 = arith.constant 27392 : i32
    %add3A_1409 = vector.broadcast %add3A_1408 : i32 to vector<8x128xi32>
    %add3A_1410 = arith.addi %iota3A, %add3A_1409 : vector<8x128xi32>
    %add3A_1411 = arith.constant 27520 : i32
    %add3A_1412 = vector.broadcast %add3A_1411 : i32 to vector<8x128xi32>
    %add3A_1413 = arith.addi %iota3A, %add3A_1412 : vector<8x128xi32>
    %add3A_1414 = arith.constant 27648 : i32
    %add3A_1415 = vector.broadcast %add3A_1414 : i32 to vector<8x128xi32>
    %add3A_1416 = arith.addi %iota3A, %add3A_1415 : vector<8x128xi32>
    %add3A_1417 = arith.constant 27776 : i32
    %add3A_1418 = vector.broadcast %add3A_1417 : i32 to vector<8x128xi32>
    %add3A_1419 = arith.addi %iota3A, %add3A_1418 : vector<8x128xi32>
    %add3A_1420 = arith.constant 27904 : i32
    %add3A_1421 = vector.broadcast %add3A_1420 : i32 to vector<8x128xi32>
    %add3A_1422 = arith.addi %iota3A, %add3A_1421 : vector<8x128xi32>
    %add3A_1423 = arith.constant 28032 : i32
    %add3A_1424 = vector.broadcast %add3A_1423 : i32 to vector<8x128xi32>
    %add3A_1425 = arith.addi %iota3A, %add3A_1424 : vector<8x128xi32>
    %add3A_1426 = arith.constant 28160 : i32
    %add3A_1427 = vector.broadcast %add3A_1426 : i32 to vector<8x128xi32>
    %add3A_1428 = arith.addi %iota3A, %add3A_1427 : vector<8x128xi32>
    %add3A_1429 = arith.constant 28288 : i32
    %add3A_1430 = vector.broadcast %add3A_1429 : i32 to vector<8x128xi32>
    %add3A_1431 = arith.addi %iota3A, %add3A_1430 : vector<8x128xi32>
    %add3A_1432 = arith.constant 28416 : i32
    %add3A_1433 = vector.broadcast %add3A_1432 : i32 to vector<8x128xi32>
    %add3A_1434 = arith.addi %iota3A, %add3A_1433 : vector<8x128xi32>
    %add3A_1435 = arith.constant 28544 : i32
    %add3A_1436 = vector.broadcast %add3A_1435 : i32 to vector<8x128xi32>
    %add3A_1437 = arith.addi %iota3A, %add3A_1436 : vector<8x128xi32>
    %add3A_1438 = arith.constant 28672 : i32
    %add3A_1439 = vector.broadcast %add3A_1438 : i32 to vector<8x128xi32>
    %add3A_1440 = arith.addi %iota3A, %add3A_1439 : vector<8x128xi32>
    %add3A_1441 = arith.constant 28800 : i32
    %add3A_1442 = vector.broadcast %add3A_1441 : i32 to vector<8x128xi32>
    %add3A_1443 = arith.addi %iota3A, %add3A_1442 : vector<8x128xi32>
    %add3A_1444 = arith.constant 28928 : i32
    %add3A_1445 = vector.broadcast %add3A_1444 : i32 to vector<8x128xi32>
    %add3A_1446 = arith.addi %iota3A, %add3A_1445 : vector<8x128xi32>
    %add3A_1447 = arith.constant 29056 : i32
    %add3A_1448 = vector.broadcast %add3A_1447 : i32 to vector<8x128xi32>
    %add3A_1449 = arith.addi %iota3A, %add3A_1448 : vector<8x128xi32>
    %add3A_1450 = arith.constant 29184 : i32
    %add3A_1451 = vector.broadcast %add3A_1450 : i32 to vector<8x128xi32>
    %add3A_1452 = arith.addi %iota3A, %add3A_1451 : vector<8x128xi32>
    %add3A_1453 = arith.constant 29312 : i32
    %add3A_1454 = vector.broadcast %add3A_1453 : i32 to vector<8x128xi32>
    %add3A_1455 = arith.addi %iota3A, %add3A_1454 : vector<8x128xi32>
    %add3A_1456 = arith.constant 29440 : i32
    %add3A_1457 = vector.broadcast %add3A_1456 : i32 to vector<8x128xi32>
    %add3A_1458 = arith.addi %iota3A, %add3A_1457 : vector<8x128xi32>
    %add3A_1459 = arith.constant 29568 : i32
    %add3A_1460 = vector.broadcast %add3A_1459 : i32 to vector<8x128xi32>
    %add3A_1461 = arith.addi %iota3A, %add3A_1460 : vector<8x128xi32>
    %add3A_1462 = arith.constant 29696 : i32
    %add3A_1463 = vector.broadcast %add3A_1462 : i32 to vector<8x128xi32>
    %add3A_1464 = arith.addi %iota3A, %add3A_1463 : vector<8x128xi32>
    %add3A_1465 = arith.constant 29824 : i32
    %add3A_1466 = vector.broadcast %add3A_1465 : i32 to vector<8x128xi32>
    %add3A_1467 = arith.addi %iota3A, %add3A_1466 : vector<8x128xi32>
    %add3A_1468 = arith.constant 29952 : i32
    %add3A_1469 = vector.broadcast %add3A_1468 : i32 to vector<8x128xi32>
    %add3A_1470 = arith.addi %iota3A, %add3A_1469 : vector<8x128xi32>
    %add3A_1471 = arith.constant 30080 : i32
    %add3A_1472 = vector.broadcast %add3A_1471 : i32 to vector<8x128xi32>
    %add3A_1473 = arith.addi %iota3A, %add3A_1472 : vector<8x128xi32>
    %add3A_1474 = arith.constant 30208 : i32
    %add3A_1475 = vector.broadcast %add3A_1474 : i32 to vector<8x128xi32>
    %add3A_1476 = arith.addi %iota3A, %add3A_1475 : vector<8x128xi32>
    %add3A_1477 = arith.constant 30336 : i32
    %add3A_1478 = vector.broadcast %add3A_1477 : i32 to vector<8x128xi32>
    %add3A_1479 = arith.addi %iota3A, %add3A_1478 : vector<8x128xi32>
    %add3A_1480 = arith.constant 30464 : i32
    %add3A_1481 = vector.broadcast %add3A_1480 : i32 to vector<8x128xi32>
    %add3A_1482 = arith.addi %iota3A, %add3A_1481 : vector<8x128xi32>
    %add3A_1483 = arith.constant 30592 : i32
    %add3A_1484 = vector.broadcast %add3A_1483 : i32 to vector<8x128xi32>
    %add3A_1485 = arith.addi %iota3A, %add3A_1484 : vector<8x128xi32>
    %add3A_1486 = arith.constant 30720 : i32
    %add3A_1487 = vector.broadcast %add3A_1486 : i32 to vector<8x128xi32>
    %add3A_1488 = arith.addi %iota3A, %add3A_1487 : vector<8x128xi32>
    %add3A_1489 = arith.constant 30848 : i32
    %add3A_1490 = vector.broadcast %add3A_1489 : i32 to vector<8x128xi32>
    %add3A_1491 = arith.addi %iota3A, %add3A_1490 : vector<8x128xi32>
    %add3A_1492 = arith.constant 30976 : i32
    %add3A_1493 = vector.broadcast %add3A_1492 : i32 to vector<8x128xi32>
    %add3A_1494 = arith.addi %iota3A, %add3A_1493 : vector<8x128xi32>
    %add3A_1495 = arith.constant 31104 : i32
    %add3A_1496 = vector.broadcast %add3A_1495 : i32 to vector<8x128xi32>
    %add3A_1497 = arith.addi %iota3A, %add3A_1496 : vector<8x128xi32>
    %add3A_1498 = arith.constant 31232 : i32
    %add3A_1499 = vector.broadcast %add3A_1498 : i32 to vector<8x128xi32>
    %add3A_1500 = arith.addi %iota3A, %add3A_1499 : vector<8x128xi32>
    %add3A_1501 = arith.constant 31360 : i32
    %add3A_1502 = vector.broadcast %add3A_1501 : i32 to vector<8x128xi32>
    %add3A_1503 = arith.addi %iota3A, %add3A_1502 : vector<8x128xi32>
    %add3A_1504 = arith.constant 31488 : i32
    %add3A_1505 = vector.broadcast %add3A_1504 : i32 to vector<8x128xi32>
    %add3A_1506 = arith.addi %iota3A, %add3A_1505 : vector<8x128xi32>
    %add3A_1507 = arith.constant 31616 : i32
    %add3A_1508 = vector.broadcast %add3A_1507 : i32 to vector<8x128xi32>
    %add3A_1509 = arith.addi %iota3A, %add3A_1508 : vector<8x128xi32>
    %add3A_1510 = arith.constant 31744 : i32
    %add3A_1511 = vector.broadcast %add3A_1510 : i32 to vector<8x128xi32>
    %add3A_1512 = arith.addi %iota3A, %add3A_1511 : vector<8x128xi32>
    %add3A_1513 = arith.constant 31872 : i32
    %add3A_1514 = vector.broadcast %add3A_1513 : i32 to vector<8x128xi32>
    %add3A_1515 = arith.addi %iota3A, %add3A_1514 : vector<8x128xi32>
    %add3A_1516 = arith.constant 32000 : i32
    %add3A_1517 = vector.broadcast %add3A_1516 : i32 to vector<8x128xi32>
    %add3A_1518 = arith.addi %iota3A, %add3A_1517 : vector<8x128xi32>
    %add3A_1519 = arith.constant 32128 : i32
    %add3A_1520 = vector.broadcast %add3A_1519 : i32 to vector<8x128xi32>
    %add3A_1521 = arith.addi %iota3A, %add3A_1520 : vector<8x128xi32>
    %add3A_1522 = arith.constant 32256 : i32
    %add3A_1523 = vector.broadcast %add3A_1522 : i32 to vector<8x128xi32>
    %add3A_1524 = arith.addi %iota3A, %add3A_1523 : vector<8x128xi32>
    %add3A_1525 = arith.constant 32384 : i32
    %add3A_1526 = vector.broadcast %add3A_1525 : i32 to vector<8x128xi32>
    %add3A_1527 = arith.addi %iota3A, %add3A_1526 : vector<8x128xi32>
    %add3A_1528 = arith.constant 32512 : i32
    %add3A_1529 = vector.broadcast %add3A_1528 : i32 to vector<8x128xi32>
    %add3A_1530 = arith.addi %iota3A, %add3A_1529 : vector<8x128xi32>
    %add3A_1531 = arith.constant 32640 : i32
    %add3A_1532 = vector.broadcast %add3A_1531 : i32 to vector<8x128xi32>
    %add3A_1533 = arith.addi %iota3A, %add3A_1532 : vector<8x128xi32>
    %gt3A = arith.cmpf ogt, %get3A_4, %get3A_1 : vector<8x128xf32>
    %select_n3A = arith.select %gt3A, %get3A_4, %get3A_1 : vector<8x128xi1>, vector<8x128xf32>
    %select_n3A_1534 = arith.select %gt3A, %add3A_771, %add3A_768 : vector<8x128xi1>, vector<8x128xi32>
    %gt3A_1535 = arith.cmpf ogt, %get3A_10, %get3A_7 : vector<8x128xf32>
    %select_n3A_1536 = arith.select %gt3A_1535, %get3A_10, %get3A_7 : vector<8x128xi1>, vector<8x128xf32>
    %select_n3A_1537 = arith.select %gt3A_1535, %add3A_777, %add3A_774 : vector<8x128xi1>, vector<8x128xi32>
    %gt3A_1538 = arith.cmpf ogt, %get3A_16, %get3A_13 : vector<8x128xf32>
    %select_n3A_1539 = arith.select %gt3A_1538, %get3A_16, %get3A_13 : vector<8x128xi1>, vector<8x128xf32>
    %select_n3A_1540 = arith.select %gt3A_1538, %add3A_783, %add3A_780 : vector<8x128xi1>, vector<8x128xi32>
    %gt3A_1541 = arith.cmpf ogt, %get3A_22, %get3A_19 : vector<8x128xf32>
    %select_n3A_1542 = arith.select %gt3A_1541, %get3A_22, %get3A_19 : vector<8x128xi1>, vector<8x128xf32>
    %select_n3A_1543 = arith.select %gt3A_1541, %add3A_789, %add3A_786 : vector<8x128xi1>, vector<8x128xi32>
    %gt3A_1544 = arith.cmpf ogt, %get3A_28, %get3A_25 : vector<8x128xf32>
    %select_n3A_1545 = arith.select %gt3A_1544, %get3A_28, %get3A_25 : vector<8x128xi1>, vector<8x128xf32>
    %select_n3A_1546 = arith.select %gt3A_1544, %add3A_795, %add3A_792 : vector<8x128xi1>, vector<8x128xi32>
    %gt3A_1547 = arith.cmpf ogt, %get3A_34, %get3A_31 : vector<8x128xf32>
    %select_n3A_1548 = arith.select %gt3A_1547, %get3A_34, %get3A_31 : vector<8x128xi1>, vector<8x128xf32>
    %select_n3A_1549 = arith.select %gt3A_1547, %add3A_801, %add3A_798 : vector<8x128xi1>, vector<8x128xi32>
    %gt3A_1550 = arith.cmpf ogt, %get3A_40, %get3A_37 : vector<8x128xf32>
    %select_n3A_1551 = arith.select %gt3A_1550, %get3A_40, %get3A_37 : vector<8x128xi1>, vector<8x128xf32>
    %select_n3A_1552 = arith.select %gt3A_1550, %add3A_807, %add3A_804 : vector<8x128xi1>, vector<8x128xi32>
    %gt3A_1553 = arith.cmpf ogt, %get3A_46, %get3A_43 : vector<8x128xf32>
    %select_n3A_1554 = arith.select %gt3A_1553, %get3A_46, %get3A_43 : vector<8x128xi1>, vector<8x128xf32>
    %select_n3A_1555 = arith.select %gt3A_1553, %add3A_813, %add3A_810 : vector<8x128xi1>, vector<8x128xi32>
    %gt3A_1556 = arith.cmpf ogt, %get3A_52, %get3A_49 : vector<8x128xf32>
    %select_n3A_1557 = arith.select %gt3A_1556, %get3A_52, %get3A_49 : vector<8x128xi1>, vector<8x128xf32>
    %select_n3A_1558 = arith.select %gt3A_1556, %add3A_819, %add3A_816 : vector<8x128xi1>, vector<8x128xi32>
    %gt3A_1559 = arith.cmpf ogt, %get3A_58, %get3A_55 : vector<8x128xf32>
    %select_n3A_1560 = arith.select %gt3A_1559, %get3A_58, %get3A_55 : vector<8x128xi1>, vector<8x128xf32>
    %select_n3A_1561 = arith.select %gt3A_1559, %add3A_825, %add3A_822 : vector<8x128xi1>, vector<8x128xi32>
    %gt3A_1562 = arith.cmpf ogt, %get3A_64, %get3A_61 : vector<8x128xf32>
    %select_n3A_1563 = arith.select %gt3A_1562, %get3A_64, %get3A_61 : vector<8x128xi1>, vector<8x128xf32>
    %select_n3A_1564 = arith.select %gt3A_1562, %add3A_831, %add3A_828 : vector<8x128xi1>, vector<8x128xi32>
    %gt3A_1565 = arith.cmpf ogt, %get3A_70, %get3A_67 : vector<8x128xf32>
    %select_n3A_1566 = arith.select %gt3A_1565, %get3A_70, %get3A_67 : vector<8x128xi1>, vector<8x128xf32>
    %select_n3A_1567 = arith.select %gt3A_1565, %add3A_837, %add3A_834 : vector<8x128xi1>, vector<8x128xi32>
    %gt3A_1568 = arith.cmpf ogt, %get3A_76, %get3A_73 : vector<8x128xf32>
    %select_n3A_1569 = arith.select %gt3A_1568, %get3A_76, %get3A_73 : vector<8x128xi1>, vector<8x128xf32>
    %select_n3A_1570 = arith.select %gt3A_1568, %add3A_843, %add3A_840 : vector<8x128xi1>, vector<8x128xi32>
    %gt3A_1571 = arith.cmpf ogt, %get3A_82, %get3A_79 : vector<8x128xf32>
    %select_n3A_1572 = arith.select %gt3A_1571, %get3A_82, %get3A_79 : vector<8x128xi1>, vector<8x128xf32>
    %select_n3A_1573 = arith.select %gt3A_1571, %add3A_849, %add3A_846 : vector<8x128xi1>, vector<8x128xi32>
    %gt3A_1574 = arith.cmpf ogt, %get3A_88, %get3A_85 : vector<8x128xf32>
    %select_n3A_1575 = arith.select %gt3A_1574, %get3A_88, %get3A_85 : vector<8x128xi1>, vector<8x128xf32>
    %select_n3A_1576 = arith.select %gt3A_1574, %add3A_855, %add3A_852 : vector<8x128xi1>, vector<8x128xi32>
    %gt3A_1577 = arith.cmpf ogt, %get3A_94, %get3A_91 : vector<8x128xf32>
    %select_n3A_1578 = arith.select %gt3A_1577, %get3A_94, %get3A_91 : vector<8x128xi1>, vector<8x128xf32>
    %select_n3A_1579 = arith.select %gt3A_1577, %add3A_861, %add3A_858 : vector<8x128xi1>, vector<8x128xi32>
    %gt3A_1580 = arith.cmpf ogt, %get3A_100, %get3A_97 : vector<8x128xf32>
    %select_n3A_1581 = arith.select %gt3A_1580, %get3A_100, %get3A_97 : vector<8x128xi1>, vector<8x128xf32>
    %select_n3A_1582 = arith.select %gt3A_1580, %add3A_867, %add3A_864 : vector<8x128xi1>, vector<8x128xi32>
    %gt3A_1583 = arith.cmpf ogt, %get3A_106, %get3A_103 : vector<8x128xf32>
    %select_n3A_1584 = arith.select %gt3A_1583, %get3A_106, %get3A_103 : vector<8x128xi1>, vector<8x128xf32>
    %select_n3A_1585 = arith.select %gt3A_1583, %add3A_873, %add3A_870 : vector<8x128xi1>, vector<8x128xi32>
    %gt3A_1586 = arith.cmpf ogt, %get3A_112, %get3A_109 : vector<8x128xf32>
    %select_n3A_1587 = arith.select %gt3A_1586, %get3A_112, %get3A_109 : vector<8x128xi1>, vector<8x128xf32>
    %select_n3A_1588 = arith.select %gt3A_1586, %add3A_879, %add3A_876 : vector<8x128xi1>, vector<8x128xi32>
    %gt3A_1589 = arith.cmpf ogt, %get3A_118, %get3A_115 : vector<8x128xf32>
    %select_n3A_1590 = arith.select %gt3A_1589, %get3A_118, %get3A_115 : vector<8x128xi1>, vector<8x128xf32>
    %select_n3A_1591 = arith.select %gt3A_1589, %add3A_885, %add3A_882 : vector<8x128xi1>, vector<8x128xi32>
    %gt3A_1592 = arith.cmpf ogt, %get3A_124, %get3A_121 : vector<8x128xf32>
    %select_n3A_1593 = arith.select %gt3A_1592, %get3A_124, %get3A_121 : vector<8x128xi1>, vector<8x128xf32>
    %select_n3A_1594 = arith.select %gt3A_1592, %add3A_891, %add3A_888 : vector<8x128xi1>, vector<8x128xi32>
    %gt3A_1595 = arith.cmpf ogt, %get3A_130, %get3A_127 : vector<8x128xf32>
    %select_n3A_1596 = arith.select %gt3A_1595, %get3A_130, %get3A_127 : vector<8x128xi1>, vector<8x128xf32>
    %select_n3A_1597 = arith.select %gt3A_1595, %add3A_897, %add3A_894 : vector<8x128xi1>, vector<8x128xi32>
    %gt3A_1598 = arith.cmpf ogt, %get3A_136, %get3A_133 : vector<8x128xf32>
    %select_n3A_1599 = arith.select %gt3A_1598, %get3A_136, %get3A_133 : vector<8x128xi1>, vector<8x128xf32>
    %select_n3A_1600 = arith.select %gt3A_1598, %add3A_903, %add3A_900 : vector<8x128xi1>, vector<8x128xi32>
    %gt3A_1601 = arith.cmpf ogt, %get3A_142, %get3A_139 : vector<8x128xf32>
    %select_n3A_1602 = arith.select %gt3A_1601, %get3A_142, %get3A_139 : vector<8x128xi1>, vector<8x128xf32>
    %select_n3A_1603 = arith.select %gt3A_1601, %add3A_909, %add3A_906 : vector<8x128xi1>, vector<8x128xi32>
    %gt3A_1604 = arith.cmpf ogt, %get3A_148, %get3A_145 : vector<8x128xf32>
    %select_n3A_1605 = arith.select %gt3A_1604, %get3A_148, %get3A_145 : vector<8x128xi1>, vector<8x128xf32>
    %select_n3A_1606 = arith.select %gt3A_1604, %add3A_915, %add3A_912 : vector<8x128xi1>, vector<8x128xi32>
    %gt3A_1607 = arith.cmpf ogt, %get3A_154, %get3A_151 : vector<8x128xf32>
    %select_n3A_1608 = arith.select %gt3A_1607, %get3A_154, %get3A_151 : vector<8x128xi1>, vector<8x128xf32>
    %select_n3A_1609 = arith.select %gt3A_1607, %add3A_921, %add3A_918 : vector<8x128xi1>, vector<8x128xi32>
    %gt3A_1610 = arith.cmpf ogt, %get3A_160, %get3A_157 : vector<8x128xf32>
    %select_n3A_1611 = arith.select %gt3A_1610, %get3A_160, %get3A_157 : vector<8x128xi1>, vector<8x128xf32>
    %select_n3A_1612 = arith.select %gt3A_1610, %add3A_927, %add3A_924 : vector<8x128xi1>, vector<8x128xi32>
    %gt3A_1613 = arith.cmpf ogt, %get3A_166, %get3A_163 : vector<8x128xf32>
    %select_n3A_1614 = arith.select %gt3A_1613, %get3A_166, %get3A_163 : vector<8x128xi1>, vector<8x128xf32>
    %select_n3A_1615 = arith.select %gt3A_1613, %add3A_933, %add3A_930 : vector<8x128xi1>, vector<8x128xi32>
    %gt3A_1616 = arith.cmpf ogt, %get3A_172, %get3A_169 : vector<8x128xf32>
    %select_n3A_1617 = arith.select %gt3A_1616, %get3A_172, %get3A_169 : vector<8x128xi1>, vector<8x128xf32>
    %select_n3A_1618 = arith.select %gt3A_1616, %add3A_939, %add3A_936 : vector<8x128xi1>, vector<8x128xi32>
    %gt3A_1619 = arith.cmpf ogt, %get3A_178, %get3A_175 : vector<8x128xf32>
    %select_n3A_1620 = arith.select %gt3A_1619, %get3A_178, %get3A_175 : vector<8x128xi1>, vector<8x128xf32>
    %select_n3A_1621 = arith.select %gt3A_1619, %add3A_945, %add3A_942 : vector<8x128xi1>, vector<8x128xi32>
    %gt3A_1622 = arith.cmpf ogt, %get3A_184, %get3A_181 : vector<8x128xf32>
    %select_n3A_1623 = arith.select %gt3A_1622, %get3A_184, %get3A_181 : vector<8x128xi1>, vector<8x128xf32>
    %select_n3A_1624 = arith.select %gt3A_1622, %add3A_951, %add3A_948 : vector<8x128xi1>, vector<8x128xi32>
    %gt3A_1625 = arith.cmpf ogt, %get3A_190, %get3A_187 : vector<8x128xf32>
    %select_n3A_1626 = arith.select %gt3A_1625, %get3A_190, %get3A_187 : vector<8x128xi1>, vector<8x128xf32>
    %select_n3A_1627 = arith.select %gt3A_1625, %add3A_957, %add3A_954 : vector<8x128xi1>, vector<8x128xi32>
    %gt3A_1628 = arith.cmpf ogt, %get3A_196, %get3A_193 : vector<8x128xf32>
    %select_n3A_1629 = arith.select %gt3A_1628, %get3A_196, %get3A_193 : vector<8x128xi1>, vector<8x128xf32>
    %select_n3A_1630 = arith.select %gt3A_1628, %add3A_963, %add3A_960 : vector<8x128xi1>, vector<8x128xi32>
    %gt3A_1631 = arith.cmpf ogt, %get3A_202, %get3A_199 : vector<8x128xf32>
    %select_n3A_1632 = arith.select %gt3A_1631, %get3A_202, %get3A_199 : vector<8x128xi1>, vector<8x128xf32>
    %select_n3A_1633 = arith.select %gt3A_1631, %add3A_969, %add3A_966 : vector<8x128xi1>, vector<8x128xi32>
    %gt3A_1634 = arith.cmpf ogt, %get3A_208, %get3A_205 : vector<8x128xf32>
    %select_n3A_1635 = arith.select %gt3A_1634, %get3A_208, %get3A_205 : vector<8x128xi1>, vector<8x128xf32>
    %select_n3A_1636 = arith.select %gt3A_1634, %add3A_975, %add3A_972 : vector<8x128xi1>, vector<8x128xi32>
    %gt3A_1637 = arith.cmpf ogt, %get3A_214, %get3A_211 : vector<8x128xf32>
    %select_n3A_1638 = arith.select %gt3A_1637, %get3A_214, %get3A_211 : vector<8x128xi1>, vector<8x128xf32>
    %select_n3A_1639 = arith.select %gt3A_1637, %add3A_981, %add3A_978 : vector<8x128xi1>, vector<8x128xi32>
    %gt3A_1640 = arith.cmpf ogt, %get3A_220, %get3A_217 : vector<8x128xf32>
    %select_n3A_1641 = arith.select %gt3A_1640, %get3A_220, %get3A_217 : vector<8x128xi1>, vector<8x128xf32>
    %select_n3A_1642 = arith.select %gt3A_1640, %add3A_987, %add3A_984 : vector<8x128xi1>, vector<8x128xi32>
    %gt3A_1643 = arith.cmpf ogt, %get3A_226, %get3A_223 : vector<8x128xf32>
    %select_n3A_1644 = arith.select %gt3A_1643, %get3A_226, %get3A_223 : vector<8x128xi1>, vector<8x128xf32>
    %select_n3A_1645 = arith.select %gt3A_1643, %add3A_993, %add3A_990 : vector<8x128xi1>, vector<8x128xi32>
    %gt3A_1646 = arith.cmpf ogt, %get3A_232, %get3A_229 : vector<8x128xf32>
    %select_n3A_1647 = arith.select %gt3A_1646, %get3A_232, %get3A_229 : vector<8x128xi1>, vector<8x128xf32>
    %select_n3A_1648 = arith.select %gt3A_1646, %add3A_999, %add3A_996 : vector<8x128xi1>, vector<8x128xi32>
    %gt3A_1649 = arith.cmpf ogt, %get3A_238, %get3A_235 : vector<8x128xf32>
    %select_n3A_1650 = arith.select %gt3A_1649, %get3A_238, %get3A_235 : vector<8x128xi1>, vector<8x128xf32>
    %select_n3A_1651 = arith.select %gt3A_1649, %add3A_1005, %add3A_1002 : vector<8x128xi1>, vector<8x128xi32>
    %gt3A_1652 = arith.cmpf ogt, %get3A_244, %get3A_241 : vector<8x128xf32>
    %select_n3A_1653 = arith.select %gt3A_1652, %get3A_244, %get3A_241 : vector<8x128xi1>, vector<8x128xf32>
    %select_n3A_1654 = arith.select %gt3A_1652, %add3A_1011, %add3A_1008 : vector<8x128xi1>, vector<8x128xi32>
    %gt3A_1655 = arith.cmpf ogt, %get3A_250, %get3A_247 : vector<8x128xf32>
    %select_n3A_1656 = arith.select %gt3A_1655, %get3A_250, %get3A_247 : vector<8x128xi1>, vector<8x128xf32>
    %select_n3A_1657 = arith.select %gt3A_1655, %add3A_1017, %add3A_1014 : vector<8x128xi1>, vector<8x128xi32>
    %gt3A_1658 = arith.cmpf ogt, %get3A_256, %get3A_253 : vector<8x128xf32>
    %select_n3A_1659 = arith.select %gt3A_1658, %get3A_256, %get3A_253 : vector<8x128xi1>, vector<8x128xf32>
    %select_n3A_1660 = arith.select %gt3A_1658, %add3A_1023, %add3A_1020 : vector<8x128xi1>, vector<8x128xi32>
    %gt3A_1661 = arith.cmpf ogt, %get3A_262, %get3A_259 : vector<8x128xf32>
    %select_n3A_1662 = arith.select %gt3A_1661, %get3A_262, %get3A_259 : vector<8x128xi1>, vector<8x128xf32>
    %select_n3A_1663 = arith.select %gt3A_1661, %add3A_1029, %add3A_1026 : vector<8x128xi1>, vector<8x128xi32>
    %gt3A_1664 = arith.cmpf ogt, %get3A_268, %get3A_265 : vector<8x128xf32>
    %select_n3A_1665 = arith.select %gt3A_1664, %get3A_268, %get3A_265 : vector<8x128xi1>, vector<8x128xf32>
    %select_n3A_1666 = arith.select %gt3A_1664, %add3A_1035, %add3A_1032 : vector<8x128xi1>, vector<8x128xi32>
    %gt3A_1667 = arith.cmpf ogt, %get3A_274, %get3A_271 : vector<8x128xf32>
    %select_n3A_1668 = arith.select %gt3A_1667, %get3A_274, %get3A_271 : vector<8x128xi1>, vector<8x128xf32>
    %select_n3A_1669 = arith.select %gt3A_1667, %add3A_1041, %add3A_1038 : vector<8x128xi1>, vector<8x128xi32>
    %gt3A_1670 = arith.cmpf ogt, %get3A_280, %get3A_277 : vector<8x128xf32>
    %select_n3A_1671 = arith.select %gt3A_1670, %get3A_280, %get3A_277 : vector<8x128xi1>, vector<8x128xf32>
    %select_n3A_1672 = arith.select %gt3A_1670, %add3A_1047, %add3A_1044 : vector<8x128xi1>, vector<8x128xi32>
    %gt3A_1673 = arith.cmpf ogt, %get3A_286, %get3A_283 : vector<8x128xf32>
    %select_n3A_1674 = arith.select %gt3A_1673, %get3A_286, %get3A_283 : vector<8x128xi1>, vector<8x128xf32>
    %select_n3A_1675 = arith.select %gt3A_1673, %add3A_1053, %add3A_1050 : vector<8x128xi1>, vector<8x128xi32>
    %gt3A_1676 = arith.cmpf ogt, %get3A_292, %get3A_289 : vector<8x128xf32>
    %select_n3A_1677 = arith.select %gt3A_1676, %get3A_292, %get3A_289 : vector<8x128xi1>, vector<8x128xf32>
    %select_n3A_1678 = arith.select %gt3A_1676, %add3A_1059, %add3A_1056 : vector<8x128xi1>, vector<8x128xi32>
    %gt3A_1679 = arith.cmpf ogt, %get3A_298, %get3A_295 : vector<8x128xf32>
    %select_n3A_1680 = arith.select %gt3A_1679, %get3A_298, %get3A_295 : vector<8x128xi1>, vector<8x128xf32>
    %select_n3A_1681 = arith.select %gt3A_1679, %add3A_1065, %add3A_1062 : vector<8x128xi1>, vector<8x128xi32>
    %gt3A_1682 = arith.cmpf ogt, %get3A_304, %get3A_301 : vector<8x128xf32>
    %select_n3A_1683 = arith.select %gt3A_1682, %get3A_304, %get3A_301 : vector<8x128xi1>, vector<8x128xf32>
    %select_n3A_1684 = arith.select %gt3A_1682, %add3A_1071, %add3A_1068 : vector<8x128xi1>, vector<8x128xi32>
    %gt3A_1685 = arith.cmpf ogt, %get3A_310, %get3A_307 : vector<8x128xf32>
    %select_n3A_1686 = arith.select %gt3A_1685, %get3A_310, %get3A_307 : vector<8x128xi1>, vector<8x128xf32>
    %select_n3A_1687 = arith.select %gt3A_1685, %add3A_1077, %add3A_1074 : vector<8x128xi1>, vector<8x128xi32>
    %gt3A_1688 = arith.cmpf ogt, %get3A_316, %get3A_313 : vector<8x128xf32>
    %select_n3A_1689 = arith.select %gt3A_1688, %get3A_316, %get3A_313 : vector<8x128xi1>, vector<8x128xf32>
    %select_n3A_1690 = arith.select %gt3A_1688, %add3A_1083, %add3A_1080 : vector<8x128xi1>, vector<8x128xi32>
    %gt3A_1691 = arith.cmpf ogt, %get3A_322, %get3A_319 : vector<8x128xf32>
    %select_n3A_1692 = arith.select %gt3A_1691, %get3A_322, %get3A_319 : vector<8x128xi1>, vector<8x128xf32>
    %select_n3A_1693 = arith.select %gt3A_1691, %add3A_1089, %add3A_1086 : vector<8x128xi1>, vector<8x128xi32>
    %gt3A_1694 = arith.cmpf ogt, %get3A_328, %get3A_325 : vector<8x128xf32>
    %select_n3A_1695 = arith.select %gt3A_1694, %get3A_328, %get3A_325 : vector<8x128xi1>, vector<8x128xf32>
    %select_n3A_1696 = arith.select %gt3A_1694, %add3A_1095, %add3A_1092 : vector<8x128xi1>, vector<8x128xi32>
    %gt3A_1697 = arith.cmpf ogt, %get3A_334, %get3A_331 : vector<8x128xf32>
    %select_n3A_1698 = arith.select %gt3A_1697, %get3A_334, %get3A_331 : vector<8x128xi1>, vector<8x128xf32>
    %select_n3A_1699 = arith.select %gt3A_1697, %add3A_1101, %add3A_1098 : vector<8x128xi1>, vector<8x128xi32>
    %gt3A_1700 = arith.cmpf ogt, %get3A_340, %get3A_337 : vector<8x128xf32>
    %select_n3A_1701 = arith.select %gt3A_1700, %get3A_340, %get3A_337 : vector<8x128xi1>, vector<8x128xf32>
    %select_n3A_1702 = arith.select %gt3A_1700, %add3A_1107, %add3A_1104 : vector<8x128xi1>, vector<8x128xi32>
    %gt3A_1703 = arith.cmpf ogt, %get3A_346, %get3A_343 : vector<8x128xf32>
    %select_n3A_1704 = arith.select %gt3A_1703, %get3A_346, %get3A_343 : vector<8x128xi1>, vector<8x128xf32>
    %select_n3A_1705 = arith.select %gt3A_1703, %add3A_1113, %add3A_1110 : vector<8x128xi1>, vector<8x128xi32>
    %gt3A_1706 = arith.cmpf ogt, %get3A_352, %get3A_349 : vector<8x128xf32>
    %select_n3A_1707 = arith.select %gt3A_1706, %get3A_352, %get3A_349 : vector<8x128xi1>, vector<8x128xf32>
    %select_n3A_1708 = arith.select %gt3A_1706, %add3A_1119, %add3A_1116 : vector<8x128xi1>, vector<8x128xi32>
    %gt3A_1709 = arith.cmpf ogt, %get3A_358, %get3A_355 : vector<8x128xf32>
    %select_n3A_1710 = arith.select %gt3A_1709, %get3A_358, %get3A_355 : vector<8x128xi1>, vector<8x128xf32>
    %select_n3A_1711 = arith.select %gt3A_1709, %add3A_1125, %add3A_1122 : vector<8x128xi1>, vector<8x128xi32>
    %gt3A_1712 = arith.cmpf ogt, %get3A_364, %get3A_361 : vector<8x128xf32>
    %select_n3A_1713 = arith.select %gt3A_1712, %get3A_364, %get3A_361 : vector<8x128xi1>, vector<8x128xf32>
    %select_n3A_1714 = arith.select %gt3A_1712, %add3A_1131, %add3A_1128 : vector<8x128xi1>, vector<8x128xi32>
    %gt3A_1715 = arith.cmpf ogt, %get3A_370, %get3A_367 : vector<8x128xf32>
    %select_n3A_1716 = arith.select %gt3A_1715, %get3A_370, %get3A_367 : vector<8x128xi1>, vector<8x128xf32>
    %select_n3A_1717 = arith.select %gt3A_1715, %add3A_1137, %add3A_1134 : vector<8x128xi1>, vector<8x128xi32>
    %gt3A_1718 = arith.cmpf ogt, %get3A_376, %get3A_373 : vector<8x128xf32>
    %select_n3A_1719 = arith.select %gt3A_1718, %get3A_376, %get3A_373 : vector<8x128xi1>, vector<8x128xf32>
    %select_n3A_1720 = arith.select %gt3A_1718, %add3A_1143, %add3A_1140 : vector<8x128xi1>, vector<8x128xi32>
    %gt3A_1721 = arith.cmpf ogt, %get3A_382, %get3A_379 : vector<8x128xf32>
    %select_n3A_1722 = arith.select %gt3A_1721, %get3A_382, %get3A_379 : vector<8x128xi1>, vector<8x128xf32>
    %select_n3A_1723 = arith.select %gt3A_1721, %add3A_1149, %add3A_1146 : vector<8x128xi1>, vector<8x128xi32>
    %gt3A_1724 = arith.cmpf ogt, %get3A_388, %get3A_385 : vector<8x128xf32>
    %select_n3A_1725 = arith.select %gt3A_1724, %get3A_388, %get3A_385 : vector<8x128xi1>, vector<8x128xf32>
    %select_n3A_1726 = arith.select %gt3A_1724, %add3A_1155, %add3A_1152 : vector<8x128xi1>, vector<8x128xi32>
    %gt3A_1727 = arith.cmpf ogt, %get3A_394, %get3A_391 : vector<8x128xf32>
    %select_n3A_1728 = arith.select %gt3A_1727, %get3A_394, %get3A_391 : vector<8x128xi1>, vector<8x128xf32>
    %select_n3A_1729 = arith.select %gt3A_1727, %add3A_1161, %add3A_1158 : vector<8x128xi1>, vector<8x128xi32>
    %gt3A_1730 = arith.cmpf ogt, %get3A_400, %get3A_397 : vector<8x128xf32>
    %select_n3A_1731 = arith.select %gt3A_1730, %get3A_400, %get3A_397 : vector<8x128xi1>, vector<8x128xf32>
    %select_n3A_1732 = arith.select %gt3A_1730, %add3A_1167, %add3A_1164 : vector<8x128xi1>, vector<8x128xi32>
    %gt3A_1733 = arith.cmpf ogt, %get3A_406, %get3A_403 : vector<8x128xf32>
    %select_n3A_1734 = arith.select %gt3A_1733, %get3A_406, %get3A_403 : vector<8x128xi1>, vector<8x128xf32>
    %select_n3A_1735 = arith.select %gt3A_1733, %add3A_1173, %add3A_1170 : vector<8x128xi1>, vector<8x128xi32>
    %gt3A_1736 = arith.cmpf ogt, %get3A_412, %get3A_409 : vector<8x128xf32>
    %select_n3A_1737 = arith.select %gt3A_1736, %get3A_412, %get3A_409 : vector<8x128xi1>, vector<8x128xf32>
    %select_n3A_1738 = arith.select %gt3A_1736, %add3A_1179, %add3A_1176 : vector<8x128xi1>, vector<8x128xi32>
    %gt3A_1739 = arith.cmpf ogt, %get3A_418, %get3A_415 : vector<8x128xf32>
    %select_n3A_1740 = arith.select %gt3A_1739, %get3A_418, %get3A_415 : vector<8x128xi1>, vector<8x128xf32>
    %select_n3A_1741 = arith.select %gt3A_1739, %add3A_1185, %add3A_1182 : vector<8x128xi1>, vector<8x128xi32>
    %gt3A_1742 = arith.cmpf ogt, %get3A_424, %get3A_421 : vector<8x128xf32>
    %select_n3A_1743 = arith.select %gt3A_1742, %get3A_424, %get3A_421 : vector<8x128xi1>, vector<8x128xf32>
    %select_n3A_1744 = arith.select %gt3A_1742, %add3A_1191, %add3A_1188 : vector<8x128xi1>, vector<8x128xi32>
    %gt3A_1745 = arith.cmpf ogt, %get3A_430, %get3A_427 : vector<8x128xf32>
    %select_n3A_1746 = arith.select %gt3A_1745, %get3A_430, %get3A_427 : vector<8x128xi1>, vector<8x128xf32>
    %select_n3A_1747 = arith.select %gt3A_1745, %add3A_1197, %add3A_1194 : vector<8x128xi1>, vector<8x128xi32>
    %gt3A_1748 = arith.cmpf ogt, %get3A_436, %get3A_433 : vector<8x128xf32>
    %select_n3A_1749 = arith.select %gt3A_1748, %get3A_436, %get3A_433 : vector<8x128xi1>, vector<8x128xf32>
    %select_n3A_1750 = arith.select %gt3A_1748, %add3A_1203, %add3A_1200 : vector<8x128xi1>, vector<8x128xi32>
    %gt3A_1751 = arith.cmpf ogt, %get3A_442, %get3A_439 : vector<8x128xf32>
    %select_n3A_1752 = arith.select %gt3A_1751, %get3A_442, %get3A_439 : vector<8x128xi1>, vector<8x128xf32>
    %select_n3A_1753 = arith.select %gt3A_1751, %add3A_1209, %add3A_1206 : vector<8x128xi1>, vector<8x128xi32>
    %gt3A_1754 = arith.cmpf ogt, %get3A_448, %get3A_445 : vector<8x128xf32>
    %select_n3A_1755 = arith.select %gt3A_1754, %get3A_448, %get3A_445 : vector<8x128xi1>, vector<8x128xf32>
    %select_n3A_1756 = arith.select %gt3A_1754, %add3A_1215, %add3A_1212 : vector<8x128xi1>, vector<8x128xi32>
    %gt3A_1757 = arith.cmpf ogt, %get3A_454, %get3A_451 : vector<8x128xf32>
    %select_n3A_1758 = arith.select %gt3A_1757, %get3A_454, %get3A_451 : vector<8x128xi1>, vector<8x128xf32>
    %select_n3A_1759 = arith.select %gt3A_1757, %add3A_1221, %add3A_1218 : vector<8x128xi1>, vector<8x128xi32>
    %gt3A_1760 = arith.cmpf ogt, %get3A_460, %get3A_457 : vector<8x128xf32>
    %select_n3A_1761 = arith.select %gt3A_1760, %get3A_460, %get3A_457 : vector<8x128xi1>, vector<8x128xf32>
    %select_n3A_1762 = arith.select %gt3A_1760, %add3A_1227, %add3A_1224 : vector<8x128xi1>, vector<8x128xi32>
    %gt3A_1763 = arith.cmpf ogt, %get3A_466, %get3A_463 : vector<8x128xf32>
    %select_n3A_1764 = arith.select %gt3A_1763, %get3A_466, %get3A_463 : vector<8x128xi1>, vector<8x128xf32>
    %select_n3A_1765 = arith.select %gt3A_1763, %add3A_1233, %add3A_1230 : vector<8x128xi1>, vector<8x128xi32>
    %gt3A_1766 = arith.cmpf ogt, %get3A_472, %get3A_469 : vector<8x128xf32>
    %select_n3A_1767 = arith.select %gt3A_1766, %get3A_472, %get3A_469 : vector<8x128xi1>, vector<8x128xf32>
    %select_n3A_1768 = arith.select %gt3A_1766, %add3A_1239, %add3A_1236 : vector<8x128xi1>, vector<8x128xi32>
    %gt3A_1769 = arith.cmpf ogt, %get3A_478, %get3A_475 : vector<8x128xf32>
    %select_n3A_1770 = arith.select %gt3A_1769, %get3A_478, %get3A_475 : vector<8x128xi1>, vector<8x128xf32>
    %select_n3A_1771 = arith.select %gt3A_1769, %add3A_1245, %add3A_1242 : vector<8x128xi1>, vector<8x128xi32>
    %gt3A_1772 = arith.cmpf ogt, %get3A_484, %get3A_481 : vector<8x128xf32>
    %select_n3A_1773 = arith.select %gt3A_1772, %get3A_484, %get3A_481 : vector<8x128xi1>, vector<8x128xf32>
    %select_n3A_1774 = arith.select %gt3A_1772, %add3A_1251, %add3A_1248 : vector<8x128xi1>, vector<8x128xi32>
    %gt3A_1775 = arith.cmpf ogt, %get3A_490, %get3A_487 : vector<8x128xf32>
    %select_n3A_1776 = arith.select %gt3A_1775, %get3A_490, %get3A_487 : vector<8x128xi1>, vector<8x128xf32>
    %select_n3A_1777 = arith.select %gt3A_1775, %add3A_1257, %add3A_1254 : vector<8x128xi1>, vector<8x128xi32>
    %gt3A_1778 = arith.cmpf ogt, %get3A_496, %get3A_493 : vector<8x128xf32>
    %select_n3A_1779 = arith.select %gt3A_1778, %get3A_496, %get3A_493 : vector<8x128xi1>, vector<8x128xf32>
    %select_n3A_1780 = arith.select %gt3A_1778, %add3A_1263, %add3A_1260 : vector<8x128xi1>, vector<8x128xi32>
    %gt3A_1781 = arith.cmpf ogt, %get3A_502, %get3A_499 : vector<8x128xf32>
    %select_n3A_1782 = arith.select %gt3A_1781, %get3A_502, %get3A_499 : vector<8x128xi1>, vector<8x128xf32>
    %select_n3A_1783 = arith.select %gt3A_1781, %add3A_1269, %add3A_1266 : vector<8x128xi1>, vector<8x128xi32>
    %gt3A_1784 = arith.cmpf ogt, %get3A_508, %get3A_505 : vector<8x128xf32>
    %select_n3A_1785 = arith.select %gt3A_1784, %get3A_508, %get3A_505 : vector<8x128xi1>, vector<8x128xf32>
    %select_n3A_1786 = arith.select %gt3A_1784, %add3A_1275, %add3A_1272 : vector<8x128xi1>, vector<8x128xi32>
    %gt3A_1787 = arith.cmpf ogt, %get3A_514, %get3A_511 : vector<8x128xf32>
    %select_n3A_1788 = arith.select %gt3A_1787, %get3A_514, %get3A_511 : vector<8x128xi1>, vector<8x128xf32>
    %select_n3A_1789 = arith.select %gt3A_1787, %add3A_1281, %add3A_1278 : vector<8x128xi1>, vector<8x128xi32>
    %gt3A_1790 = arith.cmpf ogt, %get3A_520, %get3A_517 : vector<8x128xf32>
    %select_n3A_1791 = arith.select %gt3A_1790, %get3A_520, %get3A_517 : vector<8x128xi1>, vector<8x128xf32>
    %select_n3A_1792 = arith.select %gt3A_1790, %add3A_1287, %add3A_1284 : vector<8x128xi1>, vector<8x128xi32>
    %gt3A_1793 = arith.cmpf ogt, %get3A_526, %get3A_523 : vector<8x128xf32>
    %select_n3A_1794 = arith.select %gt3A_1793, %get3A_526, %get3A_523 : vector<8x128xi1>, vector<8x128xf32>
    %select_n3A_1795 = arith.select %gt3A_1793, %add3A_1293, %add3A_1290 : vector<8x128xi1>, vector<8x128xi32>
    %gt3A_1796 = arith.cmpf ogt, %get3A_532, %get3A_529 : vector<8x128xf32>
    %select_n3A_1797 = arith.select %gt3A_1796, %get3A_532, %get3A_529 : vector<8x128xi1>, vector<8x128xf32>
    %select_n3A_1798 = arith.select %gt3A_1796, %add3A_1299, %add3A_1296 : vector<8x128xi1>, vector<8x128xi32>
    %gt3A_1799 = arith.cmpf ogt, %get3A_538, %get3A_535 : vector<8x128xf32>
    %select_n3A_1800 = arith.select %gt3A_1799, %get3A_538, %get3A_535 : vector<8x128xi1>, vector<8x128xf32>
    %select_n3A_1801 = arith.select %gt3A_1799, %add3A_1305, %add3A_1302 : vector<8x128xi1>, vector<8x128xi32>
    %gt3A_1802 = arith.cmpf ogt, %get3A_544, %get3A_541 : vector<8x128xf32>
    %select_n3A_1803 = arith.select %gt3A_1802, %get3A_544, %get3A_541 : vector<8x128xi1>, vector<8x128xf32>
    %select_n3A_1804 = arith.select %gt3A_1802, %add3A_1311, %add3A_1308 : vector<8x128xi1>, vector<8x128xi32>
    %gt3A_1805 = arith.cmpf ogt, %get3A_550, %get3A_547 : vector<8x128xf32>
    %select_n3A_1806 = arith.select %gt3A_1805, %get3A_550, %get3A_547 : vector<8x128xi1>, vector<8x128xf32>
    %select_n3A_1807 = arith.select %gt3A_1805, %add3A_1317, %add3A_1314 : vector<8x128xi1>, vector<8x128xi32>
    %gt3A_1808 = arith.cmpf ogt, %get3A_556, %get3A_553 : vector<8x128xf32>
    %select_n3A_1809 = arith.select %gt3A_1808, %get3A_556, %get3A_553 : vector<8x128xi1>, vector<8x128xf32>
    %select_n3A_1810 = arith.select %gt3A_1808, %add3A_1323, %add3A_1320 : vector<8x128xi1>, vector<8x128xi32>
    %gt3A_1811 = arith.cmpf ogt, %get3A_562, %get3A_559 : vector<8x128xf32>
    %select_n3A_1812 = arith.select %gt3A_1811, %get3A_562, %get3A_559 : vector<8x128xi1>, vector<8x128xf32>
    %select_n3A_1813 = arith.select %gt3A_1811, %add3A_1329, %add3A_1326 : vector<8x128xi1>, vector<8x128xi32>
    %gt3A_1814 = arith.cmpf ogt, %get3A_568, %get3A_565 : vector<8x128xf32>
    %select_n3A_1815 = arith.select %gt3A_1814, %get3A_568, %get3A_565 : vector<8x128xi1>, vector<8x128xf32>
    %select_n3A_1816 = arith.select %gt3A_1814, %add3A_1335, %add3A_1332 : vector<8x128xi1>, vector<8x128xi32>
    %gt3A_1817 = arith.cmpf ogt, %get3A_574, %get3A_571 : vector<8x128xf32>
    %select_n3A_1818 = arith.select %gt3A_1817, %get3A_574, %get3A_571 : vector<8x128xi1>, vector<8x128xf32>
    %select_n3A_1819 = arith.select %gt3A_1817, %add3A_1341, %add3A_1338 : vector<8x128xi1>, vector<8x128xi32>
    %gt3A_1820 = arith.cmpf ogt, %get3A_580, %get3A_577 : vector<8x128xf32>
    %select_n3A_1821 = arith.select %gt3A_1820, %get3A_580, %get3A_577 : vector<8x128xi1>, vector<8x128xf32>
    %select_n3A_1822 = arith.select %gt3A_1820, %add3A_1347, %add3A_1344 : vector<8x128xi1>, vector<8x128xi32>
    %gt3A_1823 = arith.cmpf ogt, %get3A_586, %get3A_583 : vector<8x128xf32>
    %select_n3A_1824 = arith.select %gt3A_1823, %get3A_586, %get3A_583 : vector<8x128xi1>, vector<8x128xf32>
    %select_n3A_1825 = arith.select %gt3A_1823, %add3A_1353, %add3A_1350 : vector<8x128xi1>, vector<8x128xi32>
    %gt3A_1826 = arith.cmpf ogt, %get3A_592, %get3A_589 : vector<8x128xf32>
    %select_n3A_1827 = arith.select %gt3A_1826, %get3A_592, %get3A_589 : vector<8x128xi1>, vector<8x128xf32>
    %select_n3A_1828 = arith.select %gt3A_1826, %add3A_1359, %add3A_1356 : vector<8x128xi1>, vector<8x128xi32>
    %gt3A_1829 = arith.cmpf ogt, %get3A_598, %get3A_595 : vector<8x128xf32>
    %select_n3A_1830 = arith.select %gt3A_1829, %get3A_598, %get3A_595 : vector<8x128xi1>, vector<8x128xf32>
    %select_n3A_1831 = arith.select %gt3A_1829, %add3A_1365, %add3A_1362 : vector<8x128xi1>, vector<8x128xi32>
    %gt3A_1832 = arith.cmpf ogt, %get3A_604, %get3A_601 : vector<8x128xf32>
    %select_n3A_1833 = arith.select %gt3A_1832, %get3A_604, %get3A_601 : vector<8x128xi1>, vector<8x128xf32>
    %select_n3A_1834 = arith.select %gt3A_1832, %add3A_1371, %add3A_1368 : vector<8x128xi1>, vector<8x128xi32>
    %gt3A_1835 = arith.cmpf ogt, %get3A_610, %get3A_607 : vector<8x128xf32>
    %select_n3A_1836 = arith.select %gt3A_1835, %get3A_610, %get3A_607 : vector<8x128xi1>, vector<8x128xf32>
    %select_n3A_1837 = arith.select %gt3A_1835, %add3A_1377, %add3A_1374 : vector<8x128xi1>, vector<8x128xi32>
    %gt3A_1838 = arith.cmpf ogt, %get3A_616, %get3A_613 : vector<8x128xf32>
    %select_n3A_1839 = arith.select %gt3A_1838, %get3A_616, %get3A_613 : vector<8x128xi1>, vector<8x128xf32>
    %select_n3A_1840 = arith.select %gt3A_1838, %add3A_1383, %add3A_1380 : vector<8x128xi1>, vector<8x128xi32>
    %gt3A_1841 = arith.cmpf ogt, %get3A_622, %get3A_619 : vector<8x128xf32>
    %select_n3A_1842 = arith.select %gt3A_1841, %get3A_622, %get3A_619 : vector<8x128xi1>, vector<8x128xf32>
    %select_n3A_1843 = arith.select %gt3A_1841, %add3A_1389, %add3A_1386 : vector<8x128xi1>, vector<8x128xi32>
    %gt3A_1844 = arith.cmpf ogt, %get3A_628, %get3A_625 : vector<8x128xf32>
    %select_n3A_1845 = arith.select %gt3A_1844, %get3A_628, %get3A_625 : vector<8x128xi1>, vector<8x128xf32>
    %select_n3A_1846 = arith.select %gt3A_1844, %add3A_1395, %add3A_1392 : vector<8x128xi1>, vector<8x128xi32>
    %gt3A_1847 = arith.cmpf ogt, %get3A_634, %get3A_631 : vector<8x128xf32>
    %select_n3A_1848 = arith.select %gt3A_1847, %get3A_634, %get3A_631 : vector<8x128xi1>, vector<8x128xf32>
    %select_n3A_1849 = arith.select %gt3A_1847, %add3A_1401, %add3A_1398 : vector<8x128xi1>, vector<8x128xi32>
    %gt3A_1850 = arith.cmpf ogt, %get3A_640, %get3A_637 : vector<8x128xf32>
    %select_n3A_1851 = arith.select %gt3A_1850, %get3A_640, %get3A_637 : vector<8x128xi1>, vector<8x128xf32>
    %select_n3A_1852 = arith.select %gt3A_1850, %add3A_1407, %add3A_1404 : vector<8x128xi1>, vector<8x128xi32>
    %gt3A_1853 = arith.cmpf ogt, %get3A_646, %get3A_643 : vector<8x128xf32>
    %select_n3A_1854 = arith.select %gt3A_1853, %get3A_646, %get3A_643 : vector<8x128xi1>, vector<8x128xf32>
    %select_n3A_1855 = arith.select %gt3A_1853, %add3A_1413, %add3A_1410 : vector<8x128xi1>, vector<8x128xi32>
    %gt3A_1856 = arith.cmpf ogt, %get3A_652, %get3A_649 : vector<8x128xf32>
    %select_n3A_1857 = arith.select %gt3A_1856, %get3A_652, %get3A_649 : vector<8x128xi1>, vector<8x128xf32>
    %select_n3A_1858 = arith.select %gt3A_1856, %add3A_1419, %add3A_1416 : vector<8x128xi1>, vector<8x128xi32>
    %gt3A_1859 = arith.cmpf ogt, %get3A_658, %get3A_655 : vector<8x128xf32>
    %select_n3A_1860 = arith.select %gt3A_1859, %get3A_658, %get3A_655 : vector<8x128xi1>, vector<8x128xf32>
    %select_n3A_1861 = arith.select %gt3A_1859, %add3A_1425, %add3A_1422 : vector<8x128xi1>, vector<8x128xi32>
    %gt3A_1862 = arith.cmpf ogt, %get3A_664, %get3A_661 : vector<8x128xf32>
    %select_n3A_1863 = arith.select %gt3A_1862, %get3A_664, %get3A_661 : vector<8x128xi1>, vector<8x128xf32>
    %select_n3A_1864 = arith.select %gt3A_1862, %add3A_1431, %add3A_1428 : vector<8x128xi1>, vector<8x128xi32>
    %gt3A_1865 = arith.cmpf ogt, %get3A_670, %get3A_667 : vector<8x128xf32>
    %select_n3A_1866 = arith.select %gt3A_1865, %get3A_670, %get3A_667 : vector<8x128xi1>, vector<8x128xf32>
    %select_n3A_1867 = arith.select %gt3A_1865, %add3A_1437, %add3A_1434 : vector<8x128xi1>, vector<8x128xi32>
    %gt3A_1868 = arith.cmpf ogt, %get3A_676, %get3A_673 : vector<8x128xf32>
    %select_n3A_1869 = arith.select %gt3A_1868, %get3A_676, %get3A_673 : vector<8x128xi1>, vector<8x128xf32>
    %select_n3A_1870 = arith.select %gt3A_1868, %add3A_1443, %add3A_1440 : vector<8x128xi1>, vector<8x128xi32>
    %gt3A_1871 = arith.cmpf ogt, %get3A_682, %get3A_679 : vector<8x128xf32>
    %select_n3A_1872 = arith.select %gt3A_1871, %get3A_682, %get3A_679 : vector<8x128xi1>, vector<8x128xf32>
    %select_n3A_1873 = arith.select %gt3A_1871, %add3A_1449, %add3A_1446 : vector<8x128xi1>, vector<8x128xi32>
    %gt3A_1874 = arith.cmpf ogt, %get3A_688, %get3A_685 : vector<8x128xf32>
    %select_n3A_1875 = arith.select %gt3A_1874, %get3A_688, %get3A_685 : vector<8x128xi1>, vector<8x128xf32>
    %select_n3A_1876 = arith.select %gt3A_1874, %add3A_1455, %add3A_1452 : vector<8x128xi1>, vector<8x128xi32>
    %gt3A_1877 = arith.cmpf ogt, %get3A_694, %get3A_691 : vector<8x128xf32>
    %select_n3A_1878 = arith.select %gt3A_1877, %get3A_694, %get3A_691 : vector<8x128xi1>, vector<8x128xf32>
    %select_n3A_1879 = arith.select %gt3A_1877, %add3A_1461, %add3A_1458 : vector<8x128xi1>, vector<8x128xi32>
    %gt3A_1880 = arith.cmpf ogt, %get3A_700, %get3A_697 : vector<8x128xf32>
    %select_n3A_1881 = arith.select %gt3A_1880, %get3A_700, %get3A_697 : vector<8x128xi1>, vector<8x128xf32>
    %select_n3A_1882 = arith.select %gt3A_1880, %add3A_1467, %add3A_1464 : vector<8x128xi1>, vector<8x128xi32>
    %gt3A_1883 = arith.cmpf ogt, %get3A_706, %get3A_703 : vector<8x128xf32>
    %select_n3A_1884 = arith.select %gt3A_1883, %get3A_706, %get3A_703 : vector<8x128xi1>, vector<8x128xf32>
    %select_n3A_1885 = arith.select %gt3A_1883, %add3A_1473, %add3A_1470 : vector<8x128xi1>, vector<8x128xi32>
    %gt3A_1886 = arith.cmpf ogt, %get3A_712, %get3A_709 : vector<8x128xf32>
    %select_n3A_1887 = arith.select %gt3A_1886, %get3A_712, %get3A_709 : vector<8x128xi1>, vector<8x128xf32>
    %select_n3A_1888 = arith.select %gt3A_1886, %add3A_1479, %add3A_1476 : vector<8x128xi1>, vector<8x128xi32>
    %gt3A_1889 = arith.cmpf ogt, %get3A_718, %get3A_715 : vector<8x128xf32>
    %select_n3A_1890 = arith.select %gt3A_1889, %get3A_718, %get3A_715 : vector<8x128xi1>, vector<8x128xf32>
    %select_n3A_1891 = arith.select %gt3A_1889, %add3A_1485, %add3A_1482 : vector<8x128xi1>, vector<8x128xi32>
    %gt3A_1892 = arith.cmpf ogt, %get3A_724, %get3A_721 : vector<8x128xf32>
    %select_n3A_1893 = arith.select %gt3A_1892, %get3A_724, %get3A_721 : vector<8x128xi1>, vector<8x128xf32>
    %select_n3A_1894 = arith.select %gt3A_1892, %add3A_1491, %add3A_1488 : vector<8x128xi1>, vector<8x128xi32>
    %gt3A_1895 = arith.cmpf ogt, %get3A_730, %get3A_727 : vector<8x128xf32>
    %select_n3A_1896 = arith.select %gt3A_1895, %get3A_730, %get3A_727 : vector<8x128xi1>, vector<8x128xf32>
    %select_n3A_1897 = arith.select %gt3A_1895, %add3A_1497, %add3A_1494 : vector<8x128xi1>, vector<8x128xi32>
    %gt3A_1898 = arith.cmpf ogt, %get3A_736, %get3A_733 : vector<8x128xf32>
    %select_n3A_1899 = arith.select %gt3A_1898, %get3A_736, %get3A_733 : vector<8x128xi1>, vector<8x128xf32>
    %select_n3A_1900 = arith.select %gt3A_1898, %add3A_1503, %add3A_1500 : vector<8x128xi1>, vector<8x128xi32>
    %gt3A_1901 = arith.cmpf ogt, %get3A_742, %get3A_739 : vector<8x128xf32>
    %select_n3A_1902 = arith.select %gt3A_1901, %get3A_742, %get3A_739 : vector<8x128xi1>, vector<8x128xf32>
    %select_n3A_1903 = arith.select %gt3A_1901, %add3A_1509, %add3A_1506 : vector<8x128xi1>, vector<8x128xi32>
    %gt3A_1904 = arith.cmpf ogt, %get3A_748, %get3A_745 : vector<8x128xf32>
    %select_n3A_1905 = arith.select %gt3A_1904, %get3A_748, %get3A_745 : vector<8x128xi1>, vector<8x128xf32>
    %select_n3A_1906 = arith.select %gt3A_1904, %add3A_1515, %add3A_1512 : vector<8x128xi1>, vector<8x128xi32>
    %gt3A_1907 = arith.cmpf ogt, %get3A_754, %get3A_751 : vector<8x128xf32>
    %select_n3A_1908 = arith.select %gt3A_1907, %get3A_754, %get3A_751 : vector<8x128xi1>, vector<8x128xf32>
    %select_n3A_1909 = arith.select %gt3A_1907, %add3A_1521, %add3A_1518 : vector<8x128xi1>, vector<8x128xi32>
    %gt3A_1910 = arith.cmpf ogt, %get3A_760, %get3A_757 : vector<8x128xf32>
    %select_n3A_1911 = arith.select %gt3A_1910, %get3A_760, %get3A_757 : vector<8x128xi1>, vector<8x128xf32>
    %select_n3A_1912 = arith.select %gt3A_1910, %add3A_1527, %add3A_1524 : vector<8x128xi1>, vector<8x128xi32>
    %gt3A_1913 = arith.cmpf ogt, %get3A_766, %get3A_763 : vector<8x128xf32>
    %select_n3A_1914 = arith.select %gt3A_1913, %get3A_766, %get3A_763 : vector<8x128xi1>, vector<8x128xf32>
    %select_n3A_1915 = arith.select %gt3A_1913, %add3A_1533, %add3A_1530 : vector<8x128xi1>, vector<8x128xi32>
    %gt3A_1916 = arith.cmpf ogt, %select_n3A_1536, %select_n3A : vector<8x128xf32>
    %select_n3A_1917 = arith.select %gt3A_1916, %select_n3A_1536, %select_n3A : vector<8x128xi1>, vector<8x128xf32>
    %select_n3A_1918 = arith.select %gt3A_1916, %select_n3A_1537, %select_n3A_1534 : vector<8x128xi1>, vector<8x128xi32>
    %gt3A_1919 = arith.cmpf ogt, %select_n3A_1542, %select_n3A_1539 : vector<8x128xf32>
    %select_n3A_1920 = arith.select %gt3A_1919, %select_n3A_1542, %select_n3A_1539 : vector<8x128xi1>, vector<8x128xf32>
    %select_n3A_1921 = arith.select %gt3A_1919, %select_n3A_1543, %select_n3A_1540 : vector<8x128xi1>, vector<8x128xi32>
    %gt3A_1922 = arith.cmpf ogt, %select_n3A_1548, %select_n3A_1545 : vector<8x128xf32>
    %select_n3A_1923 = arith.select %gt3A_1922, %select_n3A_1548, %select_n3A_1545 : vector<8x128xi1>, vector<8x128xf32>
    %select_n3A_1924 = arith.select %gt3A_1922, %select_n3A_1549, %select_n3A_1546 : vector<8x128xi1>, vector<8x128xi32>
    %gt3A_1925 = arith.cmpf ogt, %select_n3A_1554, %select_n3A_1551 : vector<8x128xf32>
    %select_n3A_1926 = arith.select %gt3A_1925, %select_n3A_1554, %select_n3A_1551 : vector<8x128xi1>, vector<8x128xf32>
    %select_n3A_1927 = arith.select %gt3A_1925, %select_n3A_1555, %select_n3A_1552 : vector<8x128xi1>, vector<8x128xi32>
    %gt3A_1928 = arith.cmpf ogt, %select_n3A_1560, %select_n3A_1557 : vector<8x128xf32>
    %select_n3A_1929 = arith.select %gt3A_1928, %select_n3A_1560, %select_n3A_1557 : vector<8x128xi1>, vector<8x128xf32>
    %select_n3A_1930 = arith.select %gt3A_1928, %select_n3A_1561, %select_n3A_1558 : vector<8x128xi1>, vector<8x128xi32>
    %gt3A_1931 = arith.cmpf ogt, %select_n3A_1566, %select_n3A_1563 : vector<8x128xf32>
    %select_n3A_1932 = arith.select %gt3A_1931, %select_n3A_1566, %select_n3A_1563 : vector<8x128xi1>, vector<8x128xf32>
    %select_n3A_1933 = arith.select %gt3A_1931, %select_n3A_1567, %select_n3A_1564 : vector<8x128xi1>, vector<8x128xi32>
    %gt3A_1934 = arith.cmpf ogt, %select_n3A_1572, %select_n3A_1569 : vector<8x128xf32>
    %select_n3A_1935 = arith.select %gt3A_1934, %select_n3A_1572, %select_n3A_1569 : vector<8x128xi1>, vector<8x128xf32>
    %select_n3A_1936 = arith.select %gt3A_1934, %select_n3A_1573, %select_n3A_1570 : vector<8x128xi1>, vector<8x128xi32>
    %gt3A_1937 = arith.cmpf ogt, %select_n3A_1578, %select_n3A_1575 : vector<8x128xf32>
    %select_n3A_1938 = arith.select %gt3A_1937, %select_n3A_1578, %select_n3A_1575 : vector<8x128xi1>, vector<8x128xf32>
    %select_n3A_1939 = arith.select %gt3A_1937, %select_n3A_1579, %select_n3A_1576 : vector<8x128xi1>, vector<8x128xi32>
    %gt3A_1940 = arith.cmpf ogt, %select_n3A_1584, %select_n3A_1581 : vector<8x128xf32>
    %select_n3A_1941 = arith.select %gt3A_1940, %select_n3A_1584, %select_n3A_1581 : vector<8x128xi1>, vector<8x128xf32>
    %select_n3A_1942 = arith.select %gt3A_1940, %select_n3A_1585, %select_n3A_1582 : vector<8x128xi1>, vector<8x128xi32>
    %gt3A_1943 = arith.cmpf ogt, %select_n3A_1590, %select_n3A_1587 : vector<8x128xf32>
    %select_n3A_1944 = arith.select %gt3A_1943, %select_n3A_1590, %select_n3A_1587 : vector<8x128xi1>, vector<8x128xf32>
    %select_n3A_1945 = arith.select %gt3A_1943, %select_n3A_1591, %select_n3A_1588 : vector<8x128xi1>, vector<8x128xi32>
    %gt3A_1946 = arith.cmpf ogt, %select_n3A_1596, %select_n3A_1593 : vector<8x128xf32>
    %select_n3A_1947 = arith.select %gt3A_1946, %select_n3A_1596, %select_n3A_1593 : vector<8x128xi1>, vector<8x128xf32>
    %select_n3A_1948 = arith.select %gt3A_1946, %select_n3A_1597, %select_n3A_1594 : vector<8x128xi1>, vector<8x128xi32>
    %gt3A_1949 = arith.cmpf ogt, %select_n3A_1602, %select_n3A_1599 : vector<8x128xf32>
    %select_n3A_1950 = arith.select %gt3A_1949, %select_n3A_1602, %select_n3A_1599 : vector<8x128xi1>, vector<8x128xf32>
    %select_n3A_1951 = arith.select %gt3A_1949, %select_n3A_1603, %select_n3A_1600 : vector<8x128xi1>, vector<8x128xi32>
    %gt3A_1952 = arith.cmpf ogt, %select_n3A_1608, %select_n3A_1605 : vector<8x128xf32>
    %select_n3A_1953 = arith.select %gt3A_1952, %select_n3A_1608, %select_n3A_1605 : vector<8x128xi1>, vector<8x128xf32>
    %select_n3A_1954 = arith.select %gt3A_1952, %select_n3A_1609, %select_n3A_1606 : vector<8x128xi1>, vector<8x128xi32>
    %gt3A_1955 = arith.cmpf ogt, %select_n3A_1614, %select_n3A_1611 : vector<8x128xf32>
    %select_n3A_1956 = arith.select %gt3A_1955, %select_n3A_1614, %select_n3A_1611 : vector<8x128xi1>, vector<8x128xf32>
    %select_n3A_1957 = arith.select %gt3A_1955, %select_n3A_1615, %select_n3A_1612 : vector<8x128xi1>, vector<8x128xi32>
    %gt3A_1958 = arith.cmpf ogt, %select_n3A_1620, %select_n3A_1617 : vector<8x128xf32>
    %select_n3A_1959 = arith.select %gt3A_1958, %select_n3A_1620, %select_n3A_1617 : vector<8x128xi1>, vector<8x128xf32>
    %select_n3A_1960 = arith.select %gt3A_1958, %select_n3A_1621, %select_n3A_1618 : vector<8x128xi1>, vector<8x128xi32>
    %gt3A_1961 = arith.cmpf ogt, %select_n3A_1626, %select_n3A_1623 : vector<8x128xf32>
    %select_n3A_1962 = arith.select %gt3A_1961, %select_n3A_1626, %select_n3A_1623 : vector<8x128xi1>, vector<8x128xf32>
    %select_n3A_1963 = arith.select %gt3A_1961, %select_n3A_1627, %select_n3A_1624 : vector<8x128xi1>, vector<8x128xi32>
    %gt3A_1964 = arith.cmpf ogt, %select_n3A_1632, %select_n3A_1629 : vector<8x128xf32>
    %select_n3A_1965 = arith.select %gt3A_1964, %select_n3A_1632, %select_n3A_1629 : vector<8x128xi1>, vector<8x128xf32>
    %select_n3A_1966 = arith.select %gt3A_1964, %select_n3A_1633, %select_n3A_1630 : vector<8x128xi1>, vector<8x128xi32>
    %gt3A_1967 = arith.cmpf ogt, %select_n3A_1638, %select_n3A_1635 : vector<8x128xf32>
    %select_n3A_1968 = arith.select %gt3A_1967, %select_n3A_1638, %select_n3A_1635 : vector<8x128xi1>, vector<8x128xf32>
    %select_n3A_1969 = arith.select %gt3A_1967, %select_n3A_1639, %select_n3A_1636 : vector<8x128xi1>, vector<8x128xi32>
    %gt3A_1970 = arith.cmpf ogt, %select_n3A_1644, %select_n3A_1641 : vector<8x128xf32>
    %select_n3A_1971 = arith.select %gt3A_1970, %select_n3A_1644, %select_n3A_1641 : vector<8x128xi1>, vector<8x128xf32>
    %select_n3A_1972 = arith.select %gt3A_1970, %select_n3A_1645, %select_n3A_1642 : vector<8x128xi1>, vector<8x128xi32>
    %gt3A_1973 = arith.cmpf ogt, %select_n3A_1650, %select_n3A_1647 : vector<8x128xf32>
    %select_n3A_1974 = arith.select %gt3A_1973, %select_n3A_1650, %select_n3A_1647 : vector<8x128xi1>, vector<8x128xf32>
    %select_n3A_1975 = arith.select %gt3A_1973, %select_n3A_1651, %select_n3A_1648 : vector<8x128xi1>, vector<8x128xi32>
    %gt3A_1976 = arith.cmpf ogt, %select_n3A_1656, %select_n3A_1653 : vector<8x128xf32>
    %select_n3A_1977 = arith.select %gt3A_1976, %select_n3A_1656, %select_n3A_1653 : vector<8x128xi1>, vector<8x128xf32>
    %select_n3A_1978 = arith.select %gt3A_1976, %select_n3A_1657, %select_n3A_1654 : vector<8x128xi1>, vector<8x128xi32>
    %gt3A_1979 = arith.cmpf ogt, %select_n3A_1662, %select_n3A_1659 : vector<8x128xf32>
    %select_n3A_1980 = arith.select %gt3A_1979, %select_n3A_1662, %select_n3A_1659 : vector<8x128xi1>, vector<8x128xf32>
    %select_n3A_1981 = arith.select %gt3A_1979, %select_n3A_1663, %select_n3A_1660 : vector<8x128xi1>, vector<8x128xi32>
    %gt3A_1982 = arith.cmpf ogt, %select_n3A_1668, %select_n3A_1665 : vector<8x128xf32>
    %select_n3A_1983 = arith.select %gt3A_1982, %select_n3A_1668, %select_n3A_1665 : vector<8x128xi1>, vector<8x128xf32>
    %select_n3A_1984 = arith.select %gt3A_1982, %select_n3A_1669, %select_n3A_1666 : vector<8x128xi1>, vector<8x128xi32>
    %gt3A_1985 = arith.cmpf ogt, %select_n3A_1674, %select_n3A_1671 : vector<8x128xf32>
    %select_n3A_1986 = arith.select %gt3A_1985, %select_n3A_1674, %select_n3A_1671 : vector<8x128xi1>, vector<8x128xf32>
    %select_n3A_1987 = arith.select %gt3A_1985, %select_n3A_1675, %select_n3A_1672 : vector<8x128xi1>, vector<8x128xi32>
    %gt3A_1988 = arith.cmpf ogt, %select_n3A_1680, %select_n3A_1677 : vector<8x128xf32>
    %select_n3A_1989 = arith.select %gt3A_1988, %select_n3A_1680, %select_n3A_1677 : vector<8x128xi1>, vector<8x128xf32>
    %select_n3A_1990 = arith.select %gt3A_1988, %select_n3A_1681, %select_n3A_1678 : vector<8x128xi1>, vector<8x128xi32>
    %gt3A_1991 = arith.cmpf ogt, %select_n3A_1686, %select_n3A_1683 : vector<8x128xf32>
    %select_n3A_1992 = arith.select %gt3A_1991, %select_n3A_1686, %select_n3A_1683 : vector<8x128xi1>, vector<8x128xf32>
    %select_n3A_1993 = arith.select %gt3A_1991, %select_n3A_1687, %select_n3A_1684 : vector<8x128xi1>, vector<8x128xi32>
    %gt3A_1994 = arith.cmpf ogt, %select_n3A_1692, %select_n3A_1689 : vector<8x128xf32>
    %select_n3A_1995 = arith.select %gt3A_1994, %select_n3A_1692, %select_n3A_1689 : vector<8x128xi1>, vector<8x128xf32>
    %select_n3A_1996 = arith.select %gt3A_1994, %select_n3A_1693, %select_n3A_1690 : vector<8x128xi1>, vector<8x128xi32>
    %gt3A_1997 = arith.cmpf ogt, %select_n3A_1698, %select_n3A_1695 : vector<8x128xf32>
    %select_n3A_1998 = arith.select %gt3A_1997, %select_n3A_1698, %select_n3A_1695 : vector<8x128xi1>, vector<8x128xf32>
    %select_n3A_1999 = arith.select %gt3A_1997, %select_n3A_1699, %select_n3A_1696 : vector<8x128xi1>, vector<8x128xi32>
    %gt3A_2000 = arith.cmpf ogt, %select_n3A_1704, %select_n3A_1701 : vector<8x128xf32>
    %select_n3A_2001 = arith.select %gt3A_2000, %select_n3A_1704, %select_n3A_1701 : vector<8x128xi1>, vector<8x128xf32>
    %select_n3A_2002 = arith.select %gt3A_2000, %select_n3A_1705, %select_n3A_1702 : vector<8x128xi1>, vector<8x128xi32>
    %gt3A_2003 = arith.cmpf ogt, %select_n3A_1710, %select_n3A_1707 : vector<8x128xf32>
    %select_n3A_2004 = arith.select %gt3A_2003, %select_n3A_1710, %select_n3A_1707 : vector<8x128xi1>, vector<8x128xf32>
    %select_n3A_2005 = arith.select %gt3A_2003, %select_n3A_1711, %select_n3A_1708 : vector<8x128xi1>, vector<8x128xi32>
    %gt3A_2006 = arith.cmpf ogt, %select_n3A_1716, %select_n3A_1713 : vector<8x128xf32>
    %select_n3A_2007 = arith.select %gt3A_2006, %select_n3A_1716, %select_n3A_1713 : vector<8x128xi1>, vector<8x128xf32>
    %select_n3A_2008 = arith.select %gt3A_2006, %select_n3A_1717, %select_n3A_1714 : vector<8x128xi1>, vector<8x128xi32>
    %gt3A_2009 = arith.cmpf ogt, %select_n3A_1722, %select_n3A_1719 : vector<8x128xf32>
    %select_n3A_2010 = arith.select %gt3A_2009, %select_n3A_1722, %select_n3A_1719 : vector<8x128xi1>, vector<8x128xf32>
    %select_n3A_2011 = arith.select %gt3A_2009, %select_n3A_1723, %select_n3A_1720 : vector<8x128xi1>, vector<8x128xi32>
    %gt3A_2012 = arith.cmpf ogt, %select_n3A_1728, %select_n3A_1725 : vector<8x128xf32>
    %select_n3A_2013 = arith.select %gt3A_2012, %select_n3A_1728, %select_n3A_1725 : vector<8x128xi1>, vector<8x128xf32>
    %select_n3A_2014 = arith.select %gt3A_2012, %select_n3A_1729, %select_n3A_1726 : vector<8x128xi1>, vector<8x128xi32>
    %gt3A_2015 = arith.cmpf ogt, %select_n3A_1734, %select_n3A_1731 : vector<8x128xf32>
    %select_n3A_2016 = arith.select %gt3A_2015, %select_n3A_1734, %select_n3A_1731 : vector<8x128xi1>, vector<8x128xf32>
    %select_n3A_2017 = arith.select %gt3A_2015, %select_n3A_1735, %select_n3A_1732 : vector<8x128xi1>, vector<8x128xi32>
    %gt3A_2018 = arith.cmpf ogt, %select_n3A_1740, %select_n3A_1737 : vector<8x128xf32>
    %select_n3A_2019 = arith.select %gt3A_2018, %select_n3A_1740, %select_n3A_1737 : vector<8x128xi1>, vector<8x128xf32>
    %select_n3A_2020 = arith.select %gt3A_2018, %select_n3A_1741, %select_n3A_1738 : vector<8x128xi1>, vector<8x128xi32>
    %gt3A_2021 = arith.cmpf ogt, %select_n3A_1746, %select_n3A_1743 : vector<8x128xf32>
    %select_n3A_2022 = arith.select %gt3A_2021, %select_n3A_1746, %select_n3A_1743 : vector<8x128xi1>, vector<8x128xf32>
    %select_n3A_2023 = arith.select %gt3A_2021, %select_n3A_1747, %select_n3A_1744 : vector<8x128xi1>, vector<8x128xi32>
    %gt3A_2024 = arith.cmpf ogt, %select_n3A_1752, %select_n3A_1749 : vector<8x128xf32>
    %select_n3A_2025 = arith.select %gt3A_2024, %select_n3A_1752, %select_n3A_1749 : vector<8x128xi1>, vector<8x128xf32>
    %select_n3A_2026 = arith.select %gt3A_2024, %select_n3A_1753, %select_n3A_1750 : vector<8x128xi1>, vector<8x128xi32>
    %gt3A_2027 = arith.cmpf ogt, %select_n3A_1758, %select_n3A_1755 : vector<8x128xf32>
    %select_n3A_2028 = arith.select %gt3A_2027, %select_n3A_1758, %select_n3A_1755 : vector<8x128xi1>, vector<8x128xf32>
    %select_n3A_2029 = arith.select %gt3A_2027, %select_n3A_1759, %select_n3A_1756 : vector<8x128xi1>, vector<8x128xi32>
    %gt3A_2030 = arith.cmpf ogt, %select_n3A_1764, %select_n3A_1761 : vector<8x128xf32>
    %select_n3A_2031 = arith.select %gt3A_2030, %select_n3A_1764, %select_n3A_1761 : vector<8x128xi1>, vector<8x128xf32>
    %select_n3A_2032 = arith.select %gt3A_2030, %select_n3A_1765, %select_n3A_1762 : vector<8x128xi1>, vector<8x128xi32>
    %gt3A_2033 = arith.cmpf ogt, %select_n3A_1770, %select_n3A_1767 : vector<8x128xf32>
    %select_n3A_2034 = arith.select %gt3A_2033, %select_n3A_1770, %select_n3A_1767 : vector<8x128xi1>, vector<8x128xf32>
    %select_n3A_2035 = arith.select %gt3A_2033, %select_n3A_1771, %select_n3A_1768 : vector<8x128xi1>, vector<8x128xi32>
    %gt3A_2036 = arith.cmpf ogt, %select_n3A_1776, %select_n3A_1773 : vector<8x128xf32>
    %select_n3A_2037 = arith.select %gt3A_2036, %select_n3A_1776, %select_n3A_1773 : vector<8x128xi1>, vector<8x128xf32>
    %select_n3A_2038 = arith.select %gt3A_2036, %select_n3A_1777, %select_n3A_1774 : vector<8x128xi1>, vector<8x128xi32>
    %gt3A_2039 = arith.cmpf ogt, %select_n3A_1782, %select_n3A_1779 : vector<8x128xf32>
    %select_n3A_2040 = arith.select %gt3A_2039, %select_n3A_1782, %select_n3A_1779 : vector<8x128xi1>, vector<8x128xf32>
    %select_n3A_2041 = arith.select %gt3A_2039, %select_n3A_1783, %select_n3A_1780 : vector<8x128xi1>, vector<8x128xi32>
    %gt3A_2042 = arith.cmpf ogt, %select_n3A_1788, %select_n3A_1785 : vector<8x128xf32>
    %select_n3A_2043 = arith.select %gt3A_2042, %select_n3A_1788, %select_n3A_1785 : vector<8x128xi1>, vector<8x128xf32>
    %select_n3A_2044 = arith.select %gt3A_2042, %select_n3A_1789, %select_n3A_1786 : vector<8x128xi1>, vector<8x128xi32>
    %gt3A_2045 = arith.cmpf ogt, %select_n3A_1794, %select_n3A_1791 : vector<8x128xf32>
    %select_n3A_2046 = arith.select %gt3A_2045, %select_n3A_1794, %select_n3A_1791 : vector<8x128xi1>, vector<8x128xf32>
    %select_n3A_2047 = arith.select %gt3A_2045, %select_n3A_1795, %select_n3A_1792 : vector<8x128xi1>, vector<8x128xi32>
    %gt3A_2048 = arith.cmpf ogt, %select_n3A_1800, %select_n3A_1797 : vector<8x128xf32>
    %select_n3A_2049 = arith.select %gt3A_2048, %select_n3A_1800, %select_n3A_1797 : vector<8x128xi1>, vector<8x128xf32>
    %select_n3A_2050 = arith.select %gt3A_2048, %select_n3A_1801, %select_n3A_1798 : vector<8x128xi1>, vector<8x128xi32>
    %gt3A_2051 = arith.cmpf ogt, %select_n3A_1806, %select_n3A_1803 : vector<8x128xf32>
    %select_n3A_2052 = arith.select %gt3A_2051, %select_n3A_1806, %select_n3A_1803 : vector<8x128xi1>, vector<8x128xf32>
    %select_n3A_2053 = arith.select %gt3A_2051, %select_n3A_1807, %select_n3A_1804 : vector<8x128xi1>, vector<8x128xi32>
    %gt3A_2054 = arith.cmpf ogt, %select_n3A_1812, %select_n3A_1809 : vector<8x128xf32>
    %select_n3A_2055 = arith.select %gt3A_2054, %select_n3A_1812, %select_n3A_1809 : vector<8x128xi1>, vector<8x128xf32>
    %select_n3A_2056 = arith.select %gt3A_2054, %select_n3A_1813, %select_n3A_1810 : vector<8x128xi1>, vector<8x128xi32>
    %gt3A_2057 = arith.cmpf ogt, %select_n3A_1818, %select_n3A_1815 : vector<8x128xf32>
    %select_n3A_2058 = arith.select %gt3A_2057, %select_n3A_1818, %select_n3A_1815 : vector<8x128xi1>, vector<8x128xf32>
    %select_n3A_2059 = arith.select %gt3A_2057, %select_n3A_1819, %select_n3A_1816 : vector<8x128xi1>, vector<8x128xi32>
    %gt3A_2060 = arith.cmpf ogt, %select_n3A_1824, %select_n3A_1821 : vector<8x128xf32>
    %select_n3A_2061 = arith.select %gt3A_2060, %select_n3A_1824, %select_n3A_1821 : vector<8x128xi1>, vector<8x128xf32>
    %select_n3A_2062 = arith.select %gt3A_2060, %select_n3A_1825, %select_n3A_1822 : vector<8x128xi1>, vector<8x128xi32>
    %gt3A_2063 = arith.cmpf ogt, %select_n3A_1830, %select_n3A_1827 : vector<8x128xf32>
    %select_n3A_2064 = arith.select %gt3A_2063, %select_n3A_1830, %select_n3A_1827 : vector<8x128xi1>, vector<8x128xf32>
    %select_n3A_2065 = arith.select %gt3A_2063, %select_n3A_1831, %select_n3A_1828 : vector<8x128xi1>, vector<8x128xi32>
    %gt3A_2066 = arith.cmpf ogt, %select_n3A_1836, %select_n3A_1833 : vector<8x128xf32>
    %select_n3A_2067 = arith.select %gt3A_2066, %select_n3A_1836, %select_n3A_1833 : vector<8x128xi1>, vector<8x128xf32>
    %select_n3A_2068 = arith.select %gt3A_2066, %select_n3A_1837, %select_n3A_1834 : vector<8x128xi1>, vector<8x128xi32>
    %gt3A_2069 = arith.cmpf ogt, %select_n3A_1842, %select_n3A_1839 : vector<8x128xf32>
    %select_n3A_2070 = arith.select %gt3A_2069, %select_n3A_1842, %select_n3A_1839 : vector<8x128xi1>, vector<8x128xf32>
    %select_n3A_2071 = arith.select %gt3A_2069, %select_n3A_1843, %select_n3A_1840 : vector<8x128xi1>, vector<8x128xi32>
    %gt3A_2072 = arith.cmpf ogt, %select_n3A_1848, %select_n3A_1845 : vector<8x128xf32>
    %select_n3A_2073 = arith.select %gt3A_2072, %select_n3A_1848, %select_n3A_1845 : vector<8x128xi1>, vector<8x128xf32>
    %select_n3A_2074 = arith.select %gt3A_2072, %select_n3A_1849, %select_n3A_1846 : vector<8x128xi1>, vector<8x128xi32>
    %gt3A_2075 = arith.cmpf ogt, %select_n3A_1854, %select_n3A_1851 : vector<8x128xf32>
    %select_n3A_2076 = arith.select %gt3A_2075, %select_n3A_1854, %select_n3A_1851 : vector<8x128xi1>, vector<8x128xf32>
    %select_n3A_2077 = arith.select %gt3A_2075, %select_n3A_1855, %select_n3A_1852 : vector<8x128xi1>, vector<8x128xi32>
    %gt3A_2078 = arith.cmpf ogt, %select_n3A_1860, %select_n3A_1857 : vector<8x128xf32>
    %select_n3A_2079 = arith.select %gt3A_2078, %select_n3A_1860, %select_n3A_1857 : vector<8x128xi1>, vector<8x128xf32>
    %select_n3A_2080 = arith.select %gt3A_2078, %select_n3A_1861, %select_n3A_1858 : vector<8x128xi1>, vector<8x128xi32>
    %gt3A_2081 = arith.cmpf ogt, %select_n3A_1866, %select_n3A_1863 : vector<8x128xf32>
    %select_n3A_2082 = arith.select %gt3A_2081, %select_n3A_1866, %select_n3A_1863 : vector<8x128xi1>, vector<8x128xf32>
    %select_n3A_2083 = arith.select %gt3A_2081, %select_n3A_1867, %select_n3A_1864 : vector<8x128xi1>, vector<8x128xi32>
    %gt3A_2084 = arith.cmpf ogt, %select_n3A_1872, %select_n3A_1869 : vector<8x128xf32>
    %select_n3A_2085 = arith.select %gt3A_2084, %select_n3A_1872, %select_n3A_1869 : vector<8x128xi1>, vector<8x128xf32>
    %select_n3A_2086 = arith.select %gt3A_2084, %select_n3A_1873, %select_n3A_1870 : vector<8x128xi1>, vector<8x128xi32>
    %gt3A_2087 = arith.cmpf ogt, %select_n3A_1878, %select_n3A_1875 : vector<8x128xf32>
    %select_n3A_2088 = arith.select %gt3A_2087, %select_n3A_1878, %select_n3A_1875 : vector<8x128xi1>, vector<8x128xf32>
    %select_n3A_2089 = arith.select %gt3A_2087, %select_n3A_1879, %select_n3A_1876 : vector<8x128xi1>, vector<8x128xi32>
    %gt3A_2090 = arith.cmpf ogt, %select_n3A_1884, %select_n3A_1881 : vector<8x128xf32>
    %select_n3A_2091 = arith.select %gt3A_2090, %select_n3A_1884, %select_n3A_1881 : vector<8x128xi1>, vector<8x128xf32>
    %select_n3A_2092 = arith.select %gt3A_2090, %select_n3A_1885, %select_n3A_1882 : vector<8x128xi1>, vector<8x128xi32>
    %gt3A_2093 = arith.cmpf ogt, %select_n3A_1890, %select_n3A_1887 : vector<8x128xf32>
    %select_n3A_2094 = arith.select %gt3A_2093, %select_n3A_1890, %select_n3A_1887 : vector<8x128xi1>, vector<8x128xf32>
    %select_n3A_2095 = arith.select %gt3A_2093, %select_n3A_1891, %select_n3A_1888 : vector<8x128xi1>, vector<8x128xi32>
    %gt3A_2096 = arith.cmpf ogt, %select_n3A_1896, %select_n3A_1893 : vector<8x128xf32>
    %select_n3A_2097 = arith.select %gt3A_2096, %select_n3A_1896, %select_n3A_1893 : vector<8x128xi1>, vector<8x128xf32>
    %select_n3A_2098 = arith.select %gt3A_2096, %select_n3A_1897, %select_n3A_1894 : vector<8x128xi1>, vector<8x128xi32>
    %gt3A_2099 = arith.cmpf ogt, %select_n3A_1902, %select_n3A_1899 : vector<8x128xf32>
    %select_n3A_2100 = arith.select %gt3A_2099, %select_n3A_1902, %select_n3A_1899 : vector<8x128xi1>, vector<8x128xf32>
    %select_n3A_2101 = arith.select %gt3A_2099, %select_n3A_1903, %select_n3A_1900 : vector<8x128xi1>, vector<8x128xi32>
    %gt3A_2102 = arith.cmpf ogt, %select_n3A_1908, %select_n3A_1905 : vector<8x128xf32>
    %select_n3A_2103 = arith.select %gt3A_2102, %select_n3A_1908, %select_n3A_1905 : vector<8x128xi1>, vector<8x128xf32>
    %select_n3A_2104 = arith.select %gt3A_2102, %select_n3A_1909, %select_n3A_1906 : vector<8x128xi1>, vector<8x128xi32>
    %gt3A_2105 = arith.cmpf ogt, %select_n3A_1914, %select_n3A_1911 : vector<8x128xf32>
    %select_n3A_2106 = arith.select %gt3A_2105, %select_n3A_1914, %select_n3A_1911 : vector<8x128xi1>, vector<8x128xf32>
    %select_n3A_2107 = arith.select %gt3A_2105, %select_n3A_1915, %select_n3A_1912 : vector<8x128xi1>, vector<8x128xi32>
    %gt3A_2108 = arith.cmpf ogt, %select_n3A_1920, %select_n3A_1917 : vector<8x128xf32>
    %select_n3A_2109 = arith.select %gt3A_2108, %select_n3A_1920, %select_n3A_1917 : vector<8x128xi1>, vector<8x128xf32>
    %select_n3A_2110 = arith.select %gt3A_2108, %select_n3A_1921, %select_n3A_1918 : vector<8x128xi1>, vector<8x128xi32>
    %gt3A_2111 = arith.cmpf ogt, %select_n3A_1926, %select_n3A_1923 : vector<8x128xf32>
    %select_n3A_2112 = arith.select %gt3A_2111, %select_n3A_1926, %select_n3A_1923 : vector<8x128xi1>, vector<8x128xf32>
    %select_n3A_2113 = arith.select %gt3A_2111, %select_n3A_1927, %select_n3A_1924 : vector<8x128xi1>, vector<8x128xi32>
    %gt3A_2114 = arith.cmpf ogt, %select_n3A_1932, %select_n3A_1929 : vector<8x128xf32>
    %select_n3A_2115 = arith.select %gt3A_2114, %select_n3A_1932, %select_n3A_1929 : vector<8x128xi1>, vector<8x128xf32>
    %select_n3A_2116 = arith.select %gt3A_2114, %select_n3A_1933, %select_n3A_1930 : vector<8x128xi1>, vector<8x128xi32>
    %gt3A_2117 = arith.cmpf ogt, %select_n3A_1938, %select_n3A_1935 : vector<8x128xf32>
    %select_n3A_2118 = arith.select %gt3A_2117, %select_n3A_1938, %select_n3A_1935 : vector<8x128xi1>, vector<8x128xf32>
    %select_n3A_2119 = arith.select %gt3A_2117, %select_n3A_1939, %select_n3A_1936 : vector<8x128xi1>, vector<8x128xi32>
    %gt3A_2120 = arith.cmpf ogt, %select_n3A_1944, %select_n3A_1941 : vector<8x128xf32>
    %select_n3A_2121 = arith.select %gt3A_2120, %select_n3A_1944, %select_n3A_1941 : vector<8x128xi1>, vector<8x128xf32>
    %select_n3A_2122 = arith.select %gt3A_2120, %select_n3A_1945, %select_n3A_1942 : vector<8x128xi1>, vector<8x128xi32>
    %gt3A_2123 = arith.cmpf ogt, %select_n3A_1950, %select_n3A_1947 : vector<8x128xf32>
    %select_n3A_2124 = arith.select %gt3A_2123, %select_n3A_1950, %select_n3A_1947 : vector<8x128xi1>, vector<8x128xf32>
    %select_n3A_2125 = arith.select %gt3A_2123, %select_n3A_1951, %select_n3A_1948 : vector<8x128xi1>, vector<8x128xi32>
    %gt3A_2126 = arith.cmpf ogt, %select_n3A_1956, %select_n3A_1953 : vector<8x128xf32>
    %select_n3A_2127 = arith.select %gt3A_2126, %select_n3A_1956, %select_n3A_1953 : vector<8x128xi1>, vector<8x128xf32>
    %select_n3A_2128 = arith.select %gt3A_2126, %select_n3A_1957, %select_n3A_1954 : vector<8x128xi1>, vector<8x128xi32>
    %gt3A_2129 = arith.cmpf ogt, %select_n3A_1962, %select_n3A_1959 : vector<8x128xf32>
    %select_n3A_2130 = arith.select %gt3A_2129, %select_n3A_1962, %select_n3A_1959 : vector<8x128xi1>, vector<8x128xf32>
    %select_n3A_2131 = arith.select %gt3A_2129, %select_n3A_1963, %select_n3A_1960 : vector<8x128xi1>, vector<8x128xi32>
    %gt3A_2132 = arith.cmpf ogt, %select_n3A_1968, %select_n3A_1965 : vector<8x128xf32>
    %select_n3A_2133 = arith.select %gt3A_2132, %select_n3A_1968, %select_n3A_1965 : vector<8x128xi1>, vector<8x128xf32>
    %select_n3A_2134 = arith.select %gt3A_2132, %select_n3A_1969, %select_n3A_1966 : vector<8x128xi1>, vector<8x128xi32>
    %gt3A_2135 = arith.cmpf ogt, %select_n3A_1974, %select_n3A_1971 : vector<8x128xf32>
    %select_n3A_2136 = arith.select %gt3A_2135, %select_n3A_1974, %select_n3A_1971 : vector<8x128xi1>, vector<8x128xf32>
    %select_n3A_2137 = arith.select %gt3A_2135, %select_n3A_1975, %select_n3A_1972 : vector<8x128xi1>, vector<8x128xi32>
    %gt3A_2138 = arith.cmpf ogt, %select_n3A_1980, %select_n3A_1977 : vector<8x128xf32>
    %select_n3A_2139 = arith.select %gt3A_2138, %select_n3A_1980, %select_n3A_1977 : vector<8x128xi1>, vector<8x128xf32>
    %select_n3A_2140 = arith.select %gt3A_2138, %select_n3A_1981, %select_n3A_1978 : vector<8x128xi1>, vector<8x128xi32>
    %gt3A_2141 = arith.cmpf ogt, %select_n3A_1986, %select_n3A_1983 : vector<8x128xf32>
    %select_n3A_2142 = arith.select %gt3A_2141, %select_n3A_1986, %select_n3A_1983 : vector<8x128xi1>, vector<8x128xf32>
    %select_n3A_2143 = arith.select %gt3A_2141, %select_n3A_1987, %select_n3A_1984 : vector<8x128xi1>, vector<8x128xi32>
    %gt3A_2144 = arith.cmpf ogt, %select_n3A_1992, %select_n3A_1989 : vector<8x128xf32>
    %select_n3A_2145 = arith.select %gt3A_2144, %select_n3A_1992, %select_n3A_1989 : vector<8x128xi1>, vector<8x128xf32>
    %select_n3A_2146 = arith.select %gt3A_2144, %select_n3A_1993, %select_n3A_1990 : vector<8x128xi1>, vector<8x128xi32>
    %gt3A_2147 = arith.cmpf ogt, %select_n3A_1998, %select_n3A_1995 : vector<8x128xf32>
    %select_n3A_2148 = arith.select %gt3A_2147, %select_n3A_1998, %select_n3A_1995 : vector<8x128xi1>, vector<8x128xf32>
    %select_n3A_2149 = arith.select %gt3A_2147, %select_n3A_1999, %select_n3A_1996 : vector<8x128xi1>, vector<8x128xi32>
    %gt3A_2150 = arith.cmpf ogt, %select_n3A_2004, %select_n3A_2001 : vector<8x128xf32>
    %select_n3A_2151 = arith.select %gt3A_2150, %select_n3A_2004, %select_n3A_2001 : vector<8x128xi1>, vector<8x128xf32>
    %select_n3A_2152 = arith.select %gt3A_2150, %select_n3A_2005, %select_n3A_2002 : vector<8x128xi1>, vector<8x128xi32>
    %gt3A_2153 = arith.cmpf ogt, %select_n3A_2010, %select_n3A_2007 : vector<8x128xf32>
    %select_n3A_2154 = arith.select %gt3A_2153, %select_n3A_2010, %select_n3A_2007 : vector<8x128xi1>, vector<8x128xf32>
    %select_n3A_2155 = arith.select %gt3A_2153, %select_n3A_2011, %select_n3A_2008 : vector<8x128xi1>, vector<8x128xi32>
    %gt3A_2156 = arith.cmpf ogt, %select_n3A_2016, %select_n3A_2013 : vector<8x128xf32>
    %select_n3A_2157 = arith.select %gt3A_2156, %select_n3A_2016, %select_n3A_2013 : vector<8x128xi1>, vector<8x128xf32>
    %select_n3A_2158 = arith.select %gt3A_2156, %select_n3A_2017, %select_n3A_2014 : vector<8x128xi1>, vector<8x128xi32>
    %gt3A_2159 = arith.cmpf ogt, %select_n3A_2022, %select_n3A_2019 : vector<8x128xf32>
    %select_n3A_2160 = arith.select %gt3A_2159, %select_n3A_2022, %select_n3A_2019 : vector<8x128xi1>, vector<8x128xf32>
    %select_n3A_2161 = arith.select %gt3A_2159, %select_n3A_2023, %select_n3A_2020 : vector<8x128xi1>, vector<8x128xi32>
    %gt3A_2162 = arith.cmpf ogt, %select_n3A_2028, %select_n3A_2025 : vector<8x128xf32>
    %select_n3A_2163 = arith.select %gt3A_2162, %select_n3A_2028, %select_n3A_2025 : vector<8x128xi1>, vector<8x128xf32>
    %select_n3A_2164 = arith.select %gt3A_2162, %select_n3A_2029, %select_n3A_2026 : vector<8x128xi1>, vector<8x128xi32>
    %gt3A_2165 = arith.cmpf ogt, %select_n3A_2034, %select_n3A_2031 : vector<8x128xf32>
    %select_n3A_2166 = arith.select %gt3A_2165, %select_n3A_2034, %select_n3A_2031 : vector<8x128xi1>, vector<8x128xf32>
    %select_n3A_2167 = arith.select %gt3A_2165, %select_n3A_2035, %select_n3A_2032 : vector<8x128xi1>, vector<8x128xi32>
    %gt3A_2168 = arith.cmpf ogt, %select_n3A_2040, %select_n3A_2037 : vector<8x128xf32>
    %select_n3A_2169 = arith.select %gt3A_2168, %select_n3A_2040, %select_n3A_2037 : vector<8x128xi1>, vector<8x128xf32>
    %select_n3A_2170 = arith.select %gt3A_2168, %select_n3A_2041, %select_n3A_2038 : vector<8x128xi1>, vector<8x128xi32>
    %gt3A_2171 = arith.cmpf ogt, %select_n3A_2046, %select_n3A_2043 : vector<8x128xf32>
    %select_n3A_2172 = arith.select %gt3A_2171, %select_n3A_2046, %select_n3A_2043 : vector<8x128xi1>, vector<8x128xf32>
    %select_n3A_2173 = arith.select %gt3A_2171, %select_n3A_2047, %select_n3A_2044 : vector<8x128xi1>, vector<8x128xi32>
    %gt3A_2174 = arith.cmpf ogt, %select_n3A_2052, %select_n3A_2049 : vector<8x128xf32>
    %select_n3A_2175 = arith.select %gt3A_2174, %select_n3A_2052, %select_n3A_2049 : vector<8x128xi1>, vector<8x128xf32>
    %select_n3A_2176 = arith.select %gt3A_2174, %select_n3A_2053, %select_n3A_2050 : vector<8x128xi1>, vector<8x128xi32>
    %gt3A_2177 = arith.cmpf ogt, %select_n3A_2058, %select_n3A_2055 : vector<8x128xf32>
    %select_n3A_2178 = arith.select %gt3A_2177, %select_n3A_2058, %select_n3A_2055 : vector<8x128xi1>, vector<8x128xf32>
    %select_n3A_2179 = arith.select %gt3A_2177, %select_n3A_2059, %select_n3A_2056 : vector<8x128xi1>, vector<8x128xi32>
    %gt3A_2180 = arith.cmpf ogt, %select_n3A_2064, %select_n3A_2061 : vector<8x128xf32>
    %select_n3A_2181 = arith.select %gt3A_2180, %select_n3A_2064, %select_n3A_2061 : vector<8x128xi1>, vector<8x128xf32>
    %select_n3A_2182 = arith.select %gt3A_2180, %select_n3A_2065, %select_n3A_2062 : vector<8x128xi1>, vector<8x128xi32>
    %gt3A_2183 = arith.cmpf ogt, %select_n3A_2070, %select_n3A_2067 : vector<8x128xf32>
    %select_n3A_2184 = arith.select %gt3A_2183, %select_n3A_2070, %select_n3A_2067 : vector<8x128xi1>, vector<8x128xf32>
    %select_n3A_2185 = arith.select %gt3A_2183, %select_n3A_2071, %select_n3A_2068 : vector<8x128xi1>, vector<8x128xi32>
    %gt3A_2186 = arith.cmpf ogt, %select_n3A_2076, %select_n3A_2073 : vector<8x128xf32>
    %select_n3A_2187 = arith.select %gt3A_2186, %select_n3A_2076, %select_n3A_2073 : vector<8x128xi1>, vector<8x128xf32>
    %select_n3A_2188 = arith.select %gt3A_2186, %select_n3A_2077, %select_n3A_2074 : vector<8x128xi1>, vector<8x128xi32>
    %gt3A_2189 = arith.cmpf ogt, %select_n3A_2082, %select_n3A_2079 : vector<8x128xf32>
    %select_n3A_2190 = arith.select %gt3A_2189, %select_n3A_2082, %select_n3A_2079 : vector<8x128xi1>, vector<8x128xf32>
    %select_n3A_2191 = arith.select %gt3A_2189, %select_n3A_2083, %select_n3A_2080 : vector<8x128xi1>, vector<8x128xi32>
    %gt3A_2192 = arith.cmpf ogt, %select_n3A_2088, %select_n3A_2085 : vector<8x128xf32>
    %select_n3A_2193 = arith.select %gt3A_2192, %select_n3A_2088, %select_n3A_2085 : vector<8x128xi1>, vector<8x128xf32>
    %select_n3A_2194 = arith.select %gt3A_2192, %select_n3A_2089, %select_n3A_2086 : vector<8x128xi1>, vector<8x128xi32>
    %gt3A_2195 = arith.cmpf ogt, %select_n3A_2094, %select_n3A_2091 : vector<8x128xf32>
    %select_n3A_2196 = arith.select %gt3A_2195, %select_n3A_2094, %select_n3A_2091 : vector<8x128xi1>, vector<8x128xf32>
    %select_n3A_2197 = arith.select %gt3A_2195, %select_n3A_2095, %select_n3A_2092 : vector<8x128xi1>, vector<8x128xi32>
    %gt3A_2198 = arith.cmpf ogt, %select_n3A_2100, %select_n3A_2097 : vector<8x128xf32>
    %select_n3A_2199 = arith.select %gt3A_2198, %select_n3A_2100, %select_n3A_2097 : vector<8x128xi1>, vector<8x128xf32>
    %select_n3A_2200 = arith.select %gt3A_2198, %select_n3A_2101, %select_n3A_2098 : vector<8x128xi1>, vector<8x128xi32>
    %gt3A_2201 = arith.cmpf ogt, %select_n3A_2106, %select_n3A_2103 : vector<8x128xf32>
    %select_n3A_2202 = arith.select %gt3A_2201, %select_n3A_2106, %select_n3A_2103 : vector<8x128xi1>, vector<8x128xf32>
    %select_n3A_2203 = arith.select %gt3A_2201, %select_n3A_2107, %select_n3A_2104 : vector<8x128xi1>, vector<8x128xi32>
    %gt3A_2204 = arith.cmpf ogt, %select_n3A_2112, %select_n3A_2109 : vector<8x128xf32>
    %select_n3A_2205 = arith.select %gt3A_2204, %select_n3A_2112, %select_n3A_2109 : vector<8x128xi1>, vector<8x128xf32>
    %select_n3A_2206 = arith.select %gt3A_2204, %select_n3A_2113, %select_n3A_2110 : vector<8x128xi1>, vector<8x128xi32>
    %gt3A_2207 = arith.cmpf ogt, %select_n3A_2118, %select_n3A_2115 : vector<8x128xf32>
    %select_n3A_2208 = arith.select %gt3A_2207, %select_n3A_2118, %select_n3A_2115 : vector<8x128xi1>, vector<8x128xf32>
    %select_n3A_2209 = arith.select %gt3A_2207, %select_n3A_2119, %select_n3A_2116 : vector<8x128xi1>, vector<8x128xi32>
    %gt3A_2210 = arith.cmpf ogt, %select_n3A_2124, %select_n3A_2121 : vector<8x128xf32>
    %select_n3A_2211 = arith.select %gt3A_2210, %select_n3A_2124, %select_n3A_2121 : vector<8x128xi1>, vector<8x128xf32>
    %select_n3A_2212 = arith.select %gt3A_2210, %select_n3A_2125, %select_n3A_2122 : vector<8x128xi1>, vector<8x128xi32>
    %gt3A_2213 = arith.cmpf ogt, %select_n3A_2130, %select_n3A_2127 : vector<8x128xf32>
    %select_n3A_2214 = arith.select %gt3A_2213, %select_n3A_2130, %select_n3A_2127 : vector<8x128xi1>, vector<8x128xf32>
    %select_n3A_2215 = arith.select %gt3A_2213, %select_n3A_2131, %select_n3A_2128 : vector<8x128xi1>, vector<8x128xi32>
    %gt3A_2216 = arith.cmpf ogt, %select_n3A_2136, %select_n3A_2133 : vector<8x128xf32>
    %select_n3A_2217 = arith.select %gt3A_2216, %select_n3A_2136, %select_n3A_2133 : vector<8x128xi1>, vector<8x128xf32>
    %select_n3A_2218 = arith.select %gt3A_2216, %select_n3A_2137, %select_n3A_2134 : vector<8x128xi1>, vector<8x128xi32>
    %gt3A_2219 = arith.cmpf ogt, %select_n3A_2142, %select_n3A_2139 : vector<8x128xf32>
    %select_n3A_2220 = arith.select %gt3A_2219, %select_n3A_2142, %select_n3A_2139 : vector<8x128xi1>, vector<8x128xf32>
    %select_n3A_2221 = arith.select %gt3A_2219, %select_n3A_2143, %select_n3A_2140 : vector<8x128xi1>, vector<8x128xi32>
    %gt3A_2222 = arith.cmpf ogt, %select_n3A_2148, %select_n3A_2145 : vector<8x128xf32>
    %select_n3A_2223 = arith.select %gt3A_2222, %select_n3A_2148, %select_n3A_2145 : vector<8x128xi1>, vector<8x128xf32>
    %select_n3A_2224 = arith.select %gt3A_2222, %select_n3A_2149, %select_n3A_2146 : vector<8x128xi1>, vector<8x128xi32>
    %gt3A_2225 = arith.cmpf ogt, %select_n3A_2154, %select_n3A_2151 : vector<8x128xf32>
    %select_n3A_2226 = arith.select %gt3A_2225, %select_n3A_2154, %select_n3A_2151 : vector<8x128xi1>, vector<8x128xf32>
    %select_n3A_2227 = arith.select %gt3A_2225, %select_n3A_2155, %select_n3A_2152 : vector<8x128xi1>, vector<8x128xi32>
    %gt3A_2228 = arith.cmpf ogt, %select_n3A_2160, %select_n3A_2157 : vector<8x128xf32>
    %select_n3A_2229 = arith.select %gt3A_2228, %select_n3A_2160, %select_n3A_2157 : vector<8x128xi1>, vector<8x128xf32>
    %select_n3A_2230 = arith.select %gt3A_2228, %select_n3A_2161, %select_n3A_2158 : vector<8x128xi1>, vector<8x128xi32>
    %gt3A_2231 = arith.cmpf ogt, %select_n3A_2166, %select_n3A_2163 : vector<8x128xf32>
    %select_n3A_2232 = arith.select %gt3A_2231, %select_n3A_2166, %select_n3A_2163 : vector<8x128xi1>, vector<8x128xf32>
    %select_n3A_2233 = arith.select %gt3A_2231, %select_n3A_2167, %select_n3A_2164 : vector<8x128xi1>, vector<8x128xi32>
    %gt3A_2234 = arith.cmpf ogt, %select_n3A_2172, %select_n3A_2169 : vector<8x128xf32>
    %select_n3A_2235 = arith.select %gt3A_2234, %select_n3A_2172, %select_n3A_2169 : vector<8x128xi1>, vector<8x128xf32>
    %select_n3A_2236 = arith.select %gt3A_2234, %select_n3A_2173, %select_n3A_2170 : vector<8x128xi1>, vector<8x128xi32>
    %gt3A_2237 = arith.cmpf ogt, %select_n3A_2178, %select_n3A_2175 : vector<8x128xf32>
    %select_n3A_2238 = arith.select %gt3A_2237, %select_n3A_2178, %select_n3A_2175 : vector<8x128xi1>, vector<8x128xf32>
    %select_n3A_2239 = arith.select %gt3A_2237, %select_n3A_2179, %select_n3A_2176 : vector<8x128xi1>, vector<8x128xi32>
    %gt3A_2240 = arith.cmpf ogt, %select_n3A_2184, %select_n3A_2181 : vector<8x128xf32>
    %select_n3A_2241 = arith.select %gt3A_2240, %select_n3A_2184, %select_n3A_2181 : vector<8x128xi1>, vector<8x128xf32>
    %select_n3A_2242 = arith.select %gt3A_2240, %select_n3A_2185, %select_n3A_2182 : vector<8x128xi1>, vector<8x128xi32>
    %gt3A_2243 = arith.cmpf ogt, %select_n3A_2190, %select_n3A_2187 : vector<8x128xf32>
    %select_n3A_2244 = arith.select %gt3A_2243, %select_n3A_2190, %select_n3A_2187 : vector<8x128xi1>, vector<8x128xf32>
    %select_n3A_2245 = arith.select %gt3A_2243, %select_n3A_2191, %select_n3A_2188 : vector<8x128xi1>, vector<8x128xi32>
    %gt3A_2246 = arith.cmpf ogt, %select_n3A_2196, %select_n3A_2193 : vector<8x128xf32>
    %select_n3A_2247 = arith.select %gt3A_2246, %select_n3A_2196, %select_n3A_2193 : vector<8x128xi1>, vector<8x128xf32>
    %select_n3A_2248 = arith.select %gt3A_2246, %select_n3A_2197, %select_n3A_2194 : vector<8x128xi1>, vector<8x128xi32>
    %gt3A_2249 = arith.cmpf ogt, %select_n3A_2202, %select_n3A_2199 : vector<8x128xf32>
    %select_n3A_2250 = arith.select %gt3A_2249, %select_n3A_2202, %select_n3A_2199 : vector<8x128xi1>, vector<8x128xf32>
    %select_n3A_2251 = arith.select %gt3A_2249, %select_n3A_2203, %select_n3A_2200 : vector<8x128xi1>, vector<8x128xi32>
    %gt3A_2252 = arith.cmpf ogt, %select_n3A_2208, %select_n3A_2205 : vector<8x128xf32>
    %select_n3A_2253 = arith.select %gt3A_2252, %select_n3A_2208, %select_n3A_2205 : vector<8x128xi1>, vector<8x128xf32>
    %select_n3A_2254 = arith.select %gt3A_2252, %select_n3A_2209, %select_n3A_2206 : vector<8x128xi1>, vector<8x128xi32>
    %gt3A_2255 = arith.cmpf ogt, %select_n3A_2214, %select_n3A_2211 : vector<8x128xf32>
    %select_n3A_2256 = arith.select %gt3A_2255, %select_n3A_2214, %select_n3A_2211 : vector<8x128xi1>, vector<8x128xf32>
    %select_n3A_2257 = arith.select %gt3A_2255, %select_n3A_2215, %select_n3A_2212 : vector<8x128xi1>, vector<8x128xi32>
    %gt3A_2258 = arith.cmpf ogt, %select_n3A_2220, %select_n3A_2217 : vector<8x128xf32>
    %select_n3A_2259 = arith.select %gt3A_2258, %select_n3A_2220, %select_n3A_2217 : vector<8x128xi1>, vector<8x128xf32>
    %select_n3A_2260 = arith.select %gt3A_2258, %select_n3A_2221, %select_n3A_2218 : vector<8x128xi1>, vector<8x128xi32>
    %gt3A_2261 = arith.cmpf ogt, %select_n3A_2226, %select_n3A_2223 : vector<8x128xf32>
    %select_n3A_2262 = arith.select %gt3A_2261, %select_n3A_2226, %select_n3A_2223 : vector<8x128xi1>, vector<8x128xf32>
    %select_n3A_2263 = arith.select %gt3A_2261, %select_n3A_2227, %select_n3A_2224 : vector<8x128xi1>, vector<8x128xi32>
    %gt3A_2264 = arith.cmpf ogt, %select_n3A_2232, %select_n3A_2229 : vector<8x128xf32>
    %select_n3A_2265 = arith.select %gt3A_2264, %select_n3A_2232, %select_n3A_2229 : vector<8x128xi1>, vector<8x128xf32>
    %select_n3A_2266 = arith.select %gt3A_2264, %select_n3A_2233, %select_n3A_2230 : vector<8x128xi1>, vector<8x128xi32>
    %gt3A_2267 = arith.cmpf ogt, %select_n3A_2238, %select_n3A_2235 : vector<8x128xf32>
    %select_n3A_2268 = arith.select %gt3A_2267, %select_n3A_2238, %select_n3A_2235 : vector<8x128xi1>, vector<8x128xf32>
    %select_n3A_2269 = arith.select %gt3A_2267, %select_n3A_2239, %select_n3A_2236 : vector<8x128xi1>, vector<8x128xi32>
    %gt3A_2270 = arith.cmpf ogt, %select_n3A_2244, %select_n3A_2241 : vector<8x128xf32>
    %select_n3A_2271 = arith.select %gt3A_2270, %select_n3A_2244, %select_n3A_2241 : vector<8x128xi1>, vector<8x128xf32>
    %select_n3A_2272 = arith.select %gt3A_2270, %select_n3A_2245, %select_n3A_2242 : vector<8x128xi1>, vector<8x128xi32>
    %gt3A_2273 = arith.cmpf ogt, %select_n3A_2250, %select_n3A_2247 : vector<8x128xf32>
    %select_n3A_2274 = arith.select %gt3A_2273, %select_n3A_2250, %select_n3A_2247 : vector<8x128xi1>, vector<8x128xf32>
    %select_n3A_2275 = arith.select %gt3A_2273, %select_n3A_2251, %select_n3A_2248 : vector<8x128xi1>, vector<8x128xi32>
    %gt3A_2276 = arith.cmpf ogt, %select_n3A_2256, %select_n3A_2253 : vector<8x128xf32>
    %select_n3A_2277 = arith.select %gt3A_2276, %select_n3A_2256, %select_n3A_2253 : vector<8x128xi1>, vector<8x128xf32>
    %select_n3A_2278 = arith.select %gt3A_2276, %select_n3A_2257, %select_n3A_2254 : vector<8x128xi1>, vector<8x128xi32>
    %gt3A_2279 = arith.cmpf ogt, %select_n3A_2262, %select_n3A_2259 : vector<8x128xf32>
    %select_n3A_2280 = arith.select %gt3A_2279, %select_n3A_2262, %select_n3A_2259 : vector<8x128xi1>, vector<8x128xf32>
    %select_n3A_2281 = arith.select %gt3A_2279, %select_n3A_2263, %select_n3A_2260 : vector<8x128xi1>, vector<8x128xi32>
    %gt3A_2282 = arith.cmpf ogt, %select_n3A_2268, %select_n3A_2265 : vector<8x128xf32>
    %select_n3A_2283 = arith.select %gt3A_2282, %select_n3A_2268, %select_n3A_2265 : vector<8x128xi1>, vector<8x128xf32>
    %select_n3A_2284 = arith.select %gt3A_2282, %select_n3A_2269, %select_n3A_2266 : vector<8x128xi1>, vector<8x128xi32>
    %gt3A_2285 = arith.cmpf ogt, %select_n3A_2274, %select_n3A_2271 : vector<8x128xf32>
    %select_n3A_2286 = arith.select %gt3A_2285, %select_n3A_2274, %select_n3A_2271 : vector<8x128xi1>, vector<8x128xf32>
    %select_n3A_2287 = arith.select %gt3A_2285, %select_n3A_2275, %select_n3A_2272 : vector<8x128xi1>, vector<8x128xi32>
    %gt3A_2288 = arith.cmpf ogt, %select_n3A_2280, %select_n3A_2277 : vector<8x128xf32>
    %select_n3A_2289 = arith.select %gt3A_2288, %select_n3A_2280, %select_n3A_2277 : vector<8x128xi1>, vector<8x128xf32>
    %select_n3A_2290 = arith.select %gt3A_2288, %select_n3A_2281, %select_n3A_2278 : vector<8x128xi1>, vector<8x128xi32>
    %gt3A_2291 = arith.cmpf ogt, %select_n3A_2286, %select_n3A_2283 : vector<8x128xf32>
    %select_n3A_2292 = arith.select %gt3A_2291, %select_n3A_2286, %select_n3A_2283 : vector<8x128xi1>, vector<8x128xf32>
    %select_n3A_2293 = arith.select %gt3A_2291, %select_n3A_2287, %select_n3A_2284 : vector<8x128xi1>, vector<8x128xi32>
    %gt3A_2294 = arith.cmpf ogt, %select_n3A_2292, %select_n3A_2289 : vector<8x128xf32>
    %select_n3A_2295 = arith.select %gt3A_2294, %select_n3A_2292, %select_n3A_2289 : vector<8x128xi1>, vector<8x128xf32>
    %select_n3A_2296 = arith.select %gt3A_2294, %select_n3A_2293, %select_n3A_2290 : vector<8x128xi1>, vector<8x128xi32>
    %reduce_max3A = arith.constant dense<0xFF800000> : vector<8xf32>
    %reduce_max3A_2297 = vector.multi_reduction <maximumf>, %select_n3A_2295, %reduce_max3A [1] : vector<8x128xf32> to vector<8xf32>
    %broadcast_in_dim3A = vector.shape_cast %reduce_max3A_2297 : vector<8xf32> to vector<8x1xf32>
    %eq3A = vector.broadcast %broadcast_in_dim3A : vector<8x1xf32> to vector<8x128xf32>
    %eq3A_2298 = arith.cmpf oeq, %select_n3A_2295, %eq3A : vector<8x128xf32>
    %jit3A = arith.constant 2147483647 : i32
    %broadcast_in_dim3A_2299 = vector.broadcast %jit3A : i32 to vector<8x128xi32>
    %select_n3A_2300 = arith.select %eq3A_2298, %select_n3A_2296, %broadcast_in_dim3A_2299 : vector<8x128xi1>, vector<8x128xi32>
    %reduce_min3A = arith.constant dense<2147483647> : vector<8xi32>
    %reduce_min3A_2301 = vector.multi_reduction <minsi>, %select_n3A_2300, %reduce_min3A [1] : vector<8x128xi32> to vector<8xi32>
    %reshape3A = vector.shape_cast %reduce_min3A_2301 : vector<8xi32> to vector<1x1x8xi32>
    %swap3A = arith.constant 0 : index
    %swap3A_2302 = arith.constant 0 : index
    %swap3A_2303 = arith.constant 0 : index
    %swap3A_2304 = vector.load %arg2[%swap3A, %swap3A_2302, %swap3A_2303] : memref<1x1x8xi32, #tpu.memory_space<vmem>>, vector<1x1x8xi32>
    tpu.vector_store %arg2[%swap3A, %swap3A_2302, %swap3A_2303], %reshape3A {strides = array<i32>} : memref<1x1x8xi32, #tpu.memory_space<vmem>>, vector<1x1x8xi32>,
    return
  }
  func.func @transform_0(%arg0: i32) -> (i32, i32) {
    %add3A = arith.constant 8 : i32
    %add3A_0 = arith.addi %arg0, %add3A : i32
    %c0_i32 = arith.constant 0 : i32
    %c0_i32_1 = arith.constant 0 : i32
    return %add3A_0, %c0_i32 : i32, i32
  }
  func.func @transform_1(%arg0: i32) -> (i32, i32, i32) {
    %c0_i32 = arith.constant 0 : i32
    %c0_i32_0 = arith.constant 0 : i32
    %c0_i32_1 = arith.constant 0 : i32
    return %arg0, %c0_i32, %c0_i32_0 : i32, i32, i32
  }
}

</mosaic_0001>

<sc_bundles>
// kernel: kernel.4.cloned.1.call-start
scs
__scs_entry_jumppad:
0x0: {  	(pc) =	sbr.rel $0x88, $3  }
0x1: {  	(tag) =	ssettag $0x0;
	lr =	simm.s32 $0x1  }
0x2: {  	[smem:$0x3FA0] =	sst lr;
	_ =	strace $0xD0000000  }
0x3: {  	_ = 	snop  }
0x4: {  	_ = 	snop  }
0x5: {  	_ = 	snop  }
0x6: {  	_ = 	snop  }
0x7: {  	_ = 	snop  }
__scs_overlays_trampoline_lowered:
0x8: {  	[smem:$0x3FAF] =	sst s0  }
0x9: {  	[smem:$0x3FB0] =	sst s1  }
0xa: {  	[smem:$0x3FB1] =	sst s2  }
0xb: {  	[smem:$0x3FB2] =	sst s3  }
0xc: {  	[smem:$0x3FB3] =	sst s4  }
0xd: {  	[smem:$0x3FB4] =	sst s5  }
0xe: {  	[smem:$0x3FB5] =	sst s6  }
0xf: {  	[smem:$0x3FB6] =	sst s7  }
0x10: {  	[smem:$0x3FB7] =	sst s8  }
0x11: {  	[smem:$0x3FB8] =	sst s9;
	s0 =	simm.s32 @!p0 $0x0  }
0x12: {  	s1 =	sld [smem:$0x3F9E];
	s0 =	simm.s32 @p0 $0x1  }
0x13: {  	[smem:$0x3FB9] =	sst s0;
	s0 =	simm.s32 @!p1 $0x0  }
0x14: {  	s2 =	sld [smem:$0x3F9D];
	s0 =	simm.s32 @p1 $0x1  }
0x15: {  	[smem:$0x3FBA] =	sst s0;
	s0 =	simm.s32 @!p2 $0x0  }
0x16: {  	s3 =	sld [smem:$0x3FDB];
	s0 =	simm.s32 @p2 $0x1  }
0x17: {  	s4 =	simm.s32 $0x1BF5;
	[smem:$0x3FBC] =	sst s0  }
0x18: {  	s0 =	sld [smem:$0x3F9F];
	_ =	swait.ge [sflag:s4], $0x0  }
0x19: {  	s7 =	sld [smem:$0x3FA0]  }
0x1a: {  	s8 =	sadd.s32 $0xFFFFE003, lr  }
0x1b: {  	s9 =	sadd.s32 $0xFFFFFEF7, lr;
	s5 =	simm.s32 $0xFFFFFFFF;
	p2 =	slt.u32 s8, $0xFFFFF086  }
0x1c: {  	p1 =	slt.u32 s9, $0xF7A;
	s5 =	simm.s32 @!p2 $0x0  }
0x1d: {  	s5 =	simm.s32 @p1 $0x1;
	p0 =	seq.s32 s7, s2  }
0x1e: {  	s7 =	smul.u32 @!p0 $0xF7A, s2;
	p2 =	seq.s32 @!p0 s5, $0x0  }
0x1f: {  	s9 =	smul.u32 $0xF7A, s1;
	s8 =	simm.s32 @!p0 $0x1BF5;
	p2 =	por !p2, p0  }
0x20: {  	[sflag:s8] =	ssyncset.s32 @!p0 $0xFFFFF086;
	s6 =	sadd.s32 @!p0 s3, s7;
	s7 =	simm.s32 @!p0 $0x108  }
0x21: {  	s3 =	sadd.s32 s3, s9;
	s6 =	sadd.s32 @!p0 $0x88, s6;
	s7 =	simm.s32 @p2 $0x1082  }
0x22: {  	[simem:s7], [sflag:s8] =	dma.local @!p0 [hbm:s6], $0xF7A  }
0x23: {  	s9 =	sor.u32 $0xD0000000, s2;
	s6 =	simm.s32 $0x108;
	_ =	swait.ge @!p0 [sflag:s8], $0x0  }
0x24: {  	s3 =	sadd.s32 $0x88, s3;
	s6 =	simm.s32 @!p1 $0x1082;
	[sflag:s4] =	ssyncset.s32 $0xFFFFF086  }
0x25: {  	[simem:s6], [sflag:s4] =	dma.local [hbm:s3], $0xF7A  }
0x26: {  	[smem:$0x3FA0] =	sst s1;
	(tag) =	ssettag s2;
	_ =	strace s9  }
0x27: {  	s1 =	sld [smem:$0x3FB0]  }
0x28: {  	s2 =	sld [smem:$0x3FB1]  }
0x29: {  	s4 =	sld [smem:$0x3FB3]  }
0x2a: {  	p0 =	seq.s32 s5, $0x0;
	s5 =	sld [smem:$0x3FB4]  }
0x2b: {  	s6 =	sld [smem:$0x3FB5]  }
0x2c: {  	s7 =	sld [smem:$0x3FB6]  }
0x2d: {  	s3 =	simm.s32 $0x108;
	s8 =	sld [smem:$0x3FB7]  }
0x2e: {  	s3 =	simm.s32 @!p0 $0x1082;
	s9 =	sld [smem:$0x3FB8]  }
0x2f: {  	lr =	sadd.s32 s0, s3;
	s0 =	sld [smem:$0x3FAF]  }
0x30: {  	s3 =	sld [smem:$0x3FB2]  }
0x31: {  	[smem:$0x3FBB] =	sst s10  }
0x32: {  	s10 =	sld [smem:$0x3FB9];
	_ =	sdelay $0x3  }
0x33: {  	p0 =	seq.s32 s10, $0x1;
	s10 =	sld [smem:$0x3FBB];
	_ =	sdelay $0x3  }
0x34: {  	[smem:$0x3FBB] =	sst s10  }
0x35: {  	s10 =	sld [smem:$0x3FBA];
	_ =	sdelay $0x3  }
0x36: {  	p1 =	seq.s32 s10, $0x1;
	s10 =	sld [smem:$0x3FBB];
	_ =	sdelay $0x3  }
0x37: {  	[smem:$0x3FBB] =	sst s10  }
0x38: {  	s10 =	sld [smem:$0x3FBC]  }
0x39: {  	_ = 	snop;
	(pc) =	sbr.ind lr, $3  }
0x3a: {  	_ = 	snop  }
0x3b: {  	_ = 	snop  }
0x3c: {  	p2 =	seq.s32 s10, $0x1;
	s10 =	sld [smem:$0x3FBB]  }
0x3d: {  	_ =	shalt  }
0x3e: {  	_ =	shalt  }
0x3f: {  	_ =	shalt  }
0x40: {  	_ =	shalt  }
0x41: {  	_ =	shalt  }
0x42: {  	_ =	shalt  }
0x43: {  	_ =	shalt  }
0x44: {  	_ =	shalt  }
0x45: {  	_ =	shalt  }
0x46: {  	_ =	shalt  }
0x47: {  	_ =	shalt  }
0x48: {  	_ =	shalt  }
0x49: {  	_ =	shalt  }
0x4a: {  	_ =	shalt  }
0x4b: {  	_ =	shalt  }
0x4c: {  	_ =	shalt  }
0x4d: {  	_ =	shalt  }
0x4e: {  	_ =	shalt  }
0x4f: {  	_ =	shalt  }
0x50: {  	_ =	shalt  }
0x51: {  	_ =	shalt  }
0x52: {  	_ =	shalt  }
0x53: {  	_ =	shalt  }
0x54: {  	_ =	shalt  }
0x55: {  	_ =	shalt  }
0x56: {  	_ =	shalt  }
0x57: {  	_ =	shalt  }
0x58: {  	_ =	shalt  }
0x59: {  	_ =	shalt  }
0x5a: {  	_ =	shalt  }
0x5b: {  	_ =	shalt  }
0x5c: {  	_ =	shalt  }
0x5d: {  	_ =	shalt  }
0x5e: {  	_ =	shalt  }
0x5f: {  	_ =	shalt  }
0x60: {  	_ =	shalt  }
0x61: {  	_ =	shalt  }
0x62: {  	_ =	shalt  }
0x63: {  	_ =	shalt  }
0x64: {  	_ =	shalt  }
0x65: {  	_ =	shalt  }
0x66: {  	_ =	shalt  }
0x67: {  	_ =	shalt  }
0x68: {  	_ =	shalt  }
0x69: {  	_ =	shalt  }
0x6a: {  	_ =	shalt  }
0x6b: {  	_ =	shalt  }
0x6c: {  	_ =	shalt  }
0x6d: {  	_ =	shalt  }
0x6e: {  	_ =	shalt  }
0x6f: {  	_ =	shalt  }
0x70: {  	_ =	shalt  }
0x71: {  	_ =	shalt  }
0x72: {  	_ =	shalt  }
0x73: {  	_ =	shalt  }
0x74: {  	_ =	shalt  }
0x75: {  	_ =	shalt  }
0x76: {  	_ =	shalt  }
0x77: {  	_ =	shalt  }
0x78: {  	_ =	shalt  }
0x79: {  	_ =	shalt  }
0x7a: {  	_ =	shalt  }
0x7b: {  	_ =	shalt  }
0x7c: {  	_ =	shalt  }
0x7d: {  	_ =	shalt  }
0x7e: {  	_ =	shalt  }
0x7f: {  	_ =	shalt  }
0x80: {  	_ =	shalt  }
0x81: {  	_ =	shalt  }
0x82: {  	_ =	shalt  }
0x83: {  	_ =	shalt  }
0x84: {  	_ =	shalt  }
0x85: {  	_ =	shalt  }
0x86: {  	_ =	shalt  }
0x87: {  	_ =	shalt  }
.Lfunc_end0:
.L_simem_size_0:
called_computation_lowered:
.L_overlay_start_0:
0x88: {  	s2 =	sld [smem:$0x3FD9]  }
0x89: {  	s3 =	sld [smem:$0x3FFE];
	_ =	sdelay $0x1  }
0x8a: {  	s1 =	srdreg.scid  }
0x8b: {  	s0 =	sand.u32 $0x1, s1  }
0x8c: {  	s17 =	sshll.u32 s0, $0xA;
	s2 =	sadd.s32 s3, s2  }
0x8d: {  	s2 =	sadd.s32 s2, s17  }
0x8e: {  	[smem:$0x3FC7] =	sst s2  }
0x8f: {  	_ = 	snop  }
0x90: {  	s2 =	sld [smem:$0x3FC9];
	(tm) =	ssettm $0x1  }
0x91: {  	s18 =	sld [smem:$0x3FFB];
	_ =	sdelay $0x3  }
0x92: {  	_ =	strace s18  }
0x93: {  	s3 =	sld [smem:$0x3FFC];
	_ =	sdelay $0x3  }
0x94: {  	_ =	strace s3  }
0x95: {  	s3 =	sld [smem:$0x3FFD];
	_ =	sdelay $0x3  }
0x96: {  	_ =	strace s3  }
0x97: {  	_ =	strace $0x8FFFFFFF  }
0x98: {  	s19 =	sld [smem:$0x3FDB];
	_ =	sdelay $0x1  }
0x99: {  	s4 =	simm.s32 $_scs_section_size  }
0x9a: {  	s5 =	simm.s32 $_size__tile_overlayer_lowered;
	s6 =	simm.s32 $_tile_overlayer_lowered  }
0x9b: {  	s22 =	simm.s32 $0x1BFF;
	s21 =	sshll.u32 s6, $0x1;
	s3 =	sadd.s32 s4, s19  }
0x9c: {  	s7 =	simm.s32 $0x0;
	s20 =	sshll.u32 s5, $0x1;
	s5 =	sadd.s32 s21, s3  }
0x9d: {  	[timem:s7], [sflag:s22] =	dma.local [hbm:s5], s20  }
0x9e: {  	_ =	swait.ge [sflag:s22], s20  }
0x9f: {  	s4 =	ssub.s32 $0x0, s20;
	[sflag:s22] =	ssyncset.done $0x0  }
0xa0: {  	[sflag:s22] =	ssyncadd.s32 s4;
	_ =	sdelay $0x1  }
0xa1: {  	s23 =	simm.s32 $0x1B8B  }
0xa2: {  	_ =	swait.ge [sflag:s23], $0x1  }
0xa3: {  	[sflag:s23] =	ssyncset.done $0x0  }
0xa4: {  	s25 =	simm.s32 $0x1B8E;
	s24 =	sld [smem:$0x3FFE];
	[sflag:s23] =	ssyncadd.s32 $0xFFFFFFFF  }
0xa5: {  	s26 =	simm.s32 $execute0_lowered;
	[smem:$0x3FD2] =	sst s25  }
0xa6: {  	s5 =	sshll.u32 s26, $0x1;
	_ =	strace $0x80000046;
	[dreg:$0x1] =	wrdreg $0xFFFFFFFF  }
0xa7: {  	s28 =	simm.s32 $_size_execute0_lowered;
	s3 =	sadd.s32 s3, s5;
	[dreg:$0x0] =	wrdreg $0x0  }
0xa8: {  	s5 =	sshll.u32 s28, $0x1;
	[dreg:$0x2] =	wrdreg s3  }
0xa9: {  	[dreg:$0x3] =	wrdreg s5  }
0xaa: {  	[dreg:$0x4] =	wrdreg $0xC0  }
0xab: {  	_ =	task [dreg:s7], $0x5FFFF  }
0xac: {  	[dreg:$0x1] =	wrdreg $0xFFFFFFFF  }
0xad: {  	[dreg:$0x0] =	wrdreg $0x60  }
0xae: {  	[dreg:$0x2] =	wrdreg s2  }
0xaf: {  	[dreg:$0x3] =	wrdreg s24  }
0xb0: {  	[dreg:$0x4] =	wrdreg $0x9  }
0xb1: {  	_ =	task.clear_ibuf [dreg:s7], $0x5FFFF;
	_ =	strace $0x90000046  }
0xb2: {  	s29 =	simm.s32 $0x9;
	_ =	strace $0x80000048  }
0xb3: {  	_ =	swait.ge [sflag:s29], $0x1  }
0xb4: {  	[sflag:s29] =	ssyncadd.s32 $0xFFFFFFFF  }
0xb5: {  	_ =	strace $0x90000048  }
0xb6: {  	_ =	sfence  }
0xb7: {  	s30 =	sld [smem:$0x0];
	_ =	sdelay $0x2  }
0xb8: {  	s31 =	sshll.u32 s1, $0xD;
	s1 =	sshrl.u32 s1, $0x2  }
0xb9: {  	s3 =	sand.u32 $0x4000, s31;
	s1 =	sadd.s32 s1, s30  }
0xba: {  	s0 =	sor.u32 s3, s0;
	s1 =	sshll.u32 s1, $0x11  }
0xbb: {  	s0 =	sor.u32 s1, s0  }
0xbc: {  	s0 =	sadd.s32 $0x8F2B, s0  }
0xbd: {  	[sflag:s0] =	ssyncadd.remote.s32 $0x1  }
0xbe: {  	_ =	sfence.sel $0xFFFF  }
0xbf: {  	[dreg:$0x0] =	wrdreg $0xFFFFFFFF;
	(pc) =	sbr.abs _section_cstart, $3  }
0xc0: {  	[dreg:$0x1] =	wrdreg $0xFFFFFFFF  }
0xc1: {  	_ =	task.clear_ibuf [dreg:s7], $0x2FFFF;
	_ =	strace $0x9FFFFFFF  }
0xc2: {  	(tm) =	ssettm $0x7FFFFFFF  }
0xc3: {  	_ =	shalt  }
tec
execute0_lowered:
.L_overlay_start_1:
0x0: {  	(tag) =	ssettag $0x1  }
0x1: {  	s2 =	rddreg [dreg:$0x0]  }
0x2: {  	s4 =	rddreg [dreg:$0x1]  }
0x3: {  	s0 =	rddreg [dreg:$0x2];
	s5 =	srdreg.scid  }
0x4: {  	s1 =	stileid.u32;
	s3 =	simm.s32 $0x0;
	s10 =	simm.s32 $0x80  }
0x5: {  	s11 =	simm.s32 $0x400;
	s12 =	simm.s32 $0x4000;
	s13 =	simm.s32 $0x1  }
0x6: {  	s14 =	simm.s32 $0x2;
	s15 =	simm.s32 $0x8000;
	s16 =	simm.s32 $0x3  }
0x7: {  	s17 =	simm.s32 $0x0;
	s5 =	sand.u32 $0x1, s5;
	s6 =	sshll.u32 s1, $0x1  }
0x8: {  	[smem:$0x7FF] =	sst s3;
	s28 =	sshll.u32 s1, $0xE;
	s7 =	sor.u32 s5, s6  }
0x9: {  	_ =	strace $0x80000047;
	s5 =	ssub.s32 $0x2, s5;
	s8 =	sshll.u32 s7, $0x5  }
0xa: {  	s9 =	sshll.u32 s7, $0x4;
	s30 =	sshrl.u32 s5, $0x1;
	s7 =	sshllo.u32 s7, $0x1  }
0xb: {  	s6 =	sor.u32 s28, s8;
	s29 =	sadd.s32 s9, s4;
	s31 =	ssub.s32 s5, s30  }
0xc: {  	s5 =	sadd.s32 $0x4000, s2;
	s6 =	sand.u32 $0x38060, s6;
	s8 =	sadd.s32 $0x200, s29  }
0xd: {  	v0 =	vlaneseq.u32;
	v2 =	vimm.s32 $0x0;
	s9 =	smax.u32 s31, $0x1;
	s4 =	sadd.s32 s2, s6;
	s6 =	sadd.s32 s6, s5  }
.LBB2_1:
0xe: {  	[tilespmem:s3], [sflag:$0x1] =	stream.strided.gather [hbm4b:s4+s10], $0x4000, s11, s10, $0x38;
	[tilespmem:$0x8080] =	vst v63  }
0xf: {  	p2 =	por $0x1, $0x1;
	p0 =	por $0x0, $0x0;
	s18 =	simm.s32 $0x0  }
0x10: {  	v1 =	vimm.s32 $0x0;
	[tilespmem:s12], [sflag:$0x2] =	stream.strided.gather [hbm4b:s6+s10], $0x4000, s11, s10, $0x38;
	[tilespmem:$0x8080] =	vst v63  }
.LBB2_2:
0x11: {  	_ =	swait.ge [sflag:s13], $0x4000  }
0x12: {  	[sflag:s13] =	ssyncset.done $0x0  }
0x13: {  	s21 =	simm.s32 $0x0;
	[sflag:s13] =	ssyncadd.s32 $0xFFFFC000  }
0x14: {  	v8 =	vld [tilespmem:s21+$0x0]  }
0x15: {  	v24 =	vld [tilespmem:s21+$0x40]  }
0x16: {  	v3 =	vlaneseq.u32;
	v18 =	vld [tilespmem:s21+$0xC0]  }
0x17: {  	v15 =	vimm.f32 $-Inf;
	v16 =	vimm.f32 $-Inf;
	v17 =	vimm.f32 $-Inf;
	v9 =	vld [tilespmem:s21+$0xD0]  }
0x18: {  	v13 =	vimm.s32 $0x0;
	v11 =	vimm.s32 $0x0;
	v12 =	vimm.s32 $0x0;
	v23 =	vld [tilespmem:s21+$0x80]  }
0x19: {  	v4 =	vor.u32 $0x10, v3;
	v5 =	vor.u32 $0x20, v3;
	v6 =	vor.u32 $0x30, v3;
	v14 =	vld [tilespmem:s21+$0x90]  }
0x1a: {  	v20 =	vadd.s32 $0xC0, v3;
	v27 =	vadd.s32 $0x40, v3;
	v19 =	vld [tilespmem:s21+$0x50];
	vm0 =	vgt.f32 v8, v15  }
0x1b: {  	v7 =	vadd.s32 $0xC0, v4;
	v10 =	vadd.s32 $0xC0, v6;
	v21 =	vld [tilespmem:s21+$0x10];
	v26 =	vsel vm0, v8, v15  }
0x1c: {  	p1 =	por p2, p2;
	s19 =	simm.s32 $0x400;
	v22 =	vld [tilespmem:s21+$0x20];
	v25 =	vsel vm0, v3, v2;
	v8 =	vadd.s32 $0xC0, v5;
	vm0 =	vgt.f32 v24, v26  }
.LBB2_3:
0x1d: {  	p2 =	sne.s32 s19, $0xFC00;
	v28 =	vld [tilespmem:s21+$0x30];
	v24 =	vsel vm0, v24, v26;
	v25 =	vsel vm0, v27, v25;
	v26 =	vadd.s32 $0x80, v3  }
0x1e: {  	v27 =	vadd.s32 $0x80, v4;
	v30 =	vadd.s32 $0x80, v5;
	v29 =	vld [tilespmem:s21+$0x60];
	vm0 =	vgt.f32 v23, v24  }
0x1f: {  	v32 =	vadd.s32 $0x80, v6;
	v31 =	vld [tilespmem:s21+$0x70];
	v23 =	vsel vm0, v23, v24;
	v24 =	vsel vm0, v26, v25  }
0x20: {  	v25 =	vadd.s32 $0x40, v4;
	v26 =	vadd.s32 $0x40, v5;
	v33 =	vld [tilespmem:s21+$0xA0];
	vm0 =	vgt.f32 v18, v23  }
0x21: {  	v34 =	vadd.s32 $0x40, v6;
	v35 =	vld [tilespmem:s21+$0xB0];
	v36 =	vsel vm0, v18, v23;
	v37 =	vsel vm0, v20, v24  }
0x22: {  	vm0 =	vgt.f32 v21, v15;
	vm1 =	vgt.f32 v22, v16;
	vm2 =	vgt.f32 v28, v17;
	v18 =	vld [tilespmem:s21+$0xE0]  }
0x23: {  	v15 =	vsel vm0, v21, v15;
	v16 =	vsel vm1, v22, v16;
	v17 =	vsel vm2, v28, v17;
	v20 =	vld [tilespmem:s21+$0xF0]  }
0x24: {  	vm3 =	vgt.f32 v19, v15;
	vm4 =	vgt.f32 v29, v16;
	vm5 =	vgt.f32 v31, v17  }
0x25: {  	v15 =	vsel vm3, v19, v15;
	v16 =	vsel vm4, v29, v16;
	v17 =	vsel vm5, v31, v17  }
0x26: {  	vm6 =	vgt.f32 v14, v15;
	vm7 =	vgt.f32 v33, v16;
	vm8 =	vgt.f32 v35, v17  }
0x27: {  	v14 =	vsel vm6, v14, v15;
	v16 =	vsel vm7, v33, v16;
	v17 =	vsel vm8, v35, v17  }
0x28: {  	vm9 =	vgt.f32 v9, v14;
	vm10 =	vgt.f32 v18, v16;
	vm11 =	vgt.f32 v20, v17  }
0x29: {  	s21 =	sshra.s32 s19, $0x2;
	v15 =	vsel vm9, v9, v14;
	v16 =	vsel vm10, v18, v16;
	v17 =	vsel vm11, v20, v17  }
0x2a: {  	v11 =	vsel vm1, v5, v11;
	v12 =	vsel vm2, v6, v12;
	v9 =	vsel vm0, v4, v13;
	v18 =	vld [tilespmem:s21+$0xC0]  }
0x2b: {  	v11 =	vsel vm4, v26, v11;
	v12 =	vsel vm5, v34, v12;
	v13 =	vsel vm3, v25, v9;
	v21 =	vld [tilespmem:s21+$0x0]  }
0x2c: {  	v11 =	vsel vm7, v30, v11;
	v12 =	vsel vm8, v32, v12;
	v13 =	vsel vm6, v27, v13;
	v9 =	vld [tilespmem:s21+$0xD0]  }
0x2d: {  	v11 =	vsel vm10, v8, v11;
	v12 =	vsel vm11, v10, v12;
	v13 =	vsel vm9, v7, v13;
	v24 =	vld [tilespmem:s21+$0x40]  }
.Ltmp0:
0x2e: {  	v3 =	vadd.s32 $0x100, v3;
	v23 =	vld [tilespmem:s21+$0x80];
	(pc) =	sbr.rel @p2 .LBB2_3-.Ltmp0, $4  }
0x2f: {  	v5 =	vadd.s32 $0x100, v5;
	v6 =	vadd.s32 $0x100, v6;
	v4 =	vadd.s32 $0x100, v4;
	v14 =	vld [tilespmem:s21+$0x90]  }
0x30: {  	v20 =	vadd.s32 $0xC0, v3;
	v7 =	vadd.s32 $0xC0, v4;
	vm0 =	vgt.f32 v21, v36;
	v19 =	vld [tilespmem:s21+$0x50]  }
0x31: {  	v8 =	vadd.s32 $0xC0, v5;
	v26 =	vsel vm0, v21, v36;
	v25 =	vsel vm0, v3, v37;
	v21 =	vld [tilespmem:s21+$0x10]  }
0x32: {  	s19 =	sadd.s32 $0x400, s19;
	v10 =	vadd.s32 $0xC0, v6;
	v27 =	vadd.s32 $0x40, v3;
	v22 =	vld [tilespmem:s21+$0x20];
	vm0 =	vgt.f32 v24, v26  }
0x33: {  	v24 =	vsel vm0, v24, v26  }
0x34: {  	v26 =	vld [tilespmem:s21+$0x30];
	v25 =	vsel vm0, v27, v25;
	v27 =	vadd.s32 $0x80, v3;
	v28 =	vadd.s32 $0x80, v4  }
0x35: {  	v30 =	vadd.s32 $0x80, v5;
	v31 =	vadd.s32 $0x80, v6;
	vm0 =	vgt.f32 v23, v24  }
0x36: {  	v29 =	vld [tilespmem:s21+$0x60];
	v34 =	vadd.s32 $0x40, v6;
	v23 =	vsel vm0, v23, v24;
	v24 =	vsel vm0, v27, v25  }
0x37: {  	v32 =	vld [tilespmem:s21+$0x70];
	s19 =	sadd.s32 @!p0 s18, s7;
	v25 =	vadd.s32 $0x40, v4;
	v27 =	vadd.s32 $0x40, v5;
	vm0 =	vgt.f32 v18, v23  }
0x38: {  	v33 =	vld [tilespmem:s21+$0xA0];
	s20 =	sshll.u32 @!p0 s19, $0x4;
	v36 =	vsel vm0, v18, v23;
	v20 =	vsel vm0, v20, v24;
	vm0 =	vgt.f32 v21, v15  }
0x39: {  	v35 =	vld [tilespmem:s21+$0xB0];
	s22 =	sshll.u32 @!p0 s19, $0xC;
	s19 =	sand.u32 @!p0 $0x70, s20;
	vm1 =	vgt.f32 v22, v16;
	vm2 =	vgt.f32 v26, v17;
	v15 =	vsel vm0, v21, v15  }
0x3a: {  	s23 =	simm.s32 @!p0 $0x400;
	s20 =	sand.u32 @!p0 $0xFFF8000, s22;
	s22 =	sadd.s32 @!p0 s2, s19;
	v18 =	vld [tilespmem:s21+$0xE0];
	v16 =	vsel vm1, v22, v16;
	v11 =	vsel vm1, v5, v11;
	v17 =	vsel vm2, v26, v17  }
0x3b: {  	s24 =	simm.s32 @!p0 $0x0;
	v21 =	vld [tilespmem:s21+$0xF0];
	s21 =	sadd.s32 @!p0 s20, s22;
	s22 =	simm.s32 @!p0 $0x80;
	vm3 =	vgt.f32 v19, v15;
	vm4 =	vgt.f32 v29, v16;
	v12 =	vsel vm2, v6, v12  }
0x3c: {  	[tilespmem:s24], [sflag:$0x1] =	stream.strided.gather @!p0 [hbm4b:s21+s22], $0x4000, s23, s22, $0x38;
	vm5 =	vgt.f32 v32, v17;
	v15 =	vsel vm3, v19, v15;
	v16 =	vsel vm4, v29, v16;
	[tilespmem:$0x8080] =	vst v63  }
0x3d: {  	_ =	swait.ge [sflag:s14], $0x4000;
	v11 =	vsel vm4, v27, v11;
	v17 =	vsel vm5, v32, v17;
	vm6 =	vgt.f32 v14, v15  }
0x3e: {  	vm7 =	vgt.f32 v33, v16;
	[sflag:s14] =	ssyncset.done $0x0;
	v12 =	vsel vm5, v34, v12;
	vm8 =	vgt.f32 v35, v17  }
0x3f: {  	s21 =	simm.s32 $0x0;
	v14 =	vsel vm6, v14, v15;
	v15 =	vsel vm7, v33, v16;
	[sflag:s14] =	ssyncadd.s32 $0xFFFFC000;
	v11 =	vsel vm7, v30, v11  }
0x40: {  	v16 =	vsel vm8, v35, v17;
	vm9 =	vgt.f32 v9, v14;
	vm10 =	vgt.f32 v18, v15;
	v22 =	vld [tilespmem:s21+$0x4000]  }
0x41: {  	v12 =	vsel vm8, v31, v12;
	v24 =	vld [tilespmem:s21+$0x4040];
	v14 =	vsel vm9, v9, v14;
	v9 =	vsel vm0, v4, v13  }
0x42: {  	v23 =	vld [tilespmem:s21+$0x4080];
	vm11 =	vgt.f32 v21, v16;
	v15 =	vsel vm10, v18, v15;
	v9 =	vsel vm3, v25, v9  }
0x43: {  	v17 =	vld [tilespmem:s21+$0x4090];
	v8 =	vsel vm10, v8, v11;
	v16 =	vsel vm11, v21, v16;
	v13 =	vsel vm6, v28, v9  }
0x44: {  	v19 =	vld [tilespmem:s21+$0x4050];
	v10 =	vsel vm11, v10, v12;
	v7 =	vsel vm9, v7, v13;
	v13 =	vadd.s32 $0x100, v3  }
0x45: {  	v18 =	vld [tilespmem:s21+$0x40C0];
	v3 =	vadd.s32 $0x100, v4;
	v4 =	vadd.s32 $0x100, v5;
	v5 =	vadd.s32 $0x100, v6  }
0x46: {  	v9 =	vld [tilespmem:s21+$0x40D0];
	vm0 =	vgt.f32 v22, v36;
	v21 =	vadd.s32 $0xC0, v13;
	v6 =	vadd.s32 $0xC0, v3  }
0x47: {  	v11 =	vadd.s32 $0xC0, v4;
	v25 =	vsel vm0, v22, v36;
	v26 =	vsel vm0, v13, v20;
	v20 =	vld [tilespmem:s21+$0x4010]  }
0x48: {  	s22 =	simm.s32 $0x400;
	v27 =	vadd.s32 $0x40, v13;
	v12 =	vadd.s32 $0xC0, v5;
	v22 =	vld [tilespmem:s21+$0x4020];
	vm0 =	vgt.f32 v24, v25  }
.LBB2_5:
0x49: {  	p2 =	sne.s32 s22, $0xFC00;
	v28 =	vld [tilespmem:s21+$0x4030];
	v24 =	vsel vm0, v24, v25;
	v25 =	vsel vm0, v27, v26;
	v26 =	vadd.s32 $0x80, v13  }
0x4a: {  	v27 =	vadd.s32 $0x80, v3;
	v30 =	vadd.s32 $0x80, v4;
	v29 =	vld [tilespmem:s21+$0x4060];
	vm0 =	vgt.f32 v23, v24  }
0x4b: {  	v32 =	vadd.s32 $0x80, v5;
	v31 =	vld [tilespmem:s21+$0x4070];
	v23 =	vsel vm0, v23, v24;
	v24 =	vsel vm0, v26, v25  }
0x4c: {  	v25 =	vadd.s32 $0x40, v3;
	v26 =	vadd.s32 $0x40, v4;
	v33 =	vld [tilespmem:s21+$0x40A0];
	vm0 =	vgt.f32 v18, v23  }
0x4d: {  	v34 =	vadd.s32 $0x40, v5;
	v35 =	vld [tilespmem:s21+$0x40B0];
	v36 =	vsel vm0, v18, v23;
	v37 =	vsel vm0, v21, v24  }
0x4e: {  	vm0 =	vgt.f32 v20, v14;
	vm1 =	vgt.f32 v22, v15;
	vm2 =	vgt.f32 v28, v16;
	v18 =	vld [tilespmem:s21+$0x40E0]  }
0x4f: {  	v14 =	vsel vm0, v20, v14;
	v15 =	vsel vm1, v22, v15;
	v16 =	vsel vm2, v28, v16;
	v20 =	vld [tilespmem:s21+$0x40F0]  }
0x50: {  	vm3 =	vgt.f32 v19, v14;
	vm4 =	vgt.f32 v29, v15;
	vm5 =	vgt.f32 v31, v16  }
0x51: {  	v14 =	vsel vm3, v19, v14;
	v15 =	vsel vm4, v29, v15;
	v16 =	vsel vm5, v31, v16  }
0x52: {  	vm6 =	vgt.f32 v17, v14;
	vm7 =	vgt.f32 v33, v15;
	vm8 =	vgt.f32 v35, v16  }
0x53: {  	v14 =	vsel vm6, v17, v14;
	v15 =	vsel vm7, v33, v15;
	v16 =	vsel vm8, v35, v16  }
0x54: {  	vm9 =	vgt.f32 v9, v14;
	vm10 =	vgt.f32 v18, v15;
	vm11 =	vgt.f32 v20, v16  }
0x55: {  	s21 =	sshra.s32 s22, $0x2;
	v14 =	vsel vm9, v9, v14;
	v15 =	vsel vm10, v18, v15;
	v16 =	vsel vm11, v20, v16  }
0x56: {  	v7 =	vsel vm0, v3, v7;
	v8 =	vsel vm1, v4, v8;
	v9 =	vsel vm2, v5, v10;
	v18 =	vld [tilespmem:s21+$0x40C0]  }
0x57: {  	v7 =	vsel vm3, v25, v7;
	v8 =	vsel vm4, v26, v8;
	v10 =	vsel vm5, v34, v9;
	v20 =	vld [tilespmem:s21+$0x4000]  }
0x58: {  	v7 =	vsel vm6, v27, v7;
	v8 =	vsel vm7, v30, v8;
	v10 =	vsel vm8, v32, v10;
	v9 =	vld [tilespmem:s21+$0x40D0]  }
0x59: {  	v7 =	vsel vm9, v6, v7;
	v8 =	vsel vm10, v11, v8;
	v10 =	vsel vm11, v12, v10;
	v24 =	vld [tilespmem:s21+$0x4040]  }
.Ltmp1:
0x5a: {  	v13 =	vadd.s32 $0x100, v13;
	v23 =	vld [tilespmem:s21+$0x4080];
	(pc) =	sbr.rel @p2 .LBB2_5-.Ltmp1, $4  }
0x5b: {  	v3 =	vadd.s32 $0x100, v3;
	v4 =	vadd.s32 $0x100, v4;
	v5 =	vadd.s32 $0x100, v5;
	v17 =	vld [tilespmem:s21+$0x4090]  }
0x5c: {  	v21 =	vadd.s32 $0xC0, v13;
	v6 =	vadd.s32 $0xC0, v3;
	vm0 =	vgt.f32 v20, v36;
	v19 =	vld [tilespmem:s21+$0x4050]  }
0x5d: {  	v11 =	vadd.s32 $0xC0, v4;
	v25 =	vsel vm0, v20, v36;
	v26 =	vsel vm0, v13, v37;
	v20 =	vld [tilespmem:s21+$0x4010]  }
0x5e: {  	s22 =	sadd.s32 $0x400, s22;
	v27 =	vadd.s32 $0x40, v13;
	v12 =	vadd.s32 $0xC0, v5;
	v22 =	vld [tilespmem:s21+$0x4020];
	vm0 =	vgt.f32 v24, v25  }
0x5f: {  	v24 =	vsel vm0, v24, v25;
	v49 =	vsel vm0, v27, v26;
	v13 =	vadd.s32 $0x80, v13  }
0x60: {  	v28 =	vld [tilespmem:s21+$0x4030];
	v50 =	vadd.s32 $0x80, v3;
	v29 =	vadd.s32 $0x80, v4;
	vm13 =	vgt.f32 v23, v24  }
0x61: {  	v31 =	vadd.s32 $0x80, v5;
	v52 =	vadd.s32 $0x40, v3;
	v23 =	vsel vm13, v23, v24  }
0x62: {  	v51 =	vld [tilespmem:s21+$0x4060];
	v53 =	vadd.s32 $0x40, v4;
	v33 =	vadd.s32 $0x40, v5;
	vm14 =	vgt.f32 v18, v23  }
0x63: {  	v30 =	vld [tilespmem:s21+$0x4070];
	v13 =	vsel vm13, v13, v49;
	vm15 =	vgt.f32 v20, v14;
	v18 =	vsel vm14, v18, v23  }
0x64: {  	v13 =	vsel vm14, v21, v13;
	vm1 =	vgt.f32 v22, v15;
	v14 =	vsel vm15, v20, v14  }
0x65: {  	v32 =	vld [tilespmem:s21+$0x40A0];
	v3 =	vsel vm15, v3, v7;
	vm2 =	vgt.f32 v28, v16;
	v15 =	vsel vm1, v22, v15  }
0x66: {  	v34 =	vld [tilespmem:s21+$0x40B0];
	vm3 =	vgt.f32 v19, v14;
	v58 =	vsel vm1, v4, v8;
	v16 =	vsel vm2, v28, v16  }
0x67: {  	vm4 =	vgt.f32 v51, v15;
	v14 =	vsel vm3, v19, v14;
	v59 =	vsel vm2, v5, v10  }
0x68: {  	v54 =	vld [tilespmem:s21+$0x40E0];
	v3 =	vsel vm3, v52, v3;
	vm5 =	vgt.f32 v30, v16;
	v15 =	vsel vm4, v51, v15  }
0x69: {  	v55 =	vld [tilespmem:s21+$0x40F0];
	vm6 =	vgt.f32 v17, v14;
	v4 =	vsel vm4, v53, v58;
	v16 =	vsel vm5, v30, v16  }
0x6a: {  	vm7 =	vgt.f32 v32, v15;
	v14 =	vsel vm6, v17, v14;
	v5 =	vsel vm5, v33, v59  }
0x6b: {  	v3 =	vsel vm6, v50, v3;
	vm8 =	vgt.f32 v34, v16;
	v15 =	vsel vm7, v32, v15  }
0x6c: {  	vm9 =	vgt.f32 v9, v14;
	v4 =	vsel vm7, v29, v4;
	v16 =	vsel vm8, v34, v16  }
0x6d: {  	vm10 =	vgt.f32 v54, v15;
	v9 =	vsel vm9, v9, v14;
	v5 =	vsel vm8, v31, v5  }
0x6e: {  	v3 =	vsel vm9, v6, v3;
	vm11 =	vgt.f32 v55, v16;
	v56 =	vsel vm10, v54, v15  }
0x6f: {  	v4 =	vsel vm10, v11, v4;
	vm6 =	vgt.f32 v9, v18;
	vm7 =	veq.f32 v9, v18  }
0x70: {  	vm8 =	vlt.s32 v3, v13;
	v57 =	vsel vm11, v55, v16;
	v5 =	vsel vm11, v12, v5  }
0x71: {  	vm1 =	vmand vm7, vm8;
	vm9 =	veq.f32 v57, v56;
	vm10 =	vlt.s32 v5, v4  }
0x72: {  	vm0 =	vmor vm6, vm1;
	vm11 =	vgt.f32 v57, v56;
	vm2 =	vmand vm9, vm10  }
0x73: {  	v60 =	vsel vm0, v9, v18;
	vm1 =	vmor vm11, vm2  }
0x74: {  	v3 =	vsel vm0, v3, v13;
	v61 =	vsel vm1, v57, v56;
	v4 =	vsel vm1, v5, v4  }
0x75: {  	vm12 =	veq.f32 v61, v60;
	vm1 =	vlt.s32 v4, v3  }
0x76: {  	vm13 =	vgt.f32 v61, v60;
	vm0 =	vmand vm12, vm1  }
0x77: {  	vm0 =	vmor vm13, vm0  }
0x78: {  	v62 =	vsel vm0, v61, v60  }
0x79: {  	(xrf0) =	vmax.scan.msk.f32 $0xffff, v62;
	_ =	sdelay $0x5  }
0x7a: {  	v63, _, _ =	vpop (xrf0)  }
0x7b: {  	v6 =	vbroadcast v63, $0xF  }
0x7c: {  	v3 =	vsel vm0, v4, v3  }
0x7d: {  	v3 =	vxor.u32 $0x80000000, v3;
	vm14 =	veq.f32 v62, v6  }
0x7e: {  	v3 =	vnsel vm14, $0xFFFFFFFF, v3  }
0x7f: {  	(xrf0) =	vmin.scan.msk.u32 $0xffff, v3;
	_ =	sdelay $0x5  }
0x80: {  	v3, _, _ =	vpop (xrf0)  }
0x81: {  	(v2sf) =	vpush v3, $0xF;
	_ =	sdelay $0xb  }
0x82: {  	s19 =	sor.u32 @!p0 s19, s20;
	s20 =	simm.s32 @!p0 $0x80;
	s21 =	simm.s32 @!p0 $0x400  }
.Ltmp2:
0x83: {  	s22 =	simm.s32 @!p0 $0x4000;
	s19 =	sadd.s32 @!p0 s19, s5;
	(pc) =	sbr.rel @p1 .LBB2_2-.Ltmp2, $4  }
0x84: {  	[tilespmem:s22], [sflag:$0x2] =	stream.strided.gather @!p0 [hbm4b:s19+s20], $0x4000, s21, s20, $0x38;
	[tilespmem:$0x8080] =	vst v63  }
0x85: {  	v3 =	vmov s18;
	s30 =	spop (v2sf)  }
0x86: {  	vm15 =	veq.s32 v3, v0;
	s31 =	sxor.u32 $0x80000000, s30  }
0x87: {  	p2 =	por $0x0, $0x0;
	p0 =	por $0x1, $0x1;
	s18 =	simm.s32 $0x1;
	v1 =	vsel vm15, s31, v1  }
0x88: {  	s17 =	sadd.s32 $0x1, s17  }
0x89: {  	p0 =	sne.s32 s17, s9  }
.Ltmp3:
0x8a: {  	[tilespmem:$0x8000] =	vst v1;
	(pc) =	sbr.rel @p0 .LBB2_1-.Ltmp3, $4  }
0x8b: {  	[hbm4b:s8+s3] =	stream.linear.scatter [tilespmem:s15], [sflag:$0x3], $0x80, $0x38;
	[tilespmem:$0x8080] =	vst v63  }
0x8c: {  	_ =	swait.ge [sflag:s16], $0x80  }
0x8d: {  	[sflag:s16] =	ssyncset.done $0x0  }
0x8e: {  	[sflag:s16] =	ssyncadd.s32 $0xFFFFFF80  }
0x8f: {  	_ =	sfence.sel $0x180000  }
0x90: {  	[bflag:$0x0] =	sbarrier.arrive $0xFFFF  }
0x91: {  	p0 =	sne.s32 s1, $0x0;
	_ =	strace $0x90000047  }
0x92: {  	s0 =	sadd.s32 @!p0 $0x100000, s0;
	[bflag:$0x2] =	sbarrier.arrive $0xFFFF  }
0x93: {  	[sflag:s0] =	ssyncadd.tile.s32 @!p0 $0x1;
	_ =	shalt  }
.Lfunc_end2:
_tile_overlayer_lowered:
.L_overlay_start_2:
0x94: {  	(tag) =	ssettag $0x2  }
0x95: {  	s0 =	rddreg [dreg:$0x0];
	s2 =	stileid.u32  }
0x96: {  	s1 =	rddreg [dreg:$0x1];
	p0 =	sne.s32 s2, $0x0  }
0x97: {  	s3 =	rddreg [dreg:$0x2];
	[bflag:$0x3] =	sbarrier.arrive $0xFFFF;
	s2 =	simm.s32 @!p0 $0x1C03  }
0x98: {  	[timem:s3], [sflag:s2] =	dma.local @!p0 [hbm:s0], s1  }
0x99: {  	s0 =	simm.s32 @!p0 $0x3  }
0x9a: {  	_ =	swait.ge @!p0 [sflag:s0], s1  }
0x9b: {  	s1 =	ssub.s32 @!p0 $0x0, s1;
	[sflag:s0] =	ssyncset.done @!p0 $0x0  }
0x9c: {  	[sflag:s0] =	ssyncadd.s32 @!p0 s1  }
0x9d: {  	[bflag:$0x3] =	sbarrier.arrive $0xFFFF  }
0x9e: {  	_ =	shalt  }

</sc_bundles>
